<compile_context>
chip_gen: v7x
topology: tpu7x:2x2x1
jax: 0.10.2.dev20260603
libtpu: 0.0.44.dev20260713+nightly
codegen_flags: <defaults>
</compile_context>

<pallas_src>
import functools

import jax
import jax.numpy as jnp
from jax import lax
from jax.experimental import pallas as pl
from jax.experimental.pallas import tpu as pltpu
from jax.experimental.pallas import tpu_sc as plsc

_D = 128
_EB = 128
_IC = 40
_NC = 2
_TILES = 16
_NW = _NC * _TILES
_G = 128


def _make_seg_sum(n_pad, t_b):
    assert t_b % _IC == 0 and _IC % 8 == 0
    rows_t = n_pad // _TILES
    mesh = plsc.VectorSubcoreMesh(core_axis_name="c", subcore_axis_name="s",
                                  num_cores=_NC, num_subcores=_TILES)

    @functools.partial(
        pl.kernel,
        out_type=jax.ShapeDtypeStruct((_NC, n_pad, _D), jnp.float32),
        mesh=mesh,
        scratch_types=[
            pltpu.VMEM_SHARED((n_pad, _D), jnp.float32),
            pltpu.VMEM((_IC, _EB), jnp.int32),
            pltpu.VMEM((_IC, _EB), jnp.int32),
            pltpu.VMEM((2, _EB, _D), jnp.float32),
            pltpu.SemaphoreType.DMA((2,)),
            pltpu.SemaphoreType.DMA,
        ],
    )
    def seg_sum(hz_hbm, src_hbm, dst_hbm, out_hbm,
                acc, src_v, dst_v, rb, sem, sem_i):
        c = lax.axis_index("c")
        s = lax.axis_index("s")
        wid = s * _NC + c
        base = s * rows_t
        ebase = wid * t_b

        pltpu.async_copy(hz_hbm.at[pl.ds(c * n_pad + base, rows_t)],
                         acc.at[pl.ds(base, rows_t)], sem_i)

        for ci in range(t_b // _IC):
            off = ebase + ci * _IC
            pltpu.sync_copy(src_hbm.at[pl.ds(off, _IC)], src_v)
            pltpu.sync_copy(dst_hbm.at[pl.ds(off, _IC)], dst_v)
            pltpu.async_copy(hz_hbm.at[src_v.at[0]], rb.at[0], sem.at[0])
            if ci == 0:
                pltpu.make_async_copy(
                    hz_hbm.at[pl.ds(c * n_pad + base, rows_t)],
                    acc.at[pl.ds(base, rows_t)], sem_i).wait()
                plsc.subcore_barrier()

            def body(j, carry2):
                jn = jnp.minimum(j + 1, _IC - 1)
                pltpu.async_copy(hz_hbm.at[src_v.at[jn]], rb.at[(j + 1) % 2],
                                 sem.at[(j + 1) % 2])
                pltpu.make_async_copy(hz_hbm.at[src_v.at[j]], rb.at[j % 2],
                                      sem.at[j % 2]).wait()
                pltpu.sync_copy(rb.at[j % 2], acc.at[dst_v.at[j]], add=True)
                return carry2

            lax.fori_loop(0, _IC, body, 0)
            pltpu.make_async_copy(hz_hbm.at[src_v.at[_IC - 1]], rb.at[_IC % 2],
                                  sem.at[_IC % 2]).wait()

        plsc.subcore_barrier()
        pltpu.sync_copy(acc.at[pl.ds(base, rows_t)],
                        out_hbm.at[c].at[pl.ds(base, rows_t)])

    return seg_sum


def _mlp(ps, hz, w1, w2, n_pad, blk):

    def body(pa_ref, pb_ref, hz_ref, w1_ref, w2_ref, o_ref):
        del hz_ref
        z = pa_ref[0] + pb_ref[0]
        z = lax.dot_general(z, w1_ref[...], (((1,), (1,)), ((), ())),
                            preferred_element_type=jnp.float32,
                            precision=lax.Precision.DEFAULT)
        z = 1.0 / (1.0 + jnp.exp(-z))
        z = lax.dot_general(z, w2_ref[...], (((1,), (1,)), ((), ())),
                            preferred_element_type=jnp.float32,
                            precision=lax.Precision.DEFAULT)
        o_ref[...] = 1.0 / (1.0 + jnp.exp(-z))

    return pl.pallas_call(
        body,
        grid=(n_pad // blk,),
        in_specs=[
            pl.BlockSpec((1, blk, _D), lambda i: (0, i, 0)),
            pl.BlockSpec((1, blk, _D), lambda i: (1, i, 0)),
            pl.BlockSpec(memory_space=pl.ANY),
            pl.BlockSpec((_D, _D), lambda i: (0, 0)),
            pl.BlockSpec((_D, _D), lambda i: (0, 0)),
        ],
        out_specs=pl.BlockSpec((blk, _D), lambda i: (i, 0)),
        out_shape=jax.ShapeDtypeStruct((2 * n_pad, _D), jnp.float32),
        input_output_aliases={2: 0},
    )(ps, ps, hz, w1, w2)


def _mlp_pool_head(ps, batch3, w1, w2, w_pad, b3, n_pad, blk, n_cls):
    steps = n_pad // blk
    cpad = w_pad.shape[0]

    def body(pa_ref, pb_ref, b_ref, w1_ref, w2_ref, w_ref, bias_ref,
             logp_ref, xr_ref):
        i = pl.program_id(0)
        z = pa_ref[0] + pb_ref[0]
        z = lax.dot_general(z, w1_ref[...], (((1,), (1,)), ((), ())),
                            preferred_element_type=jnp.float32,
                            precision=lax.Precision.DEFAULT)
        z = 1.0 / (1.0 + jnp.exp(-z))
        z = lax.dot_general(z, w2_ref[...], (((1,), (1,)), ((), ())),
                            preferred_element_type=jnp.float32,
                            precision=lax.Precision.DEFAULT)
        h = 1.0 / (1.0 + jnp.exp(-z))

        bb = b_ref[0, 0, :]
        oh = (bb[:, None] == lax.broadcasted_iota(jnp.int32, (blk, _G), 1)
              ).astype(jnp.float32)
        contrib = lax.dot_general(oh, h, (((0,), (0,)), ((), ())),
                                  preferred_element_type=jnp.float32,
                                  precision=lax.Precision.HIGHEST)

        @pl.when(i == 0)
        def _():
            xr_ref[...] = contrib

        @pl.when(i > 0)
        def _():
            xr_ref[...] = xr_ref[...] + contrib

        @pl.when(i == steps - 1)
        def _():
            xr = xr_ref[...]
            logits = lax.dot_general(xr, w_ref[...], (((1,), (1,)), ((), ())),
                                     preferred_element_type=jnp.float32,
                                     precision=lax.Precision.HIGHEST)
            logits = logits + bias_ref[0, 0, :][None, :]
            m = jnp.max(logits, axis=1, keepdims=True)
            ex = jnp.exp(logits - m)
            lse = jnp.log(jnp.sum(ex, axis=1, keepdims=True))
            lp = logits - m - lse
            logp_ref[...] = lp[:, :n_cls]

    return pl.pallas_call(
        body,
        grid=(steps,),
        in_specs=[
            pl.BlockSpec((1, blk, _D), lambda i: (0, i, 0)),
            pl.BlockSpec((1, blk, _D), lambda i: (1, i, 0)),
            pl.BlockSpec((1, 1, blk), lambda i: (i, 0, 0)),
            pl.BlockSpec((_D, _D), lambda i: (0, 0)),
            pl.BlockSpec((_D, _D), lambda i: (0, 0)),
            pl.BlockSpec((cpad, _D), lambda i: (0, 0)),
            pl.BlockSpec((1, 1, cpad), lambda i: (0, 0, 0)),
        ],
        out_specs=[
            pl.BlockSpec((_G, n_cls), lambda i: (0, 0)),
            pl.BlockSpec((_G, _D), lambda i: (0, 0)),
        ],
        out_shape=(
            jax.ShapeDtypeStruct((_G, n_cls), jnp.float32),
            jax.ShapeDtypeStruct((_G, _D), jnp.float32),
        ),
    )(ps, ps, batch3, w1, w2, w_pad, b3)


def kernel(x, edge_index, batch, conv_w, fc1_w, fc1_b):
    n, d = x.shape
    e = edge_index.shape[1]
    n_layers = conv_w.shape[0] // 2
    n_cls = fc1_w.shape[0]
    assert d == _D

    n_pad = -(-n // 128) * 128
    blk = n_pad // 4
    t_b = -(-e // (_NW * _EB))
    t_b = -(-t_b // _IC) * _IC
    e_pad = _NW * _EB * t_b

    src = edge_index[0]
    dst = edge_index[1]
    pad_n = e_pad - e
    fill = jnp.arange(pad_n, dtype=jnp.int32)
    src_p = jnp.concatenate([src, fill % n]).reshape(e_pad // _EB, _EB)
    dst_p = jnp.concatenate([dst, n + fill % (n_pad - n)]).reshape(
        e_pad // _EB, _EB)

    hz = jnp.pad(x, ((0, 2 * n_pad - n), (0, 0)))
    batch3 = jnp.concatenate(
        [batch, jnp.full((n_pad - n,), _G, jnp.int32)]).reshape(
        n_pad // blk, 1, blk)

    cpad = 16
    w_pad = jnp.pad(fc1_w, ((0, cpad - n_cls), (0, 0)))
    b3 = jnp.pad(fc1_b, (0, cpad - n_cls),
                 constant_values=-1e30).reshape(1, 1, cpad)

    seg_sum = _make_seg_sum(n_pad, t_b)
    for i in range(n_layers - 1):
        ps = seg_sum(hz, src_p, dst_p)
        hz = _mlp(ps, hz, conv_w[2 * i], conv_w[2 * i + 1], n_pad, blk)

    ps = seg_sum(hz, src_p, dst_p)
    logp, xr = _mlp_pool_head(ps, batch3, conv_w[2 * n_layers - 2],
                              conv_w[2 * n_layers - 1], w_pad, b3,
                              n_pad, blk, n_cls)
    return logp, xr

# --- scband reference (transcript-rebuilt; emitter-appended) ---
"""Pipeline reference for scband-gin-81784767250528 (READ-ONLY COPY).

The authoritative reference and input builder live on the scoring server;
editing this copy changes nothing except your own understanding.
"""

import jax, jax.numpy as jnp
import numpy as np

N, E, D, C, G, L = 10000, 320000, 128, 10, 128, 4

def setup_inputs(seed: int = 0) -> dict:
    key = jax.random.key(seed)
    ks = jax.random.split(key, 8)
    x = jax.random.normal(ks[0], (N, D), dtype=jnp.float32)
    edge_index = jax.random.randint(ks[1], (2, E), 0, N, dtype=jnp.int32)
    batch = jnp.sort(jax.random.randint(ks[2], (N,), 0, G, dtype=jnp.int32))
    # 4 GINConv layers, each with an MLP of two bias-free Linear(D, D) layers
    # (plain_last=False -> sigmoid activation after BOTH layers). Stacked [2*L, D, D].
    conv_w = jax.random.normal(ks[3], (2 * L, D, D), dtype=jnp.float32) * (1.0 / np.sqrt(D))
    fc1_w = jax.random.normal(ks[4], (C, D), dtype=jnp.float32) * (1.0 / np.sqrt(D))
    fc1_b = jnp.zeros((C,), dtype=jnp.float32)
    return {"x": x, "edge_index": edge_index, "batch": batch,
            "conv_w": conv_w, "fc1_w": fc1_w, "fc1_b": fc1_b}

def reference(x, edge_index, batch, conv_w, fc1_w, fc1_b):
    src = edge_index[0]
    dst = edge_index[1]
    h = x
    for i in range(L):
        # GINConv with eps=0 (default, train_eps=False): h' = MLP(h + sum_{j->i} h_j)
        agg = jax.ops.segment_sum(h[src], dst, num_segments=N)
        h = h + agg
        h = jax.nn.sigmoid(h @ conv_w[2 * i].T)
        h = jax.nn.sigmoid(h @ conv_w[2 * i + 1].T)
    # global_add_pool over graph ids
    xr = jax.ops.segment_sum(h, batch, num_segments=G)
    logits = xr @ fc1_w.T + fc1_b
    # dropout p=0.5 is identity in eval mode
    return (jax.nn.log_softmax(logits, axis=1), xr)

if __name__ == "__main__":
    import jax
    _d = setup_inputs()
    print(jax.jit(kernel)(*tuple(_d.values())))

</pallas_src>

<mosaic_0001>
#map = affine_map<(d0, d1) -> (0, 0)>
#map1 = affine_map<(d0, d1) -> (0, 0, 0)>
module attributes {stable_mosaic.version = 14 : i64} {
  func.func @seg_sum(%arg0: i32, %arg1: i32, %arg2: memref<20224x128xf32, #tpu.memory_space<hbm>>, %arg3: memref<2560x128xi32, #tpu.memory_space<hbm>>, %arg4: memref<2560x128xi32, #tpu.memory_space<hbm>>, %arg5: memref<2x10112x128xf32, #tpu.memory_space<hbm>>, %arg6: memref<10112x128xf32, #tpu.memory_space<vmem_shared>>, %arg7: memref<40x128xi32, #tpu.memory_space<vmem>>, %arg8: memref<40x128xi32, #tpu.memory_space<vmem>>, %arg9: memref<2x128x128xf32, #tpu.memory_space<vmem>>, %arg10: memref<2x!tpu.dma_semaphore, #tpu.memory_space<semaphore_mem>>, %arg11: memref<!tpu.dma_semaphore, #tpu.memory_space<semaphore_mem>>) attributes {dimension_semantics = [#tpu.dimension_semantics<core_parallel>, #tpu.dimension_semantics<subcore_parallel>], iteration_bounds = array<i64: 2, 16>, scalar_prefetch = 0 : i64, scratch_operands = 6 : i64, tpu.core_type = #tpu.core_type<sc_vector_subcore>, window_params = [{transform_indices = #map}, {transform_indices = #map}, {transform_indices = #map}, {transform_indices = #map1}]} {
    %mul3A = arith.constant 2 : i32
    %mul3A_0 = arith.muli %arg1, %mul3A : i32
    %add3A = arith.addi %mul3A_0, %arg0 : i32
    %mul3A_1 = arith.constant 632 : i32
    %mul3A_2 = arith.muli %arg1, %mul3A_1 : i32
    %mul3A_3 = arith.constant 80 : i32
    %mul3A_4 = arith.muli %add3A, %mul3A_3 : i32
    %mul3A_5 = arith.constant 10112 : i32
    %mul3A_6 = arith.muli %arg0, %mul3A_5 : i32
    %add3A_7 = arith.addi %mul3A_6, %mul3A_2 : i32
    %dma_start3A = arith.constant 0 : i32
    %dma_start3A_8 = tpu.memref_slice %arg6[%mul3A_2, %dma_start3A] : memref<10112x128xf32, #tpu.memory_space<vmem_shared>> -> memref<632x128xf32, #tpu.memory_space<vmem_shared>>
    %dma_start3A_9 = arith.constant 0 : i32
    %dma_start3A_10 = tpu.memref_slice %arg2[%add3A_7, %dma_start3A_9] : memref<20224x128xf32, #tpu.memory_space<hbm>> -> memref<632x128xf32, #tpu.memory_space<hbm>>
    tpu.enqueue_dma source(%dma_start3A_10 : memref<632x128xf32, #tpu.memory_space<hbm>>) target(%dma_start3A_8 : memref<632x128xf32, #tpu.memory_space<vmem_shared>>) target_semaphore(%arg11 : memref<!tpu.dma_semaphore, #tpu.memory_space<semaphore_mem>>)
    %add3A_11 = arith.constant 0 : i32
    %add3A_12 = arith.addi %mul3A_4, %add3A_11 : i32
    "tpu.region"() ({
      %run_scoped3A = tpu.sem_alloc : memref<!tpu.dma_semaphore, #tpu.memory_space<semaphore_mem>>
      %dma_start3A_93 = arith.constant 0 : i32
      %dma_start3A_94 = tpu.memref_slice %arg3[%add3A_12, %dma_start3A_93] : memref<2560x128xi32, #tpu.memory_space<hbm>> -> memref<40x128xi32, #tpu.memory_space<hbm>>
      %dma_start3A_95 = arith.constant 0 : i32
      %dma_start3A_96 = tpu.memref_slice %arg3[%add3A_12, %dma_start3A_95] : memref<2560x128xi32, #tpu.memory_space<hbm>> -> memref<40x128xi32, #tpu.memory_space<hbm>>
      tpu.enqueue_dma source(%dma_start3A_96 : memref<40x128xi32, #tpu.memory_space<hbm>>) target(%arg7 : memref<40x128xi32, #tpu.memory_space<vmem>>) target_semaphore(%run_scoped3A : memref<!tpu.dma_semaphore, #tpu.memory_space<semaphore_mem>>)
      %dma_wait3A_97 = arith.constant 0 : i32
      %dma_wait3A_98 = tpu.memref_slice %arg3[%add3A_12, %dma_wait3A_97] : memref<2560x128xi32, #tpu.memory_space<hbm>> -> memref<40x128xi32, #tpu.memory_space<hbm>>
      %dma_wait3A_99 = arith.constant 0 : i32
      %dma_wait3A_100 = tpu.memref_slice %arg3[%add3A_12, %dma_wait3A_99] : memref<2560x128xi32, #tpu.memory_space<hbm>> -> memref<40x128xi32, #tpu.memory_space<hbm>>
      tpu.wait_dma2 semaphore(%run_scoped3A : memref<!tpu.dma_semaphore, #tpu.memory_space<semaphore_mem>>) src(%dma_wait3A_100 : memref<40x128xi32, #tpu.memory_space<hbm>>) dst(%arg7 : memref<40x128xi32, #tpu.memory_space<vmem>>)
      tpu.yield
    }) : () -> ()
    "tpu.region"() ({
      %run_scoped3A = tpu.sem_alloc : memref<!tpu.dma_semaphore, #tpu.memory_space<semaphore_mem>>
      %dma_start3A_93 = arith.constant 0 : i32
      %dma_start3A_94 = tpu.memref_slice %arg4[%add3A_12, %dma_start3A_93] : memref<2560x128xi32, #tpu.memory_space<hbm>> -> memref<40x128xi32, #tpu.memory_space<hbm>>
      %dma_start3A_95 = arith.constant 0 : i32
      %dma_start3A_96 = tpu.memref_slice %arg4[%add3A_12, %dma_start3A_95] : memref<2560x128xi32, #tpu.memory_space<hbm>> -> memref<40x128xi32, #tpu.memory_space<hbm>>
      tpu.enqueue_dma source(%dma_start3A_96 : memref<40x128xi32, #tpu.memory_space<hbm>>) target(%arg8 : memref<40x128xi32, #tpu.memory_space<vmem>>) target_semaphore(%run_scoped3A : memref<!tpu.dma_semaphore, #tpu.memory_space<semaphore_mem>>)
      %dma_wait3A_97 = arith.constant 0 : i32
      %dma_wait3A_98 = tpu.memref_slice %arg4[%add3A_12, %dma_wait3A_97] : memref<2560x128xi32, #tpu.memory_space<hbm>> -> memref<40x128xi32, #tpu.memory_space<hbm>>
      %dma_wait3A_99 = arith.constant 0 : i32
      %dma_wait3A_100 = tpu.memref_slice %arg4[%add3A_12, %dma_wait3A_99] : memref<2560x128xi32, #tpu.memory_space<hbm>> -> memref<40x128xi32, #tpu.memory_space<hbm>>
      tpu.wait_dma2 semaphore(%run_scoped3A : memref<!tpu.dma_semaphore, #tpu.memory_space<semaphore_mem>>) src(%dma_wait3A_100 : memref<40x128xi32, #tpu.memory_space<hbm>>) dst(%arg8 : memref<40x128xi32, #tpu.memory_space<vmem>>)
      tpu.yield
    }) : () -> ()
    %dma_start3A_13 = arith.constant 0 : i32
    %dma_start3A_14 = arith.constant 0 : i32
    %dma_start3A_15 = arith.constant 0 : i32
    %dma_start3A_16 = arith.constant 0 : i32
    %dma_start3A_17 = arith.constant 0 : i32
    %dma_start3A_18 = tpu.memref_slice %arg9[%dma_start3A_14, %dma_start3A_16, %dma_start3A_17] : memref<2x128x128xf32, #tpu.memory_space<vmem>> -> memref<1x128x128xf32, #tpu.memory_space<vmem>>
    %dma_start3A_19 = tpu.memref_squeeze %dma_start3A_18 : memref<1x128x128xf32, #tpu.memory_space<vmem>> -> memref<128x128xf32, #tpu.memory_space<vmem>>
    %dma_start3A_20 = arith.constant 0 : i32
    %dma_start3A_21 = tpu.memref_slice %arg7[%dma_start3A_13, %dma_start3A_20] : memref<40x128xi32, #tpu.memory_space<vmem>> -> memref<1x128xi32, #tpu.memory_space<vmem>>
    %dma_start3A_22 = tpu.memref_squeeze %dma_start3A_21 : memref<1x128xi32, #tpu.memory_space<vmem>> -> memref<128xi32, #tpu.memory_space<vmem>>
    %dma_start3A_23 = arith.constant 0 : i32
    %dma_start3A_24 = arith.constant 0 : i32
    %dma_start3A_25 = tpu.memref_slice %arg2[%dma_start3A_23, %dma_start3A_24] : memref<20224x128xf32, #tpu.memory_space<hbm>> -> memref<20224x128xf32, #tpu.memory_space<hbm>>
    %dma_start3A_26 = tpu.memref_slice %arg10[%dma_start3A_15] : memref<2x!tpu.dma_semaphore, #tpu.memory_space<semaphore_mem>> -> memref<1x!tpu.dma_semaphore, #tpu.memory_space<semaphore_mem>>
    %dma_start3A_27 = tpu.memref_squeeze %dma_start3A_26 : memref<1x!tpu.dma_semaphore, #tpu.memory_space<semaphore_mem>> -> memref<!tpu.dma_semaphore, #tpu.memory_space<semaphore_mem>>
    tpu.enqueue_indirect_dma source(%dma_start3A_25 : memref<20224x128xf32, #tpu.memory_space<hbm>>) target(%dma_start3A_19 : memref<128x128xf32, #tpu.memory_space<vmem>>) offsets(%dma_start3A_22 : memref<128xi32, #tpu.memory_space<vmem>>) semaphore(%dma_start3A_27 : memref<!tpu.dma_semaphore, #tpu.memory_space<semaphore_mem>>)
    %mul3A_28 = arith.constant 10112 : i32
    %mul3A_29 = arith.muli %arg0, %mul3A_28 : i32
    %add3A_30 = arith.addi %mul3A_29, %mul3A_2 : i32
    %dma_wait3A = arith.constant 0 : i32
    %dma_wait3A_31 = tpu.memref_slice %arg6[%mul3A_2, %dma_wait3A] : memref<10112x128xf32, #tpu.memory_space<vmem_shared>> -> memref<632x128xf32, #tpu.memory_space<vmem_shared>>
    %dma_wait3A_32 = arith.constant 0 : i32
    %dma_wait3A_33 = tpu.memref_slice %arg2[%add3A_30, %dma_wait3A_32] : memref<20224x128xf32, #tpu.memory_space<hbm>> -> memref<632x128xf32, #tpu.memory_space<hbm>>
    tpu.wait_dma2 semaphore(%arg11 : memref<!tpu.dma_semaphore, #tpu.memory_space<semaphore_mem>>) src(%dma_wait3A_33 : memref<632x128xf32, #tpu.memory_space<hbm>>) dst(%dma_wait3A_31 : memref<632x128xf32, #tpu.memory_space<vmem_shared>>)
    %barrier3A = arith.constant 0 : index
    tpu.barrier barrier_id(%barrier3A)
    %scan3A = arith.constant 0 : i32
    %scan3A_34 = arith.constant 0 : i32
    %scan3A_35 = arith.constant 40 : i32
    %scan3A_36 = arith.addi %scan3A_34, %scan3A_35 : i32
    %scan3A_37 = arith.constant 1 : i32
    scf.for %scan3A_93 = %scan3A_34 to %scan3A_36 step %scan3A_37  : i32 {
      %add3A_94 = arith.constant 1 : i32
      %add3A_95 = arith.addi %scan3A_93, %add3A_94 : i32
      %min3A = arith.constant 39 : i32
      %min3A_96 = arith.minsi %add3A_95, %min3A : i32
      %add3A_97 = arith.constant 1 : i32
      %add3A_98 = arith.addi %scan3A_93, %add3A_97 : i32
      %jit3A = arith.constant 2 : i32
      %eq3A = arith.constant 0 : i32
      %eq3A_99 = arith.cmpi eq, %jit3A, %eq3A : i32
      %jit3A_100 = arith.constant 1 : i32
      %select_n3A = arith.select %eq3A_99, %jit3A_100, %jit3A : i32
      %rem3A = arith.remsi %add3A_98, %select_n3A : i32
      %ne3A = arith.constant 0 : i32
      %ne3A_101 = arith.cmpi ne, %rem3A, %ne3A : i32
      %lt3A = arith.constant 0 : i32
      %lt3A_102 = arith.cmpi slt, %rem3A, %lt3A : i32
      %lt3A_103 = arith.constant 0 : i32
      %lt3A_104 = arith.cmpi slt, %select_n3A, %lt3A_103 : i32
      %ne3A_105 = arith.xori %lt3A_102, %lt3A_104 : i1
      %and3A = arith.andi %ne3A_105, %ne3A_101 : i1
      %add3A_106 = arith.addi %rem3A, %select_n3A : i32
      %select_n3A_107 = arith.select %and3A, %add3A_106, %rem3A : i32
      %add3A_108 = arith.constant 1 : i32
      %add3A_109 = arith.addi %scan3A_93, %add3A_108 : i32
      %jit3A_110 = arith.constant 2 : i32
      %eq3A_111 = arith.constant 0 : i32
      %eq3A_112 = arith.cmpi eq, %jit3A_110, %eq3A_111 : i32
      %jit3A_113 = arith.constant 1 : i32
      %select_n3A_114 = arith.select %eq3A_112, %jit3A_113, %jit3A_110 : i32
      %rem3A_115 = arith.remsi %add3A_109, %select_n3A_114 : i32
      %ne3A_116 = arith.constant 0 : i32
      %ne3A_117 = arith.cmpi ne, %rem3A_115, %ne3A_116 : i32
      %lt3A_118 = arith.constant 0 : i32
      %lt3A_119 = arith.cmpi slt, %rem3A_115, %lt3A_118 : i32
      %lt3A_120 = arith.constant 0 : i32
      %lt3A_121 = arith.cmpi slt, %select_n3A_114, %lt3A_120 : i32
      %ne3A_122 = arith.xori %lt3A_119, %lt3A_121 : i1
      %and3A_123 = arith.andi %ne3A_122, %ne3A_117 : i1
      %add3A_124 = arith.addi %rem3A_115, %select_n3A_114 : i32
      %select_n3A_125 = arith.select %and3A_123, %add3A_124, %rem3A_115 : i32
      %dma_start3A_126 = arith.constant 0 : i32
      %dma_start3A_127 = arith.constant 0 : i32
      %dma_start3A_128 = tpu.memref_slice %arg9[%select_n3A_107, %dma_start3A_126, %dma_start3A_127] : memref<2x128x128xf32, #tpu.memory_space<vmem>> -> memref<1x128x128xf32, #tpu.memory_space<vmem>>
      %dma_start3A_129 = tpu.memref_squeeze %dma_start3A_128 : memref<1x128x128xf32, #tpu.memory_space<vmem>> -> memref<128x128xf32, #tpu.memory_space<vmem>>
      %dma_start3A_130 = arith.constant 0 : i32
      %dma_start3A_131 = tpu.memref_slice %arg7[%min3A_96, %dma_start3A_130] : memref<40x128xi32, #tpu.memory_space<vmem>> -> memref<1x128xi32, #tpu.memory_space<vmem>>
      %dma_start3A_132 = tpu.memref_squeeze %dma_start3A_131 : memref<1x128xi32, #tpu.memory_space<vmem>> -> memref<128xi32, #tpu.memory_space<vmem>>
      %dma_start3A_133 = arith.constant 0 : i32
      %dma_start3A_134 = arith.constant 0 : i32
      %dma_start3A_135 = tpu.memref_slice %arg2[%dma_start3A_133, %dma_start3A_134] : memref<20224x128xf32, #tpu.memory_space<hbm>> -> memref<20224x128xf32, #tpu.memory_space<hbm>>
      %dma_start3A_136 = tpu.memref_slice %arg10[%select_n3A_125] : memref<2x!tpu.dma_semaphore, #tpu.memory_space<semaphore_mem>> -> memref<1x!tpu.dma_semaphore, #tpu.memory_space<semaphore_mem>>
      %dma_start3A_137 = tpu.memref_squeeze %dma_start3A_136 : memref<1x!tpu.dma_semaphore, #tpu.memory_space<semaphore_mem>> -> memref<!tpu.dma_semaphore, #tpu.memory_space<semaphore_mem>>
      tpu.enqueue_indirect_dma source(%dma_start3A_135 : memref<20224x128xf32, #tpu.memory_space<hbm>>) target(%dma_start3A_129 : memref<128x128xf32, #tpu.memory_space<vmem>>) offsets(%dma_start3A_132 : memref<128xi32, #tpu.memory_space<vmem>>) semaphore(%dma_start3A_137 : memref<!tpu.dma_semaphore, #tpu.memory_space<semaphore_mem>>)
      %jit3A_138 = arith.constant 2 : i32
      %eq3A_139 = arith.constant 0 : i32
      %eq3A_140 = arith.cmpi eq, %jit3A_138, %eq3A_139 : i32
      %jit3A_141 = arith.constant 1 : i32
      %select_n3A_142 = arith.select %eq3A_140, %jit3A_141, %jit3A_138 : i32
      %rem3A_143 = arith.remsi %scan3A_93, %select_n3A_142 : i32
      %ne3A_144 = arith.constant 0 : i32
      %ne3A_145 = arith.cmpi ne, %rem3A_143, %ne3A_144 : i32
      %lt3A_146 = arith.constant 0 : i32
      %lt3A_147 = arith.cmpi slt, %rem3A_143, %lt3A_146 : i32
      %lt3A_148 = arith.constant 0 : i32
      %lt3A_149 = arith.cmpi slt, %select_n3A_142, %lt3A_148 : i32
      %ne3A_150 = arith.xori %lt3A_147, %lt3A_149 : i1
      %and3A_151 = arith.andi %ne3A_150, %ne3A_145 : i1
      %add3A_152 = arith.addi %rem3A_143, %select_n3A_142 : i32
      %select_n3A_153 = arith.select %and3A_151, %add3A_152, %rem3A_143 : i32
      %jit3A_154 = arith.constant 2 : i32
      %eq3A_155 = arith.constant 0 : i32
      %eq3A_156 = arith.cmpi eq, %jit3A_154, %eq3A_155 : i32
      %jit3A_157 = arith.constant 1 : i32
      %select_n3A_158 = arith.select %eq3A_156, %jit3A_157, %jit3A_154 : i32
      %rem3A_159 = arith.remsi %scan3A_93, %select_n3A_158 : i32
      %ne3A_160 = arith.constant 0 : i32
      %ne3A_161 = arith.cmpi ne, %rem3A_159, %ne3A_160 : i32
      %lt3A_162 = arith.constant 0 : i32
      %lt3A_163 = arith.cmpi slt, %rem3A_159, %lt3A_162 : i32
      %lt3A_164 = arith.constant 0 : i32
      %lt3A_165 = arith.cmpi slt, %select_n3A_158, %lt3A_164 : i32
      %ne3A_166 = arith.xori %lt3A_163, %lt3A_165 : i1
      %and3A_167 = arith.andi %ne3A_166, %ne3A_161 : i1
      %add3A_168 = arith.addi %rem3A_159, %select_n3A_158 : i32
      %select_n3A_169 = arith.select %and3A_167, %add3A_168, %rem3A_159 : i32
      %dma_wait3A_170 = arith.constant 0 : i32
      %dma_wait3A_171 = arith.constant 0 : i32
      %dma_wait3A_172 = tpu.memref_slice %arg9[%select_n3A_153, %dma_wait3A_170, %dma_wait3A_171] : memref<2x128x128xf32, #tpu.memory_space<vmem>> -> memref<1x128x128xf32, #tpu.memory_space<vmem>>
      %dma_wait3A_173 = tpu.memref_squeeze %dma_wait3A_172 : memref<1x128x128xf32, #tpu.memory_space<vmem>> -> memref<128x128xf32, #tpu.memory_space<vmem>>
      %dma_wait3A_174 = arith.constant 0 : i32
      %dma_wait3A_175 = tpu.memref_slice %arg7[%scan3A_93, %dma_wait3A_174] : memref<40x128xi32, #tpu.memory_space<vmem>> -> memref<1x128xi32, #tpu.memory_space<vmem>>
      %dma_wait3A_176 = tpu.memref_squeeze %dma_wait3A_175 : memref<1x128xi32, #tpu.memory_space<vmem>> -> memref<128xi32, #tpu.memory_space<vmem>>
      %dma_wait3A_177 = arith.constant 0 : i32
      %dma_wait3A_178 = arith.constant 0 : i32
      %dma_wait3A_179 = tpu.memref_slice %arg2[%dma_wait3A_177, %dma_wait3A_178] : memref<20224x128xf32, #tpu.memory_space<hbm>> -> memref<20224x128xf32, #tpu.memory_space<hbm>>
      %dma_wait3A_180 = tpu.memref_slice %arg10[%select_n3A_169] : memref<2x!tpu.dma_semaphore, #tpu.memory_space<semaphore_mem>> -> memref<1x!tpu.dma_semaphore, #tpu.memory_space<semaphore_mem>>
      %dma_wait3A_181 = tpu.memref_squeeze %dma_wait3A_180 : memref<1x!tpu.dma_semaphore, #tpu.memory_space<semaphore_mem>> -> memref<!tpu.dma_semaphore, #tpu.memory_space<semaphore_mem>>
      tpu.wait_indirect_dma semaphore(%dma_wait3A_181 : memref<!tpu.dma_semaphore, #tpu.memory_space<semaphore_mem>>) src(%dma_wait3A_179 : memref<20224x128xf32, #tpu.memory_space<hbm>>) dst(%dma_wait3A_173 : memref<128x128xf32, #tpu.memory_space<vmem>>)
      %jit3A_182 = arith.constant 2 : i32
      %eq3A_183 = arith.constant 0 : i32
      %eq3A_184 = arith.cmpi eq, %jit3A_182, %eq3A_183 : i32
      %jit3A_185 = arith.constant 1 : i32
      %select_n3A_186 = arith.select %eq3A_184, %jit3A_185, %jit3A_182 : i32
      %rem3A_187 = arith.remsi %scan3A_93, %select_n3A_186 : i32
      %ne3A_188 = arith.constant 0 : i32
      %ne3A_189 = arith.cmpi ne, %rem3A_187, %ne3A_188 : i32
      %lt3A_190 = arith.constant 0 : i32
      %lt3A_191 = arith.cmpi slt, %rem3A_187, %lt3A_190 : i32
      %lt3A_192 = arith.constant 0 : i32
      %lt3A_193 = arith.cmpi slt, %select_n3A_186, %lt3A_192 : i32
      %ne3A_194 = arith.xori %lt3A_191, %lt3A_193 : i1
      %and3A_195 = arith.andi %ne3A_194, %ne3A_189 : i1
      %add3A_196 = arith.addi %rem3A_187, %select_n3A_186 : i32
      %select_n3A_197 = arith.select %and3A_195, %add3A_196, %rem3A_187 : i32
      "tpu.region"() ({
        %run_scoped3A = tpu.sem_alloc : memref<!tpu.dma_semaphore, #tpu.memory_space<semaphore_mem>>
        %dma_start3A_198 = arith.constant 0 : i32
        %dma_start3A_199 = arith.constant 0 : i32
        %dma_start3A_200 = tpu.memref_slice %arg9[%select_n3A_197, %dma_start3A_198, %dma_start3A_199] : memref<2x128x128xf32, #tpu.memory_space<vmem>> -> memref<1x128x128xf32, #tpu.memory_space<vmem>>
        %dma_start3A_201 = tpu.memref_squeeze %dma_start3A_200 : memref<1x128x128xf32, #tpu.memory_space<vmem>> -> memref<128x128xf32, #tpu.memory_space<vmem>>
        %dma_start3A_202 = arith.constant 0 : i32
        %dma_start3A_203 = tpu.memref_slice %arg8[%scan3A_93, %dma_start3A_202] : memref<40x128xi32, #tpu.memory_space<vmem>> -> memref<1x128xi32, #tpu.memory_space<vmem>>
        %dma_start3A_204 = tpu.memref_squeeze %dma_start3A_203 : memref<1x128xi32, #tpu.memory_space<vmem>> -> memref<128xi32, #tpu.memory_space<vmem>>
        %dma_start3A_205 = arith.constant 0 : i32
        %dma_start3A_206 = arith.constant 0 : i32
        %dma_start3A_207 = tpu.memref_slice %arg6[%dma_start3A_205, %dma_start3A_206] : memref<10112x128xf32, #tpu.memory_space<vmem_shared>> -> memref<10112x128xf32, #tpu.memory_space<vmem_shared>>
        tpu.enqueue_indirect_dma source(%dma_start3A_201 : memref<128x128xf32, #tpu.memory_space<vmem>>) target(%dma_start3A_207 : memref<10112x128xf32, #tpu.memory_space<vmem_shared>>) offsets(%dma_start3A_204 : memref<128xi32, #tpu.memory_space<vmem>>) semaphore(%run_scoped3A : memref<!tpu.dma_semaphore, #tpu.memory_space<semaphore_mem>>) {add = true}
        %dma_wait3A_208 = arith.constant 0 : i32
        %dma_wait3A_209 = arith.constant 0 : i32
        %dma_wait3A_210 = tpu.memref_slice %arg9[%select_n3A_197, %dma_wait3A_208, %dma_wait3A_209] : memref<2x128x128xf32, #tpu.memory_space<vmem>> -> memref<1x128x128xf32, #tpu.memory_space<vmem>>
        %dma_wait3A_211 = tpu.memref_squeeze %dma_wait3A_210 : memref<1x128x128xf32, #tpu.memory_space<vmem>> -> memref<128x128xf32, #tpu.memory_space<vmem>>
        %dma_wait3A_212 = arith.constant 0 : i32
        %dma_wait3A_213 = tpu.memref_slice %arg8[%scan3A_93, %dma_wait3A_212] : memref<40x128xi32, #tpu.memory_space<vmem>> -> memref<1x128xi32, #tpu.memory_space<vmem>>
        %dma_wait3A_214 = tpu.memref_squeeze %dma_wait3A_213 : memref<1x128xi32, #tpu.memory_space<vmem>> -> memref<128xi32, #tpu.memory_space<vmem>>
        %dma_wait3A_215 = arith.constant 0 : i32
        %dma_wait3A_216 = arith.constant 0 : i32
        %dma_wait3A_217 = tpu.memref_slice %arg6[%dma_wait3A_215, %dma_wait3A_216] : memref<10112x128xf32, #tpu.memory_space<vmem_shared>> -> memref<10112x128xf32, #tpu.memory_space<vmem_shared>>
        tpu.wait_indirect_dma semaphore(%run_scoped3A : memref<!tpu.dma_semaphore, #tpu.memory_space<semaphore_mem>>) src(%dma_wait3A_211 : memref<128x128xf32, #tpu.memory_space<vmem>>) dst(%dma_wait3A_217 : memref<10112x128xf32, #tpu.memory_space<vmem_shared>>)
        tpu.yield
      }) : () -> ()
    }
    %scan3A_38 = arith.constant 40 : i32
    %dma_wait3A_39 = arith.constant 39 : i32
    %dma_wait3A_40 = arith.constant 0 : i32
    %dma_wait3A_41 = arith.constant 0 : i32
    %dma_wait3A_42 = arith.constant 0 : i32
    %dma_wait3A_43 = arith.constant 0 : i32
    %dma_wait3A_44 = tpu.memref_slice %arg9[%dma_wait3A_40, %dma_wait3A_42, %dma_wait3A_43] : memref<2x128x128xf32, #tpu.memory_space<vmem>> -> memref<1x128x128xf32, #tpu.memory_space<vmem>>
    %dma_wait3A_45 = tpu.memref_squeeze %dma_wait3A_44 : memref<1x128x128xf32, #tpu.memory_space<vmem>> -> memref<128x128xf32, #tpu.memory_space<vmem>>
    %dma_wait3A_46 = arith.constant 0 : i32
    %dma_wait3A_47 = tpu.memref_slice %arg7[%dma_wait3A_39, %dma_wait3A_46] : memref<40x128xi32, #tpu.memory_space<vmem>> -> memref<1x128xi32, #tpu.memory_space<vmem>>
    %dma_wait3A_48 = tpu.memref_squeeze %dma_wait3A_47 : memref<1x128xi32, #tpu.memory_space<vmem>> -> memref<128xi32, #tpu.memory_space<vmem>>
    %dma_wait3A_49 = arith.constant 0 : i32
    %dma_wait3A_50 = arith.constant 0 : i32
    %dma_wait3A_51 = tpu.memref_slice %arg2[%dma_wait3A_49, %dma_wait3A_50] : memref<20224x128xf32, #tpu.memory_space<hbm>> -> memref<20224x128xf32, #tpu.memory_space<hbm>>
    %dma_wait3A_52 = tpu.memref_slice %arg10[%dma_wait3A_41] : memref<2x!tpu.dma_semaphore, #tpu.memory_space<semaphore_mem>> -> memref<1x!tpu.dma_semaphore, #tpu.memory_space<semaphore_mem>>
    %dma_wait3A_53 = tpu.memref_squeeze %dma_wait3A_52 : memref<1x!tpu.dma_semaphore, #tpu.memory_space<semaphore_mem>> -> memref<!tpu.dma_semaphore, #tpu.memory_space<semaphore_mem>>
    tpu.wait_indirect_dma semaphore(%dma_wait3A_53 : memref<!tpu.dma_semaphore, #tpu.memory_space<semaphore_mem>>) src(%dma_wait3A_51 : memref<20224x128xf32, #tpu.memory_space<hbm>>) dst(%dma_wait3A_45 : memref<128x128xf32, #tpu.memory_space<vmem>>)
    %add3A_54 = arith.constant 40 : i32
    %add3A_55 = arith.addi %mul3A_4, %add3A_54 : i32
    "tpu.region"() ({
      %run_scoped3A = tpu.sem_alloc : memref<!tpu.dma_semaphore, #tpu.memory_space<semaphore_mem>>
      %dma_start3A_93 = arith.constant 0 : i32
      %dma_start3A_94 = tpu.memref_slice %arg3[%add3A_55, %dma_start3A_93] : memref<2560x128xi32, #tpu.memory_space<hbm>> -> memref<40x128xi32, #tpu.memory_space<hbm>>
      %dma_start3A_95 = arith.constant 0 : i32
      %dma_start3A_96 = tpu.memref_slice %arg3[%add3A_55, %dma_start3A_95] : memref<2560x128xi32, #tpu.memory_space<hbm>> -> memref<40x128xi32, #tpu.memory_space<hbm>>
      tpu.enqueue_dma source(%dma_start3A_96 : memref<40x128xi32, #tpu.memory_space<hbm>>) target(%arg7 : memref<40x128xi32, #tpu.memory_space<vmem>>) target_semaphore(%run_scoped3A : memref<!tpu.dma_semaphore, #tpu.memory_space<semaphore_mem>>)
      %dma_wait3A_97 = arith.constant 0 : i32
      %dma_wait3A_98 = tpu.memref_slice %arg3[%add3A_55, %dma_wait3A_97] : memref<2560x128xi32, #tpu.memory_space<hbm>> -> memref<40x128xi32, #tpu.memory_space<hbm>>
      %dma_wait3A_99 = arith.constant 0 : i32
      %dma_wait3A_100 = tpu.memref_slice %arg3[%add3A_55, %dma_wait3A_99] : memref<2560x128xi32, #tpu.memory_space<hbm>> -> memref<40x128xi32, #tpu.memory_space<hbm>>
      tpu.wait_dma2 semaphore(%run_scoped3A : memref<!tpu.dma_semaphore, #tpu.memory_space<semaphore_mem>>) src(%dma_wait3A_100 : memref<40x128xi32, #tpu.memory_space<hbm>>) dst(%arg7 : memref<40x128xi32, #tpu.memory_space<vmem>>)
      tpu.yield
    }) : () -> ()
    "tpu.region"() ({
      %run_scoped3A = tpu.sem_alloc : memref<!tpu.dma_semaphore, #tpu.memory_space<semaphore_mem>>
      %dma_start3A_93 = arith.constant 0 : i32
      %dma_start3A_94 = tpu.memref_slice %arg4[%add3A_55, %dma_start3A_93] : memref<2560x128xi32, #tpu.memory_space<hbm>> -> memref<40x128xi32, #tpu.memory_space<hbm>>
      %dma_start3A_95 = arith.constant 0 : i32
      %dma_start3A_96 = tpu.memref_slice %arg4[%add3A_55, %dma_start3A_95] : memref<2560x128xi32, #tpu.memory_space<hbm>> -> memref<40x128xi32, #tpu.memory_space<hbm>>
      tpu.enqueue_dma source(%dma_start3A_96 : memref<40x128xi32, #tpu.memory_space<hbm>>) target(%arg8 : memref<40x128xi32, #tpu.memory_space<vmem>>) target_semaphore(%run_scoped3A : memref<!tpu.dma_semaphore, #tpu.memory_space<semaphore_mem>>)
      %dma_wait3A_97 = arith.constant 0 : i32
      %dma_wait3A_98 = tpu.memref_slice %arg4[%add3A_55, %dma_wait3A_97] : memref<2560x128xi32, #tpu.memory_space<hbm>> -> memref<40x128xi32, #tpu.memory_space<hbm>>
      %dma_wait3A_99 = arith.constant 0 : i32
      %dma_wait3A_100 = tpu.memref_slice %arg4[%add3A_55, %dma_wait3A_99] : memref<2560x128xi32, #tpu.memory_space<hbm>> -> memref<40x128xi32, #tpu.memory_space<hbm>>
      tpu.wait_dma2 semaphore(%run_scoped3A : memref<!tpu.dma_semaphore, #tpu.memory_space<semaphore_mem>>) src(%dma_wait3A_100 : memref<40x128xi32, #tpu.memory_space<hbm>>) dst(%arg8 : memref<40x128xi32, #tpu.memory_space<vmem>>)
      tpu.yield
    }) : () -> ()
    %dma_start3A_56 = arith.constant 0 : i32
    %dma_start3A_57 = arith.constant 0 : i32
    %dma_start3A_58 = arith.constant 0 : i32
    %dma_start3A_59 = arith.constant 0 : i32
    %dma_start3A_60 = arith.constant 0 : i32
    %dma_start3A_61 = tpu.memref_slice %arg9[%dma_start3A_57, %dma_start3A_59, %dma_start3A_60] : memref<2x128x128xf32, #tpu.memory_space<vmem>> -> memref<1x128x128xf32, #tpu.memory_space<vmem>>
    %dma_start3A_62 = tpu.memref_squeeze %dma_start3A_61 : memref<1x128x128xf32, #tpu.memory_space<vmem>> -> memref<128x128xf32, #tpu.memory_space<vmem>>
    %dma_start3A_63 = arith.constant 0 : i32
    %dma_start3A_64 = tpu.memref_slice %arg7[%dma_start3A_56, %dma_start3A_63] : memref<40x128xi32, #tpu.memory_space<vmem>> -> memref<1x128xi32, #tpu.memory_space<vmem>>
    %dma_start3A_65 = tpu.memref_squeeze %dma_start3A_64 : memref<1x128xi32, #tpu.memory_space<vmem>> -> memref<128xi32, #tpu.memory_space<vmem>>
    %dma_start3A_66 = arith.constant 0 : i32
    %dma_start3A_67 = arith.constant 0 : i32
    %dma_start3A_68 = tpu.memref_slice %arg2[%dma_start3A_66, %dma_start3A_67] : memref<20224x128xf32, #tpu.memory_space<hbm>> -> memref<20224x128xf32, #tpu.memory_space<hbm>>
    %dma_start3A_69 = tpu.memref_slice %arg10[%dma_start3A_58] : memref<2x!tpu.dma_semaphore, #tpu.memory_space<semaphore_mem>> -> memref<1x!tpu.dma_semaphore, #tpu.memory_space<semaphore_mem>>
    %dma_start3A_70 = tpu.memref_squeeze %dma_start3A_69 : memref<1x!tpu.dma_semaphore, #tpu.memory_space<semaphore_mem>> -> memref<!tpu.dma_semaphore, #tpu.memory_space<semaphore_mem>>
    tpu.enqueue_indirect_dma source(%dma_start3A_68 : memref<20224x128xf32, #tpu.memory_space<hbm>>) target(%dma_start3A_62 : memref<128x128xf32, #tpu.memory_space<vmem>>) offsets(%dma_start3A_65 : memref<128xi32, #tpu.memory_space<vmem>>) semaphore(%dma_start3A_70 : memref<!tpu.dma_semaphore, #tpu.memory_space<semaphore_mem>>)
    %scan3A_71 = arith.constant 0 : i32
    %scan3A_72 = arith.constant 0 : i32
    %scan3A_73 = arith.constant 40 : i32
    %scan3A_74 = arith.addi %scan3A_72, %scan3A_73 : i32
    %scan3A_75 = arith.constant 1 : i32
    scf.for %scan3A_93 = %scan3A_72 to %scan3A_74 step %scan3A_75  : i32 {
      %add3A_94 = arith.constant 1 : i32
      %add3A_95 = arith.addi %scan3A_93, %add3A_94 : i32
      %min3A = arith.constant 39 : i32
      %min3A_96 = arith.minsi %add3A_95, %min3A : i32
      %add3A_97 = arith.constant 1 : i32
      %add3A_98 = arith.addi %scan3A_93, %add3A_97 : i32
      %jit3A = arith.constant 2 : i32
      %eq3A = arith.constant 0 : i32
      %eq3A_99 = arith.cmpi eq, %jit3A, %eq3A : i32
      %jit3A_100 = arith.constant 1 : i32
      %select_n3A = arith.select %eq3A_99, %jit3A_100, %jit3A : i32
      %rem3A = arith.remsi %add3A_98, %select_n3A : i32
      %ne3A = arith.constant 0 : i32
      %ne3A_101 = arith.cmpi ne, %rem3A, %ne3A : i32
      %lt3A = arith.constant 0 : i32
      %lt3A_102 = arith.cmpi slt, %rem3A, %lt3A : i32
      %lt3A_103 = arith.constant 0 : i32
      %lt3A_104 = arith.cmpi slt, %select_n3A, %lt3A_103 : i32
      %ne3A_105 = arith.xori %lt3A_102, %lt3A_104 : i1
      %and3A = arith.andi %ne3A_105, %ne3A_101 : i1
      %add3A_106 = arith.addi %rem3A, %select_n3A : i32
      %select_n3A_107 = arith.select %and3A, %add3A_106, %rem3A : i32
      %add3A_108 = arith.constant 1 : i32
      %add3A_109 = arith.addi %scan3A_93, %add3A_108 : i32
      %jit3A_110 = arith.constant 2 : i32
      %eq3A_111 = arith.constant 0 : i32
      %eq3A_112 = arith.cmpi eq, %jit3A_110, %eq3A_111 : i32
      %jit3A_113 = arith.constant 1 : i32
      %select_n3A_114 = arith.select %eq3A_112, %jit3A_113, %jit3A_110 : i32
      %rem3A_115 = arith.remsi %add3A_109, %select_n3A_114 : i32
      %ne3A_116 = arith.constant 0 : i32
      %ne3A_117 = arith.cmpi ne, %rem3A_115, %ne3A_116 : i32
      %lt3A_118 = arith.constant 0 : i32
      %lt3A_119 = arith.cmpi slt, %rem3A_115, %lt3A_118 : i32
      %lt3A_120 = arith.constant 0 : i32
      %lt3A_121 = arith.cmpi slt, %select_n3A_114, %lt3A_120 : i32
      %ne3A_122 = arith.xori %lt3A_119, %lt3A_121 : i1
      %and3A_123 = arith.andi %ne3A_122, %ne3A_117 : i1
      %add3A_124 = arith.addi %rem3A_115, %select_n3A_114 : i32
      %select_n3A_125 = arith.select %and3A_123, %add3A_124, %rem3A_115 : i32
      %dma_start3A_126 = arith.constant 0 : i32
      %dma_start3A_127 = arith.constant 0 : i32
      %dma_start3A_128 = tpu.memref_slice %arg9[%select_n3A_107, %dma_start3A_126, %dma_start3A_127] : memref<2x128x128xf32, #tpu.memory_space<vmem>> -> memref<1x128x128xf32, #tpu.memory_space<vmem>>
      %dma_start3A_129 = tpu.memref_squeeze %dma_start3A_128 : memref<1x128x128xf32, #tpu.memory_space<vmem>> -> memref<128x128xf32, #tpu.memory_space<vmem>>
      %dma_start3A_130 = arith.constant 0 : i32
      %dma_start3A_131 = tpu.memref_slice %arg7[%min3A_96, %dma_start3A_130] : memref<40x128xi32, #tpu.memory_space<vmem>> -> memref<1x128xi32, #tpu.memory_space<vmem>>
      %dma_start3A_132 = tpu.memref_squeeze %dma_start3A_131 : memref<1x128xi32, #tpu.memory_space<vmem>> -> memref<128xi32, #tpu.memory_space<vmem>>
      %dma_start3A_133 = arith.constant 0 : i32
      %dma_start3A_134 = arith.constant 0 : i32
      %dma_start3A_135 = tpu.memref_slice %arg2[%dma_start3A_133, %dma_start3A_134] : memref<20224x128xf32, #tpu.memory_space<hbm>> -> memref<20224x128xf32, #tpu.memory_space<hbm>>
      %dma_start3A_136 = tpu.memref_slice %arg10[%select_n3A_125] : memref<2x!tpu.dma_semaphore, #tpu.memory_space<semaphore_mem>> -> memref<1x!tpu.dma_semaphore, #tpu.memory_space<semaphore_mem>>
      %dma_start3A_137 = tpu.memref_squeeze %dma_start3A_136 : memref<1x!tpu.dma_semaphore, #tpu.memory_space<semaphore_mem>> -> memref<!tpu.dma_semaphore, #tpu.memory_space<semaphore_mem>>
      tpu.enqueue_indirect_dma source(%dma_start3A_135 : memref<20224x128xf32, #tpu.memory_space<hbm>>) target(%dma_start3A_129 : memref<128x128xf32, #tpu.memory_space<vmem>>) offsets(%dma_start3A_132 : memref<128xi32, #tpu.memory_space<vmem>>) semaphore(%dma_start3A_137 : memref<!tpu.dma_semaphore, #tpu.memory_space<semaphore_mem>>)
      %jit3A_138 = arith.constant 2 : i32
      %eq3A_139 = arith.constant 0 : i32
      %eq3A_140 = arith.cmpi eq, %jit3A_138, %eq3A_139 : i32
      %jit3A_141 = arith.constant 1 : i32
      %select_n3A_142 = arith.select %eq3A_140, %jit3A_141, %jit3A_138 : i32
      %rem3A_143 = arith.remsi %scan3A_93, %select_n3A_142 : i32
      %ne3A_144 = arith.constant 0 : i32
      %ne3A_145 = arith.cmpi ne, %rem3A_143, %ne3A_144 : i32
      %lt3A_146 = arith.constant 0 : i32
      %lt3A_147 = arith.cmpi slt, %rem3A_143, %lt3A_146 : i32
      %lt3A_148 = arith.constant 0 : i32
      %lt3A_149 = arith.cmpi slt, %select_n3A_142, %lt3A_148 : i32
      %ne3A_150 = arith.xori %lt3A_147, %lt3A_149 : i1
      %and3A_151 = arith.andi %ne3A_150, %ne3A_145 : i1
      %add3A_152 = arith.addi %rem3A_143, %select_n3A_142 : i32
      %select_n3A_153 = arith.select %and3A_151, %add3A_152, %rem3A_143 : i32
      %jit3A_154 = arith.constant 2 : i32
      %eq3A_155 = arith.constant 0 : i32
      %eq3A_156 = arith.cmpi eq, %jit3A_154, %eq3A_155 : i32
      %jit3A_157 = arith.constant 1 : i32
      %select_n3A_158 = arith.select %eq3A_156, %jit3A_157, %jit3A_154 : i32
      %rem3A_159 = arith.remsi %scan3A_93, %select_n3A_158 : i32
      %ne3A_160 = arith.constant 0 : i32
      %ne3A_161 = arith.cmpi ne, %rem3A_159, %ne3A_160 : i32
      %lt3A_162 = arith.constant 0 : i32
      %lt3A_163 = arith.cmpi slt, %rem3A_159, %lt3A_162 : i32
      %lt3A_164 = arith.constant 0 : i32
      %lt3A_165 = arith.cmpi slt, %select_n3A_158, %lt3A_164 : i32
      %ne3A_166 = arith.xori %lt3A_163, %lt3A_165 : i1
      %and3A_167 = arith.andi %ne3A_166, %ne3A_161 : i1
      %add3A_168 = arith.addi %rem3A_159, %select_n3A_158 : i32
      %select_n3A_169 = arith.select %and3A_167, %add3A_168, %rem3A_159 : i32
      %dma_wait3A_170 = arith.constant 0 : i32
      %dma_wait3A_171 = arith.constant 0 : i32
      %dma_wait3A_172 = tpu.memref_slice %arg9[%select_n3A_153, %dma_wait3A_170, %dma_wait3A_171] : memref<2x128x128xf32, #tpu.memory_space<vmem>> -> memref<1x128x128xf32, #tpu.memory_space<vmem>>
      %dma_wait3A_173 = tpu.memref_squeeze %dma_wait3A_172 : memref<1x128x128xf32, #tpu.memory_space<vmem>> -> memref<128x128xf32, #tpu.memory_space<vmem>>
      %dma_wait3A_174 = arith.constant 0 : i32
      %dma_wait3A_175 = tpu.memref_slice %arg7[%scan3A_93, %dma_wait3A_174] : memref<40x128xi32, #tpu.memory_space<vmem>> -> memref<1x128xi32, #tpu.memory_space<vmem>>
      %dma_wait3A_176 = tpu.memref_squeeze %dma_wait3A_175 : memref<1x128xi32, #tpu.memory_space<vmem>> -> memref<128xi32, #tpu.memory_space<vmem>>
      %dma_wait3A_177 = arith.constant 0 : i32
      %dma_wait3A_178 = arith.constant 0 : i32
      %dma_wait3A_179 = tpu.memref_slice %arg2[%dma_wait3A_177, %dma_wait3A_178] : memref<20224x128xf32, #tpu.memory_space<hbm>> -> memref<20224x128xf32, #tpu.memory_space<hbm>>
      %dma_wait3A_180 = tpu.memref_slice %arg10[%select_n3A_169] : memref<2x!tpu.dma_semaphore, #tpu.memory_space<semaphore_mem>> -> memref<1x!tpu.dma_semaphore, #tpu.memory_space<semaphore_mem>>
      %dma_wait3A_181 = tpu.memref_squeeze %dma_wait3A_180 : memref<1x!tpu.dma_semaphore, #tpu.memory_space<semaphore_mem>> -> memref<!tpu.dma_semaphore, #tpu.memory_space<semaphore_mem>>
      tpu.wait_indirect_dma semaphore(%dma_wait3A_181 : memref<!tpu.dma_semaphore, #tpu.memory_space<semaphore_mem>>) src(%dma_wait3A_179 : memref<20224x128xf32, #tpu.memory_space<hbm>>) dst(%dma_wait3A_173 : memref<128x128xf32, #tpu.memory_space<vmem>>)
      %jit3A_182 = arith.constant 2 : i32
      %eq3A_183 = arith.constant 0 : i32
      %eq3A_184 = arith.cmpi eq, %jit3A_182, %eq3A_183 : i32
      %jit3A_185 = arith.constant 1 : i32
      %select_n3A_186 = arith.select %eq3A_184, %jit3A_185, %jit3A_182 : i32
      %rem3A_187 = arith.remsi %scan3A_93, %select_n3A_186 : i32
      %ne3A_188 = arith.constant 0 : i32
      %ne3A_189 = arith.cmpi ne, %rem3A_187, %ne3A_188 : i32
      %lt3A_190 = arith.constant 0 : i32
      %lt3A_191 = arith.cmpi slt, %rem3A_187, %lt3A_190 : i32
      %lt3A_192 = arith.constant 0 : i32
      %lt3A_193 = arith.cmpi slt, %select_n3A_186, %lt3A_192 : i32
      %ne3A_194 = arith.xori %lt3A_191, %lt3A_193 : i1
      %and3A_195 = arith.andi %ne3A_194, %ne3A_189 : i1
      %add3A_196 = arith.addi %rem3A_187, %select_n3A_186 : i32
      %select_n3A_197 = arith.select %and3A_195, %add3A_196, %rem3A_187 : i32
      "tpu.region"() ({
        %run_scoped3A = tpu.sem_alloc : memref<!tpu.dma_semaphore, #tpu.memory_space<semaphore_mem>>
        %dma_start3A_198 = arith.constant 0 : i32
        %dma_start3A_199 = arith.constant 0 : i32
        %dma_start3A_200 = tpu.memref_slice %arg9[%select_n3A_197, %dma_start3A_198, %dma_start3A_199] : memref<2x128x128xf32, #tpu.memory_space<vmem>> -> memref<1x128x128xf32, #tpu.memory_space<vmem>>
        %dma_start3A_201 = tpu.memref_squeeze %dma_start3A_200 : memref<1x128x128xf32, #tpu.memory_space<vmem>> -> memref<128x128xf32, #tpu.memory_space<vmem>>
        %dma_start3A_202 = arith.constant 0 : i32
        %dma_start3A_203 = tpu.memref_slice %arg8[%scan3A_93, %dma_start3A_202] : memref<40x128xi32, #tpu.memory_space<vmem>> -> memref<1x128xi32, #tpu.memory_space<vmem>>
        %dma_start3A_204 = tpu.memref_squeeze %dma_start3A_203 : memref<1x128xi32, #tpu.memory_space<vmem>> -> memref<128xi32, #tpu.memory_space<vmem>>
        %dma_start3A_205 = arith.constant 0 : i32
        %dma_start3A_206 = arith.constant 0 : i32
        %dma_start3A_207 = tpu.memref_slice %arg6[%dma_start3A_205, %dma_start3A_206] : memref<10112x128xf32, #tpu.memory_space<vmem_shared>> -> memref<10112x128xf32, #tpu.memory_space<vmem_shared>>
        tpu.enqueue_indirect_dma source(%dma_start3A_201 : memref<128x128xf32, #tpu.memory_space<vmem>>) target(%dma_start3A_207 : memref<10112x128xf32, #tpu.memory_space<vmem_shared>>) offsets(%dma_start3A_204 : memref<128xi32, #tpu.memory_space<vmem>>) semaphore(%run_scoped3A : memref<!tpu.dma_semaphore, #tpu.memory_space<semaphore_mem>>) {add = true}
        %dma_wait3A_208 = arith.constant 0 : i32
        %dma_wait3A_209 = arith.constant 0 : i32
        %dma_wait3A_210 = tpu.memref_slice %arg9[%select_n3A_197, %dma_wait3A_208, %dma_wait3A_209] : memref<2x128x128xf32, #tpu.memory_space<vmem>> -> memref<1x128x128xf32, #tpu.memory_space<vmem>>
        %dma_wait3A_211 = tpu.memref_squeeze %dma_wait3A_210 : memref<1x128x128xf32, #tpu.memory_space<vmem>> -> memref<128x128xf32, #tpu.memory_space<vmem>>
        %dma_wait3A_212 = arith.constant 0 : i32
        %dma_wait3A_213 = tpu.memref_slice %arg8[%scan3A_93, %dma_wait3A_212] : memref<40x128xi32, #tpu.memory_space<vmem>> -> memref<1x128xi32, #tpu.memory_space<vmem>>
        %dma_wait3A_214 = tpu.memref_squeeze %dma_wait3A_213 : memref<1x128xi32, #tpu.memory_space<vmem>> -> memref<128xi32, #tpu.memory_space<vmem>>
        %dma_wait3A_215 = arith.constant 0 : i32
        %dma_wait3A_216 = arith.constant 0 : i32
        %dma_wait3A_217 = tpu.memref_slice %arg6[%dma_wait3A_215, %dma_wait3A_216] : memref<10112x128xf32, #tpu.memory_space<vmem_shared>> -> memref<10112x128xf32, #tpu.memory_space<vmem_shared>>
        tpu.wait_indirect_dma semaphore(%run_scoped3A : memref<!tpu.dma_semaphore, #tpu.memory_space<semaphore_mem>>) src(%dma_wait3A_211 : memref<128x128xf32, #tpu.memory_space<vmem>>) dst(%dma_wait3A_217 : memref<10112x128xf32, #tpu.memory_space<vmem_shared>>)
        tpu.yield
      }) : () -> ()
    }
    %scan3A_76 = arith.constant 40 : i32
    %dma_wait3A_77 = arith.constant 39 : i32
    %dma_wait3A_78 = arith.constant 0 : i32
    %dma_wait3A_79 = arith.constant 0 : i32
    %dma_wait3A_80 = arith.constant 0 : i32
    %dma_wait3A_81 = arith.constant 0 : i32
    %dma_wait3A_82 = tpu.memref_slice %arg9[%dma_wait3A_78, %dma_wait3A_80, %dma_wait3A_81] : memref<2x128x128xf32, #tpu.memory_space<vmem>> -> memref<1x128x128xf32, #tpu.memory_space<vmem>>
    %dma_wait3A_83 = tpu.memref_squeeze %dma_wait3A_82 : memref<1x128x128xf32, #tpu.memory_space<vmem>> -> memref<128x128xf32, #tpu.memory_space<vmem>>
    %dma_wait3A_84 = arith.constant 0 : i32
    %dma_wait3A_85 = tpu.memref_slice %arg7[%dma_wait3A_77, %dma_wait3A_84] : memref<40x128xi32, #tpu.memory_space<vmem>> -> memref<1x128xi32, #tpu.memory_space<vmem>>
    %dma_wait3A_86 = tpu.memref_squeeze %dma_wait3A_85 : memref<1x128xi32, #tpu.memory_space<vmem>> -> memref<128xi32, #tpu.memory_space<vmem>>
    %dma_wait3A_87 = arith.constant 0 : i32
    %dma_wait3A_88 = arith.constant 0 : i32
    %dma_wait3A_89 = tpu.memref_slice %arg2[%dma_wait3A_87, %dma_wait3A_88] : memref<20224x128xf32, #tpu.memory_space<hbm>> -> memref<20224x128xf32, #tpu.memory_space<hbm>>
    %dma_wait3A_90 = tpu.memref_slice %arg10[%dma_wait3A_79] : memref<2x!tpu.dma_semaphore, #tpu.memory_space<semaphore_mem>> -> memref<1x!tpu.dma_semaphore, #tpu.memory_space<semaphore_mem>>
    %dma_wait3A_91 = tpu.memref_squeeze %dma_wait3A_90 : memref<1x!tpu.dma_semaphore, #tpu.memory_space<semaphore_mem>> -> memref<!tpu.dma_semaphore, #tpu.memory_space<semaphore_mem>>
    tpu.wait_indirect_dma semaphore(%dma_wait3A_91 : memref<!tpu.dma_semaphore, #tpu.memory_space<semaphore_mem>>) src(%dma_wait3A_89 : memref<20224x128xf32, #tpu.memory_space<hbm>>) dst(%dma_wait3A_83 : memref<128x128xf32, #tpu.memory_space<vmem>>)
    %barrier3A_92 = arith.constant 0 : index
    tpu.barrier barrier_id(%barrier3A_92)
    "tpu.region"() ({
      %run_scoped3A = tpu.sem_alloc : memref<!tpu.dma_semaphore, #tpu.memory_space<semaphore_mem>>
      %dma_start3A_93 = arith.constant 0 : i32
      %dma_start3A_94 = arith.constant 0 : i32
      %dma_start3A_95 = tpu.memref_slice %arg5[%arg0, %dma_start3A_93, %dma_start3A_94] : memref<2x10112x128xf32, #tpu.memory_space<hbm>> -> memref<1x10112x128xf32, #tpu.memory_space<hbm>>
      %dma_start3A_96 = tpu.memref_squeeze %dma_start3A_95 : memref<1x10112x128xf32, #tpu.memory_space<hbm>> -> memref<10112x128xf32, #tpu.memory_space<hbm>>
      %dma_start3A_97 = arith.constant 0 : i32
      %dma_start3A_98 = tpu.memref_slice %dma_start3A_96[%mul3A_2, %dma_start3A_97] : memref<10112x128xf32, #tpu.memory_space<hbm>> -> memref<632x128xf32, #tpu.memory_space<hbm>>
      %dma_start3A_99 = arith.constant 0 : i32
      %dma_start3A_100 = tpu.memref_slice %arg6[%mul3A_2, %dma_start3A_99] : memref<10112x128xf32, #tpu.memory_space<vmem_shared>> -> memref<632x128xf32, #tpu.memory_space<vmem_shared>>
      tpu.enqueue_dma source(%dma_start3A_100 : memref<632x128xf32, #tpu.memory_space<vmem_shared>>) target(%dma_start3A_98 : memref<632x128xf32, #tpu.memory_space<hbm>>) target_semaphore(%run_scoped3A : memref<!tpu.dma_semaphore, #tpu.memory_space<semaphore_mem>>)
      %dma_wait3A_101 = arith.constant 0 : i32
      %dma_wait3A_102 = arith.constant 0 : i32
      %dma_wait3A_103 = tpu.memref_slice %arg5[%arg0, %dma_wait3A_101, %dma_wait3A_102] : memref<2x10112x128xf32, #tpu.memory_space<hbm>> -> memref<1x10112x128xf32, #tpu.memory_space<hbm>>
      %dma_wait3A_104 = tpu.memref_squeeze %dma_wait3A_103 : memref<1x10112x128xf32, #tpu.memory_space<hbm>> -> memref<10112x128xf32, #tpu.memory_space<hbm>>
      %dma_wait3A_105 = arith.constant 0 : i32
      %dma_wait3A_106 = tpu.memref_slice %dma_wait3A_104[%mul3A_2, %dma_wait3A_105] : memref<10112x128xf32, #tpu.memory_space<hbm>> -> memref<632x128xf32, #tpu.memory_space<hbm>>
      %dma_wait3A_107 = arith.constant 0 : i32
      %dma_wait3A_108 = tpu.memref_slice %arg6[%mul3A_2, %dma_wait3A_107] : memref<10112x128xf32, #tpu.memory_space<vmem_shared>> -> memref<632x128xf32, #tpu.memory_space<vmem_shared>>
      tpu.wait_dma2 semaphore(%run_scoped3A : memref<!tpu.dma_semaphore, #tpu.memory_space<semaphore_mem>>) src(%dma_wait3A_108 : memref<632x128xf32, #tpu.memory_space<vmem_shared>>) dst(%dma_wait3A_106 : memref<632x128xf32, #tpu.memory_space<hbm>>)
      tpu.yield
    }) : () -> ()
    return
  }
}

#map = affine_map<(d0, d1) -> (0, 0)>
#map1 = affine_map<(d0, d1) -> (0, 0, 0)>
module attributes {stable_mosaic.version = 14 : i64} {
  func.func @seg_sum(%arg0: i32, %arg1: i32, %arg2: memref<20224x128xf32, #tpu.memory_space<hbm>>, %arg3: memref<2560x128xi32, #tpu.memory_space<hbm>>, %arg4: memref<2560x128xi32, #tpu.memory_space<hbm>>, %arg5: memref<2x10112x128xf32, #tpu.memory_space<hbm>>, %arg6: memref<10112x128xf32, #tpu.memory_space<vmem_shared>>, %arg7: memref<40x128xi32, #tpu.memory_space<vmem>>, %arg8: memref<40x128xi32, #tpu.memory_space<vmem>>, %arg9: memref<2x128x128xf32, #tpu.memory_space<vmem>>, %arg10: memref<2x!tpu.dma_semaphore, #tpu.memory_space<semaphore_mem>>, %arg11: memref<!tpu.dma_semaphore, #tpu.memory_space<semaphore_mem>>) attributes {dimension_semantics = [#tpu.dimension_semantics<core_parallel>, #tpu.dimension_semantics<subcore_parallel>], iteration_bounds = array<i64: 2, 16>, scalar_prefetch = 0 : i64, scratch_operands = 6 : i64, tpu.core_type = #tpu.core_type<sc_vector_subcore>, window_params = [{transform_indices = #map}, {transform_indices = #map}, {transform_indices = #map}, {transform_indices = #map1}]} {
    %mul3A = arith.constant 2 : i32
    %mul3A_0 = arith.muli %arg1, %mul3A : i32
    %add3A = arith.addi %mul3A_0, %arg0 : i32
    %mul3A_1 = arith.constant 632 : i32
    %mul3A_2 = arith.muli %arg1, %mul3A_1 : i32
    %mul3A_3 = arith.constant 80 : i32
    %mul3A_4 = arith.muli %add3A, %mul3A_3 : i32
    %mul3A_5 = arith.constant 10112 : i32
    %mul3A_6 = arith.muli %arg0, %mul3A_5 : i32
    %add3A_7 = arith.addi %mul3A_6, %mul3A_2 : i32
    %dma_start3A = arith.constant 0 : i32
    %dma_start3A_8 = tpu.memref_slice %arg6[%mul3A_2, %dma_start3A] : memref<10112x128xf32, #tpu.memory_space<vmem_shared>> -> memref<632x128xf32, #tpu.memory_space<vmem_shared>>
    %dma_start3A_9 = arith.constant 0 : i32
    %dma_start3A_10 = tpu.memref_slice %arg2[%add3A_7, %dma_start3A_9] : memref<20224x128xf32, #tpu.memory_space<hbm>> -> memref<632x128xf32, #tpu.memory_space<hbm>>
    tpu.enqueue_dma source(%dma_start3A_10 : memref<632x128xf32, #tpu.memory_space<hbm>>) target(%dma_start3A_8 : memref<632x128xf32, #tpu.memory_space<vmem_shared>>) target_semaphore(%arg11 : memref<!tpu.dma_semaphore, #tpu.memory_space<semaphore_mem>>)
    %add3A_11 = arith.constant 0 : i32
    %add3A_12 = arith.addi %mul3A_4, %add3A_11 : i32
    "tpu.region"() ({
      %run_scoped3A = tpu.sem_alloc : memref<!tpu.dma_semaphore, #tpu.memory_space<semaphore_mem>>
      %dma_start3A_93 = arith.constant 0 : i32
      %dma_start3A_94 = tpu.memref_slice %arg3[%add3A_12, %dma_start3A_93] : memref<2560x128xi32, #tpu.memory_space<hbm>> -> memref<40x128xi32, #tpu.memory_space<hbm>>
      %dma_start3A_95 = arith.constant 0 : i32
      %dma_start3A_96 = tpu.memref_slice %arg3[%add3A_12, %dma_start3A_95] : memref<2560x128xi32, #tpu.memory_space<hbm>> -> memref<40x128xi32, #tpu.memory_space<hbm>>
      tpu.enqueue_dma source(%dma_start3A_96 : memref<40x128xi32, #tpu.memory_space<hbm>>) target(%arg7 : memref<40x128xi32, #tpu.memory_space<vmem>>) target_semaphore(%run_scoped3A : memref<!tpu.dma_semaphore, #tpu.memory_space<semaphore_mem>>)
      %dma_wait3A_97 = arith.constant 0 : i32
      %dma_wait3A_98 = tpu.memref_slice %arg3[%add3A_12, %dma_wait3A_97] : memref<2560x128xi32, #tpu.memory_space<hbm>> -> memref<40x128xi32, #tpu.memory_space<hbm>>
      %dma_wait3A_99 = arith.constant 0 : i32
      %dma_wait3A_100 = tpu.memref_slice %arg3[%add3A_12, %dma_wait3A_99] : memref<2560x128xi32, #tpu.memory_space<hbm>> -> memref<40x128xi32, #tpu.memory_space<hbm>>
      tpu.wait_dma2 semaphore(%run_scoped3A : memref<!tpu.dma_semaphore, #tpu.memory_space<semaphore_mem>>) src(%dma_wait3A_100 : memref<40x128xi32, #tpu.memory_space<hbm>>) dst(%arg7 : memref<40x128xi32, #tpu.memory_space<vmem>>)
      tpu.yield
    }) : () -> ()
    "tpu.region"() ({
      %run_scoped3A = tpu.sem_alloc : memref<!tpu.dma_semaphore, #tpu.memory_space<semaphore_mem>>
      %dma_start3A_93 = arith.constant 0 : i32
      %dma_start3A_94 = tpu.memref_slice %arg4[%add3A_12, %dma_start3A_93] : memref<2560x128xi32, #tpu.memory_space<hbm>> -> memref<40x128xi32, #tpu.memory_space<hbm>>
      %dma_start3A_95 = arith.constant 0 : i32
      %dma_start3A_96 = tpu.memref_slice %arg4[%add3A_12, %dma_start3A_95] : memref<2560x128xi32, #tpu.memory_space<hbm>> -> memref<40x128xi32, #tpu.memory_space<hbm>>
      tpu.enqueue_dma source(%dma_start3A_96 : memref<40x128xi32, #tpu.memory_space<hbm>>) target(%arg8 : memref<40x128xi32, #tpu.memory_space<vmem>>) target_semaphore(%run_scoped3A : memref<!tpu.dma_semaphore, #tpu.memory_space<semaphore_mem>>)
      %dma_wait3A_97 = arith.constant 0 : i32
      %dma_wait3A_98 = tpu.memref_slice %arg4[%add3A_12, %dma_wait3A_97] : memref<2560x128xi32, #tpu.memory_space<hbm>> -> memref<40x128xi32, #tpu.memory_space<hbm>>
      %dma_wait3A_99 = arith.constant 0 : i32
      %dma_wait3A_100 = tpu.memref_slice %arg4[%add3A_12, %dma_wait3A_99] : memref<2560x128xi32, #tpu.memory_space<hbm>> -> memref<40x128xi32, #tpu.memory_space<hbm>>
      tpu.wait_dma2 semaphore(%run_scoped3A : memref<!tpu.dma_semaphore, #tpu.memory_space<semaphore_mem>>) src(%dma_wait3A_100 : memref<40x128xi32, #tpu.memory_space<hbm>>) dst(%arg8 : memref<40x128xi32, #tpu.memory_space<vmem>>)
      tpu.yield
    }) : () -> ()
    %dma_start3A_13 = arith.constant 0 : i32
    %dma_start3A_14 = arith.constant 0 : i32
    %dma_start3A_15 = arith.constant 0 : i32
    %dma_start3A_16 = arith.constant 0 : i32
    %dma_start3A_17 = arith.constant 0 : i32
    %dma_start3A_18 = tpu.memref_slice %arg9[%dma_start3A_14, %dma_start3A_16, %dma_start3A_17] : memref<2x128x128xf32, #tpu.memory_space<vmem>> -> memref<1x128x128xf32, #tpu.memory_space<vmem>>
    %dma_start3A_19 = tpu.memref_squeeze %dma_start3A_18 : memref<1x128x128xf32, #tpu.memory_space<vmem>> -> memref<128x128xf32, #tpu.memory_space<vmem>>
    %dma_start3A_20 = arith.constant 0 : i32
    %dma_start3A_21 = tpu.memref_slice %arg7[%dma_start3A_13, %dma_start3A_20] : memref<40x128xi32, #tpu.memory_space<vmem>> -> memref<1x128xi32, #tpu.memory_space<vmem>>
    %dma_start3A_22 = tpu.memref_squeeze %dma_start3A_21 : memref<1x128xi32, #tpu.memory_space<vmem>> -> memref<128xi32, #tpu.memory_space<vmem>>
    %dma_start3A_23 = arith.constant 0 : i32
    %dma_start3A_24 = arith.constant 0 : i32
    %dma_start3A_25 = tpu.memref_slice %arg2[%dma_start3A_23, %dma_start3A_24] : memref<20224x128xf32, #tpu.memory_space<hbm>> -> memref<20224x128xf32, #tpu.memory_space<hbm>>
    %dma_start3A_26 = tpu.memref_slice %arg10[%dma_start3A_15] : memref<2x!tpu.dma_semaphore, #tpu.memory_space<semaphore_mem>> -> memref<1x!tpu.dma_semaphore, #tpu.memory_space<semaphore_mem>>
    %dma_start3A_27 = tpu.memref_squeeze %dma_start3A_26 : memref<1x!tpu.dma_semaphore, #tpu.memory_space<semaphore_mem>> -> memref<!tpu.dma_semaphore, #tpu.memory_space<semaphore_mem>>
    tpu.enqueue_indirect_dma source(%dma_start3A_25 : memref<20224x128xf32, #tpu.memory_space<hbm>>) target(%dma_start3A_19 : memref<128x128xf32, #tpu.memory_space<vmem>>) offsets(%dma_start3A_22 : memref<128xi32, #tpu.memory_space<vmem>>) semaphore(%dma_start3A_27 : memref<!tpu.dma_semaphore, #tpu.memory_space<semaphore_mem>>)
    %mul3A_28 = arith.constant 10112 : i32
    %mul3A_29 = arith.muli %arg0, %mul3A_28 : i32
    %add3A_30 = arith.addi %mul3A_29, %mul3A_2 : i32
    %dma_wait3A = arith.constant 0 : i32
    %dma_wait3A_31 = tpu.memref_slice %arg6[%mul3A_2, %dma_wait3A] : memref<10112x128xf32, #tpu.memory_space<vmem_shared>> -> memref<632x128xf32, #tpu.memory_space<vmem_shared>>
    %dma_wait3A_32 = arith.constant 0 : i32
    %dma_wait3A_33 = tpu.memref_slice %arg2[%add3A_30, %dma_wait3A_32] : memref<20224x128xf32, #tpu.memory_space<hbm>> -> memref<632x128xf32, #tpu.memory_space<hbm>>
    tpu.wait_dma2 semaphore(%arg11 : memref<!tpu.dma_semaphore, #tpu.memory_space<semaphore_mem>>) src(%dma_wait3A_33 : memref<632x128xf32, #tpu.memory_space<hbm>>) dst(%dma_wait3A_31 : memref<632x128xf32, #tpu.memory_space<vmem_shared>>)
    %barrier3A = arith.constant 0 : index
    tpu.barrier barrier_id(%barrier3A)
    %scan3A = arith.constant 0 : i32
    %scan3A_34 = arith.constant 0 : i32
    %scan3A_35 = arith.constant 40 : i32
    %scan3A_36 = arith.addi %scan3A_34, %scan3A_35 : i32
    %scan3A_37 = arith.constant 1 : i32
    scf.for %scan3A_93 = %scan3A_34 to %scan3A_36 step %scan3A_37  : i32 {
      %add3A_94 = arith.constant 1 : i32
      %add3A_95 = arith.addi %scan3A_93, %add3A_94 : i32
      %min3A = arith.constant 39 : i32
      %min3A_96 = arith.minsi %add3A_95, %min3A : i32
      %add3A_97 = arith.constant 1 : i32
      %add3A_98 = arith.addi %scan3A_93, %add3A_97 : i32
      %jit3A = arith.constant 2 : i32
      %eq3A = arith.constant 0 : i32
      %eq3A_99 = arith.cmpi eq, %jit3A, %eq3A : i32
      %jit3A_100 = arith.constant 1 : i32
      %select_n3A = arith.select %eq3A_99, %jit3A_100, %jit3A : i32
      %rem3A = arith.remsi %add3A_98, %select_n3A : i32
      %ne3A = arith.constant 0 : i32
      %ne3A_101 = arith.cmpi ne, %rem3A, %ne3A : i32
      %lt3A = arith.constant 0 : i32
      %lt3A_102 = arith.cmpi slt, %rem3A, %lt3A : i32
      %lt3A_103 = arith.constant 0 : i32
      %lt3A_104 = arith.cmpi slt, %select_n3A, %lt3A_103 : i32
      %ne3A_105 = arith.xori %lt3A_102, %lt3A_104 : i1
      %and3A = arith.andi %ne3A_105, %ne3A_101 : i1
      %add3A_106 = arith.addi %rem3A, %select_n3A : i32
      %select_n3A_107 = arith.select %and3A, %add3A_106, %rem3A : i32
      %add3A_108 = arith.constant 1 : i32
      %add3A_109 = arith.addi %scan3A_93, %add3A_108 : i32
      %jit3A_110 = arith.constant 2 : i32
      %eq3A_111 = arith.constant 0 : i32
      %eq3A_112 = arith.cmpi eq, %jit3A_110, %eq3A_111 : i32
      %jit3A_113 = arith.constant 1 : i32
      %select_n3A_114 = arith.select %eq3A_112, %jit3A_113, %jit3A_110 : i32
      %rem3A_115 = arith.remsi %add3A_109, %select_n3A_114 : i32
      %ne3A_116 = arith.constant 0 : i32
      %ne3A_117 = arith.cmpi ne, %rem3A_115, %ne3A_116 : i32
      %lt3A_118 = arith.constant 0 : i32
      %lt3A_119 = arith.cmpi slt, %rem3A_115, %lt3A_118 : i32
      %lt3A_120 = arith.constant 0 : i32
      %lt3A_121 = arith.cmpi slt, %select_n3A_114, %lt3A_120 : i32
      %ne3A_122 = arith.xori %lt3A_119, %lt3A_121 : i1
      %and3A_123 = arith.andi %ne3A_122, %ne3A_117 : i1
      %add3A_124 = arith.addi %rem3A_115, %select_n3A_114 : i32
      %select_n3A_125 = arith.select %and3A_123, %add3A_124, %rem3A_115 : i32
      %dma_start3A_126 = arith.constant 0 : i32
      %dma_start3A_127 = arith.constant 0 : i32
      %dma_start3A_128 = tpu.memref_slice %arg9[%select_n3A_107, %dma_start3A_126, %dma_start3A_127] : memref<2x128x128xf32, #tpu.memory_space<vmem>> -> memref<1x128x128xf32, #tpu.memory_space<vmem>>
      %dma_start3A_129 = tpu.memref_squeeze %dma_start3A_128 : memref<1x128x128xf32, #tpu.memory_space<vmem>> -> memref<128x128xf32, #tpu.memory_space<vmem>>
      %dma_start3A_130 = arith.constant 0 : i32
      %dma_start3A_131 = tpu.memref_slice %arg7[%min3A_96, %dma_start3A_130] : memref<40x128xi32, #tpu.memory_space<vmem>> -> memref<1x128xi32, #tpu.memory_space<vmem>>
      %dma_start3A_132 = tpu.memref_squeeze %dma_start3A_131 : memref<1x128xi32, #tpu.memory_space<vmem>> -> memref<128xi32, #tpu.memory_space<vmem>>
      %dma_start3A_133 = arith.constant 0 : i32
      %dma_start3A_134 = arith.constant 0 : i32
      %dma_start3A_135 = tpu.memref_slice %arg2[%dma_start3A_133, %dma_start3A_134] : memref<20224x128xf32, #tpu.memory_space<hbm>> -> memref<20224x128xf32, #tpu.memory_space<hbm>>
      %dma_start3A_136 = tpu.memref_slice %arg10[%select_n3A_125] : memref<2x!tpu.dma_semaphore, #tpu.memory_space<semaphore_mem>> -> memref<1x!tpu.dma_semaphore, #tpu.memory_space<semaphore_mem>>
      %dma_start3A_137 = tpu.memref_squeeze %dma_start3A_136 : memref<1x!tpu.dma_semaphore, #tpu.memory_space<semaphore_mem>> -> memref<!tpu.dma_semaphore, #tpu.memory_space<semaphore_mem>>
      tpu.enqueue_indirect_dma source(%dma_start3A_135 : memref<20224x128xf32, #tpu.memory_space<hbm>>) target(%dma_start3A_129 : memref<128x128xf32, #tpu.memory_space<vmem>>) offsets(%dma_start3A_132 : memref<128xi32, #tpu.memory_space<vmem>>) semaphore(%dma_start3A_137 : memref<!tpu.dma_semaphore, #tpu.memory_space<semaphore_mem>>)
      %jit3A_138 = arith.constant 2 : i32
      %eq3A_139 = arith.constant 0 : i32
      %eq3A_140 = arith.cmpi eq, %jit3A_138, %eq3A_139 : i32
      %jit3A_141 = arith.constant 1 : i32
      %select_n3A_142 = arith.select %eq3A_140, %jit3A_141, %jit3A_138 : i32
      %rem3A_143 = arith.remsi %scan3A_93, %select_n3A_142 : i32
      %ne3A_144 = arith.constant 0 : i32
      %ne3A_145 = arith.cmpi ne, %rem3A_143, %ne3A_144 : i32
      %lt3A_146 = arith.constant 0 : i32
      %lt3A_147 = arith.cmpi slt, %rem3A_143, %lt3A_146 : i32
      %lt3A_148 = arith.constant 0 : i32
      %lt3A_149 = arith.cmpi slt, %select_n3A_142, %lt3A_148 : i32
      %ne3A_150 = arith.xori %lt3A_147, %lt3A_149 : i1
      %and3A_151 = arith.andi %ne3A_150, %ne3A_145 : i1
      %add3A_152 = arith.addi %rem3A_143, %select_n3A_142 : i32
      %select_n3A_153 = arith.select %and3A_151, %add3A_152, %rem3A_143 : i32
      %jit3A_154 = arith.constant 2 : i32
      %eq3A_155 = arith.constant 0 : i32
      %eq3A_156 = arith.cmpi eq, %jit3A_154, %eq3A_155 : i32
      %jit3A_157 = arith.constant 1 : i32
      %select_n3A_158 = arith.select %eq3A_156, %jit3A_157, %jit3A_154 : i32
      %rem3A_159 = arith.remsi %scan3A_93, %select_n3A_158 : i32
      %ne3A_160 = arith.constant 0 : i32
      %ne3A_161 = arith.cmpi ne, %rem3A_159, %ne3A_160 : i32
      %lt3A_162 = arith.constant 0 : i32
      %lt3A_163 = arith.cmpi slt, %rem3A_159, %lt3A_162 : i32
      %lt3A_164 = arith.constant 0 : i32
      %lt3A_165 = arith.cmpi slt, %select_n3A_158, %lt3A_164 : i32
      %ne3A_166 = arith.xori %lt3A_163, %lt3A_165 : i1
      %and3A_167 = arith.andi %ne3A_166, %ne3A_161 : i1
      %add3A_168 = arith.addi %rem3A_159, %select_n3A_158 : i32
      %select_n3A_169 = arith.select %and3A_167, %add3A_168, %rem3A_159 : i32
      %dma_wait3A_170 = arith.constant 0 : i32
      %dma_wait3A_171 = arith.constant 0 : i32
      %dma_wait3A_172 = tpu.memref_slice %arg9[%select_n3A_153, %dma_wait3A_170, %dma_wait3A_171] : memref<2x128x128xf32, #tpu.memory_space<vmem>> -> memref<1x128x128xf32, #tpu.memory_space<vmem>>
      %dma_wait3A_173 = tpu.memref_squeeze %dma_wait3A_172 : memref<1x128x128xf32, #tpu.memory_space<vmem>> -> memref<128x128xf32, #tpu.memory_space<vmem>>
      %dma_wait3A_174 = arith.constant 0 : i32
      %dma_wait3A_175 = tpu.memref_slice %arg7[%scan3A_93, %dma_wait3A_174] : memref<40x128xi32, #tpu.memory_space<vmem>> -> memref<1x128xi32, #tpu.memory_space<vmem>>
      %dma_wait3A_176 = tpu.memref_squeeze %dma_wait3A_175 : memref<1x128xi32, #tpu.memory_space<vmem>> -> memref<128xi32, #tpu.memory_space<vmem>>
      %dma_wait3A_177 = arith.constant 0 : i32
      %dma_wait3A_178 = arith.constant 0 : i32
      %dma_wait3A_179 = tpu.memref_slice %arg2[%dma_wait3A_177, %dma_wait3A_178] : memref<20224x128xf32, #tpu.memory_space<hbm>> -> memref<20224x128xf32, #tpu.memory_space<hbm>>
      %dma_wait3A_180 = tpu.memref_slice %arg10[%select_n3A_169] : memref<2x!tpu.dma_semaphore, #tpu.memory_space<semaphore_mem>> -> memref<1x!tpu.dma_semaphore, #tpu.memory_space<semaphore_mem>>
      %dma_wait3A_181 = tpu.memref_squeeze %dma_wait3A_180 : memref<1x!tpu.dma_semaphore, #tpu.memory_space<semaphore_mem>> -> memref<!tpu.dma_semaphore, #tpu.memory_space<semaphore_mem>>
      tpu.wait_indirect_dma semaphore(%dma_wait3A_181 : memref<!tpu.dma_semaphore, #tpu.memory_space<semaphore_mem>>) src(%dma_wait3A_179 : memref<20224x128xf32, #tpu.memory_space<hbm>>) dst(%dma_wait3A_173 : memref<128x128xf32, #tpu.memory_space<vmem>>)
      %jit3A_182 = arith.constant 2 : i32
      %eq3A_183 = arith.constant 0 : i32
      %eq3A_184 = arith.cmpi eq, %jit3A_182, %eq3A_183 : i32
      %jit3A_185 = arith.constant 1 : i32
      %select_n3A_186 = arith.select %eq3A_184, %jit3A_185, %jit3A_182 : i32
      %rem3A_187 = arith.remsi %scan3A_93, %select_n3A_186 : i32
      %ne3A_188 = arith.constant 0 : i32
      %ne3A_189 = arith.cmpi ne, %rem3A_187, %ne3A_188 : i32
      %lt3A_190 = arith.constant 0 : i32
      %lt3A_191 = arith.cmpi slt, %rem3A_187, %lt3A_190 : i32
      %lt3A_192 = arith.constant 0 : i32
      %lt3A_193 = arith.cmpi slt, %select_n3A_186, %lt3A_192 : i32
      %ne3A_194 = arith.xori %lt3A_191, %lt3A_193 : i1
      %and3A_195 = arith.andi %ne3A_194, %ne3A_189 : i1
      %add3A_196 = arith.addi %rem3A_187, %select_n3A_186 : i32
      %select_n3A_197 = arith.select %and3A_195, %add3A_196, %rem3A_187 : i32
      "tpu.region"() ({
        %run_scoped3A = tpu.sem_alloc : memref<!tpu.dma_semaphore, #tpu.memory_space<semaphore_mem>>
        %dma_start3A_198 = arith.constant 0 : i32
        %dma_start3A_199 = arith.constant 0 : i32
        %dma_start3A_200 = tpu.memref_slice %arg9[%select_n3A_197, %dma_start3A_198, %dma_start3A_199] : memref<2x128x128xf32, #tpu.memory_space<vmem>> -> memref<1x128x128xf32, #tpu.memory_space<vmem>>
        %dma_start3A_201 = tpu.memref_squeeze %dma_start3A_200 : memref<1x128x128xf32, #tpu.memory_space<vmem>> -> memref<128x128xf32, #tpu.memory_space<vmem>>
        %dma_start3A_202 = arith.constant 0 : i32
        %dma_start3A_203 = tpu.memref_slice %arg8[%scan3A_93, %dma_start3A_202] : memref<40x128xi32, #tpu.memory_space<vmem>> -> memref<1x128xi32, #tpu.memory_space<vmem>>
        %dma_start3A_204 = tpu.memref_squeeze %dma_start3A_203 : memref<1x128xi32, #tpu.memory_space<vmem>> -> memref<128xi32, #tpu.memory_space<vmem>>
        %dma_start3A_205 = arith.constant 0 : i32
        %dma_start3A_206 = arith.constant 0 : i32
        %dma_start3A_207 = tpu.memref_slice %arg6[%dma_start3A_205, %dma_start3A_206] : memref<10112x128xf32, #tpu.memory_space<vmem_shared>> -> memref<10112x128xf32, #tpu.memory_space<vmem_shared>>
        tpu.enqueue_indirect_dma source(%dma_start3A_201 : memref<128x128xf32, #tpu.memory_space<vmem>>) target(%dma_start3A_207 : memref<10112x128xf32, #tpu.memory_space<vmem_shared>>) offsets(%dma_start3A_204 : memref<128xi32, #tpu.memory_space<vmem>>) semaphore(%run_scoped3A : memref<!tpu.dma_semaphore, #tpu.memory_space<semaphore_mem>>) {add = true}
        %dma_wait3A_208 = arith.constant 0 : i32
        %dma_wait3A_209 = arith.constant 0 : i32
        %dma_wait3A_210 = tpu.memref_slice %arg9[%select_n3A_197, %dma_wait3A_208, %dma_wait3A_209] : memref<2x128x128xf32, #tpu.memory_space<vmem>> -> memref<1x128x128xf32, #tpu.memory_space<vmem>>
        %dma_wait3A_211 = tpu.memref_squeeze %dma_wait3A_210 : memref<1x128x128xf32, #tpu.memory_space<vmem>> -> memref<128x128xf32, #tpu.memory_space<vmem>>
        %dma_wait3A_212 = arith.constant 0 : i32
        %dma_wait3A_213 = tpu.memref_slice %arg8[%scan3A_93, %dma_wait3A_212] : memref<40x128xi32, #tpu.memory_space<vmem>> -> memref<1x128xi32, #tpu.memory_space<vmem>>
        %dma_wait3A_214 = tpu.memref_squeeze %dma_wait3A_213 : memref<1x128xi32, #tpu.memory_space<vmem>> -> memref<128xi32, #tpu.memory_space<vmem>>
        %dma_wait3A_215 = arith.constant 0 : i32
        %dma_wait3A_216 = arith.constant 0 : i32
        %dma_wait3A_217 = tpu.memref_slice %arg6[%dma_wait3A_215, %dma_wait3A_216] : memref<10112x128xf32, #tpu.memory_space<vmem_shared>> -> memref<10112x128xf32, #tpu.memory_space<vmem_shared>>
        tpu.wait_indirect_dma semaphore(%run_scoped3A : memref<!tpu.dma_semaphore, #tpu.memory_space<semaphore_mem>>) src(%dma_wait3A_211 : memref<128x128xf32, #tpu.memory_space<vmem>>) dst(%dma_wait3A_217 : memref<10112x128xf32, #tpu.memory_space<vmem_shared>>)
        tpu.yield
      }) : () -> ()
    }
    %scan3A_38 = arith.constant 40 : i32
    %dma_wait3A_39 = arith.constant 39 : i32
    %dma_wait3A_40 = arith.constant 0 : i32
    %dma_wait3A_41 = arith.constant 0 : i32
    %dma_wait3A_42 = arith.constant 0 : i32
    %dma_wait3A_43 = arith.constant 0 : i32
    %dma_wait3A_44 = tpu.memref_slice %arg9[%dma_wait3A_40, %dma_wait3A_42, %dma_wait3A_43] : memref<2x128x128xf32, #tpu.memory_space<vmem>> -> memref<1x128x128xf32, #tpu.memory_space<vmem>>
    %dma_wait3A_45 = tpu.memref_squeeze %dma_wait3A_44 : memref<1x128x128xf32, #tpu.memory_space<vmem>> -> memref<128x128xf32, #tpu.memory_space<vmem>>
    %dma_wait3A_46 = arith.constant 0 : i32
    %dma_wait3A_47 = tpu.memref_slice %arg7[%dma_wait3A_39, %dma_wait3A_46] : memref<40x128xi32, #tpu.memory_space<vmem>> -> memref<1x128xi32, #tpu.memory_space<vmem>>
    %dma_wait3A_48 = tpu.memref_squeeze %dma_wait3A_47 : memref<1x128xi32, #tpu.memory_space<vmem>> -> memref<128xi32, #tpu.memory_space<vmem>>
    %dma_wait3A_49 = arith.constant 0 : i32
    %dma_wait3A_50 = arith.constant 0 : i32
    %dma_wait3A_51 = tpu.memref_slice %arg2[%dma_wait3A_49, %dma_wait3A_50] : memref<20224x128xf32, #tpu.memory_space<hbm>> -> memref<20224x128xf32, #tpu.memory_space<hbm>>
    %dma_wait3A_52 = tpu.memref_slice %arg10[%dma_wait3A_41] : memref<2x!tpu.dma_semaphore, #tpu.memory_space<semaphore_mem>> -> memref<1x!tpu.dma_semaphore, #tpu.memory_space<semaphore_mem>>
    %dma_wait3A_53 = tpu.memref_squeeze %dma_wait3A_52 : memref<1x!tpu.dma_semaphore, #tpu.memory_space<semaphore_mem>> -> memref<!tpu.dma_semaphore, #tpu.memory_space<semaphore_mem>>
    tpu.wait_indirect_dma semaphore(%dma_wait3A_53 : memref<!tpu.dma_semaphore, #tpu.memory_space<semaphore_mem>>) src(%dma_wait3A_51 : memref<20224x128xf32, #tpu.memory_space<hbm>>) dst(%dma_wait3A_45 : memref<128x128xf32, #tpu.memory_space<vmem>>)
    %add3A_54 = arith.constant 40 : i32
    %add3A_55 = arith.addi %mul3A_4, %add3A_54 : i32
    "tpu.region"() ({
      %run_scoped3A = tpu.sem_alloc : memref<!tpu.dma_semaphore, #tpu.memory_space<semaphore_mem>>
      %dma_start3A_93 = arith.constant 0 : i32
      %dma_start3A_94 = tpu.memref_slice %arg3[%add3A_55, %dma_start3A_93] : memref<2560x128xi32, #tpu.memory_space<hbm>> -> memref<40x128xi32, #tpu.memory_space<hbm>>
      %dma_start3A_95 = arith.constant 0 : i32
      %dma_start3A_96 = tpu.memref_slice %arg3[%add3A_55, %dma_start3A_95] : memref<2560x128xi32, #tpu.memory_space<hbm>> -> memref<40x128xi32, #tpu.memory_space<hbm>>
      tpu.enqueue_dma source(%dma_start3A_96 : memref<40x128xi32, #tpu.memory_space<hbm>>) target(%arg7 : memref<40x128xi32, #tpu.memory_space<vmem>>) target_semaphore(%run_scoped3A : memref<!tpu.dma_semaphore, #tpu.memory_space<semaphore_mem>>)
      %dma_wait3A_97 = arith.constant 0 : i32
      %dma_wait3A_98 = tpu.memref_slice %arg3[%add3A_55, %dma_wait3A_97] : memref<2560x128xi32, #tpu.memory_space<hbm>> -> memref<40x128xi32, #tpu.memory_space<hbm>>
      %dma_wait3A_99 = arith.constant 0 : i32
      %dma_wait3A_100 = tpu.memref_slice %arg3[%add3A_55, %dma_wait3A_99] : memref<2560x128xi32, #tpu.memory_space<hbm>> -> memref<40x128xi32, #tpu.memory_space<hbm>>
      tpu.wait_dma2 semaphore(%run_scoped3A : memref<!tpu.dma_semaphore, #tpu.memory_space<semaphore_mem>>) src(%dma_wait3A_100 : memref<40x128xi32, #tpu.memory_space<hbm>>) dst(%arg7 : memref<40x128xi32, #tpu.memory_space<vmem>>)
      tpu.yield
    }) : () -> ()
    "tpu.region"() ({
      %run_scoped3A = tpu.sem_alloc : memref<!tpu.dma_semaphore, #tpu.memory_space<semaphore_mem>>
      %dma_start3A_93 = arith.constant 0 : i32
      %dma_start3A_94 = tpu.memref_slice %arg4[%add3A_55, %dma_start3A_93] : memref<2560x128xi32, #tpu.memory_space<hbm>> -> memref<40x128xi32, #tpu.memory_space<hbm>>
      %dma_start3A_95 = arith.constant 0 : i32
      %dma_start3A_96 = tpu.memref_slice %arg4[%add3A_55, %dma_start3A_95] : memref<2560x128xi32, #tpu.memory_space<hbm>> -> memref<40x128xi32, #tpu.memory_space<hbm>>
      tpu.enqueue_dma source(%dma_start3A_96 : memref<40x128xi32, #tpu.memory_space<hbm>>) target(%arg8 : memref<40x128xi32, #tpu.memory_space<vmem>>) target_semaphore(%run_scoped3A : memref<!tpu.dma_semaphore, #tpu.memory_space<semaphore_mem>>)
      %dma_wait3A_97 = arith.constant 0 : i32
      %dma_wait3A_98 = tpu.memref_slice %arg4[%add3A_55, %dma_wait3A_97] : memref<2560x128xi32, #tpu.memory_space<hbm>> -> memref<40x128xi32, #tpu.memory_space<hbm>>
      %dma_wait3A_99 = arith.constant 0 : i32
      %dma_wait3A_100 = tpu.memref_slice %arg4[%add3A_55, %dma_wait3A_99] : memref<2560x128xi32, #tpu.memory_space<hbm>> -> memref<40x128xi32, #tpu.memory_space<hbm>>
      tpu.wait_dma2 semaphore(%run_scoped3A : memref<!tpu.dma_semaphore, #tpu.memory_space<semaphore_mem>>) src(%dma_wait3A_100 : memref<40x128xi32, #tpu.memory_space<hbm>>) dst(%arg8 : memref<40x128xi32, #tpu.memory_space<vmem>>)
      tpu.yield
    }) : () -> ()
    %dma_start3A_56 = arith.constant 0 : i32
    %dma_start3A_57 = arith.constant 0 : i32
    %dma_start3A_58 = arith.constant 0 : i32
    %dma_start3A_59 = arith.constant 0 : i32
    %dma_start3A_60 = arith.constant 0 : i32
    %dma_start3A_61 = tpu.memref_slice %arg9[%dma_start3A_57, %dma_start3A_59, %dma_start3A_60] : memref<2x128x128xf32, #tpu.memory_space<vmem>> -> memref<1x128x128xf32, #tpu.memory_space<vmem>>
    %dma_start3A_62 = tpu.memref_squeeze %dma_start3A_61 : memref<1x128x128xf32, #tpu.memory_space<vmem>> -> memref<128x128xf32, #tpu.memory_space<vmem>>
    %dma_start3A_63 = arith.constant 0 : i32
    %dma_start3A_64 = tpu.memref_slice %arg7[%dma_start3A_56, %dma_start3A_63] : memref<40x128xi32, #tpu.memory_space<vmem>> -> memref<1x128xi32, #tpu.memory_space<vmem>>
    %dma_start3A_65 = tpu.memref_squeeze %dma_start3A_64 : memref<1x128xi32, #tpu.memory_space<vmem>> -> memref<128xi32, #tpu.memory_space<vmem>>
    %dma_start3A_66 = arith.constant 0 : i32
    %dma_start3A_67 = arith.constant 0 : i32
    %dma_start3A_68 = tpu.memref_slice %arg2[%dma_start3A_66, %dma_start3A_67] : memref<20224x128xf32, #tpu.memory_space<hbm>> -> memref<20224x128xf32, #tpu.memory_space<hbm>>
    %dma_start3A_69 = tpu.memref_slice %arg10[%dma_start3A_58] : memref<2x!tpu.dma_semaphore, #tpu.memory_space<semaphore_mem>> -> memref<1x!tpu.dma_semaphore, #tpu.memory_space<semaphore_mem>>
    %dma_start3A_70 = tpu.memref_squeeze %dma_start3A_69 : memref<1x!tpu.dma_semaphore, #tpu.memory_space<semaphore_mem>> -> memref<!tpu.dma_semaphore, #tpu.memory_space<semaphore_mem>>
    tpu.enqueue_indirect_dma source(%dma_start3A_68 : memref<20224x128xf32, #tpu.memory_space<hbm>>) target(%dma_start3A_62 : memref<128x128xf32, #tpu.memory_space<vmem>>) offsets(%dma_start3A_65 : memref<128xi32, #tpu.memory_space<vmem>>) semaphore(%dma_start3A_70 : memref<!tpu.dma_semaphore, #tpu.memory_space<semaphore_mem>>)
    %scan3A_71 = arith.constant 0 : i32
    %scan3A_72 = arith.constant 0 : i32
    %scan3A_73 = arith.constant 40 : i32
    %scan3A_74 = arith.addi %scan3A_72, %scan3A_73 : i32
    %scan3A_75 = arith.constant 1 : i32
    scf.for %scan3A_93 = %scan3A_72 to %scan3A_74 step %scan3A_75  : i32 {
      %add3A_94 = arith.constant 1 : i32
      %add3A_95 = arith.addi %scan3A_93, %add3A_94 : i32
      %min3A = arith.constant 39 : i32
      %min3A_96 = arith.minsi %add3A_95, %min3A : i32
      %add3A_97 = arith.constant 1 : i32
      %add3A_98 = arith.addi %scan3A_93, %add3A_97 : i32
      %jit3A = arith.constant 2 : i32
      %eq3A = arith.constant 0 : i32
      %eq3A_99 = arith.cmpi eq, %jit3A, %eq3A : i32
      %jit3A_100 = arith.constant 1 : i32
      %select_n3A = arith.select %eq3A_99, %jit3A_100, %jit3A : i32
      %rem3A = arith.remsi %add3A_98, %select_n3A : i32
      %ne3A = arith.constant 0 : i32
      %ne3A_101 = arith.cmpi ne, %rem3A, %ne3A : i32
      %lt3A = arith.constant 0 : i32
      %lt3A_102 = arith.cmpi slt, %rem3A, %lt3A : i32
      %lt3A_103 = arith.constant 0 : i32
      %lt3A_104 = arith.cmpi slt, %select_n3A, %lt3A_103 : i32
      %ne3A_105 = arith.xori %lt3A_102, %lt3A_104 : i1
      %and3A = arith.andi %ne3A_105, %ne3A_101 : i1
      %add3A_106 = arith.addi %rem3A, %select_n3A : i32
      %select_n3A_107 = arith.select %and3A, %add3A_106, %rem3A : i32
      %add3A_108 = arith.constant 1 : i32
      %add3A_109 = arith.addi %scan3A_93, %add3A_108 : i32
      %jit3A_110 = arith.constant 2 : i32
      %eq3A_111 = arith.constant 0 : i32
      %eq3A_112 = arith.cmpi eq, %jit3A_110, %eq3A_111 : i32
      %jit3A_113 = arith.constant 1 : i32
      %select_n3A_114 = arith.select %eq3A_112, %jit3A_113, %jit3A_110 : i32
      %rem3A_115 = arith.remsi %add3A_109, %select_n3A_114 : i32
      %ne3A_116 = arith.constant 0 : i32
      %ne3A_117 = arith.cmpi ne, %rem3A_115, %ne3A_116 : i32
      %lt3A_118 = arith.constant 0 : i32
      %lt3A_119 = arith.cmpi slt, %rem3A_115, %lt3A_118 : i32
      %lt3A_120 = arith.constant 0 : i32
      %lt3A_121 = arith.cmpi slt, %select_n3A_114, %lt3A_120 : i32
      %ne3A_122 = arith.xori %lt3A_119, %lt3A_121 : i1
      %and3A_123 = arith.andi %ne3A_122, %ne3A_117 : i1
      %add3A_124 = arith.addi %rem3A_115, %select_n3A_114 : i32
      %select_n3A_125 = arith.select %and3A_123, %add3A_124, %rem3A_115 : i32
      %dma_start3A_126 = arith.constant 0 : i32
      %dma_start3A_127 = arith.constant 0 : i32
      %dma_start3A_128 = tpu.memref_slice %arg9[%select_n3A_107, %dma_start3A_126, %dma_start3A_127] : memref<2x128x128xf32, #tpu.memory_space<vmem>> -> memref<1x128x128xf32, #tpu.memory_space<vmem>>
      %dma_start3A_129 = tpu.memref_squeeze %dma_start3A_128 : memref<1x128x128xf32, #tpu.memory_space<vmem>> -> memref<128x128xf32, #tpu.memory_space<vmem>>
      %dma_start3A_130 = arith.constant 0 : i32
      %dma_start3A_131 = tpu.memref_slice %arg7[%min3A_96, %dma_start3A_130] : memref<40x128xi32, #tpu.memory_space<vmem>> -> memref<1x128xi32, #tpu.memory_space<vmem>>
      %dma_start3A_132 = tpu.memref_squeeze %dma_start3A_131 : memref<1x128xi32, #tpu.memory_space<vmem>> -> memref<128xi32, #tpu.memory_space<vmem>>
      %dma_start3A_133 = arith.constant 0 : i32
      %dma_start3A_134 = arith.constant 0 : i32
      %dma_start3A_135 = tpu.memref_slice %arg2[%dma_start3A_133, %dma_start3A_134] : memref<20224x128xf32, #tpu.memory_space<hbm>> -> memref<20224x128xf32, #tpu.memory_space<hbm>>
      %dma_start3A_136 = tpu.memref_slice %arg10[%select_n3A_125] : memref<2x!tpu.dma_semaphore, #tpu.memory_space<semaphore_mem>> -> memref<1x!tpu.dma_semaphore, #tpu.memory_space<semaphore_mem>>
      %dma_start3A_137 = tpu.memref_squeeze %dma_start3A_136 : memref<1x!tpu.dma_semaphore, #tpu.memory_space<semaphore_mem>> -> memref<!tpu.dma_semaphore, #tpu.memory_space<semaphore_mem>>
      tpu.enqueue_indirect_dma source(%dma_start3A_135 : memref<20224x128xf32, #tpu.memory_space<hbm>>) target(%dma_start3A_129 : memref<128x128xf32, #tpu.memory_space<vmem>>) offsets(%dma_start3A_132 : memref<128xi32, #tpu.memory_space<vmem>>) semaphore(%dma_start3A_137 : memref<!tpu.dma_semaphore, #tpu.memory_space<semaphore_mem>>)
      %jit3A_138 = arith.constant 2 : i32
      %eq3A_139 = arith.constant 0 : i32
      %eq3A_140 = arith.cmpi eq, %jit3A_138, %eq3A_139 : i32
      %jit3A_141 = arith.constant 1 : i32
      %select_n3A_142 = arith.select %eq3A_140, %jit3A_141, %jit3A_138 : i32
      %rem3A_143 = arith.remsi %scan3A_93, %select_n3A_142 : i32
      %ne3A_144 = arith.constant 0 : i32
      %ne3A_145 = arith.cmpi ne, %rem3A_143, %ne3A_144 : i32
      %lt3A_146 = arith.constant 0 : i32
      %lt3A_147 = arith.cmpi slt, %rem3A_143, %lt3A_146 : i32
      %lt3A_148 = arith.constant 0 : i32
      %lt3A_149 = arith.cmpi slt, %select_n3A_142, %lt3A_148 : i32
      %ne3A_150 = arith.xori %lt3A_147, %lt3A_149 : i1
      %and3A_151 = arith.andi %ne3A_150, %ne3A_145 : i1
      %add3A_152 = arith.addi %rem3A_143, %select_n3A_142 : i32
      %select_n3A_153 = arith.select %and3A_151, %add3A_152, %rem3A_143 : i32
      %jit3A_154 = arith.constant 2 : i32
      %eq3A_155 = arith.constant 0 : i32
      %eq3A_156 = arith.cmpi eq, %jit3A_154, %eq3A_155 : i32
      %jit3A_157 = arith.constant 1 : i32
      %select_n3A_158 = arith.select %eq3A_156, %jit3A_157, %jit3A_154 : i32
      %rem3A_159 = arith.remsi %scan3A_93, %select_n3A_158 : i32
      %ne3A_160 = arith.constant 0 : i32
      %ne3A_161 = arith.cmpi ne, %rem3A_159, %ne3A_160 : i32
      %lt3A_162 = arith.constant 0 : i32
      %lt3A_163 = arith.cmpi slt, %rem3A_159, %lt3A_162 : i32
      %lt3A_164 = arith.constant 0 : i32
      %lt3A_165 = arith.cmpi slt, %select_n3A_158, %lt3A_164 : i32
      %ne3A_166 = arith.xori %lt3A_163, %lt3A_165 : i1
      %and3A_167 = arith.andi %ne3A_166, %ne3A_161 : i1
      %add3A_168 = arith.addi %rem3A_159, %select_n3A_158 : i32
      %select_n3A_169 = arith.select %and3A_167, %add3A_168, %rem3A_159 : i32
      %dma_wait3A_170 = arith.constant 0 : i32
      %dma_wait3A_171 = arith.constant 0 : i32
      %dma_wait3A_172 = tpu.memref_slice %arg9[%select_n3A_153, %dma_wait3A_170, %dma_wait3A_171] : memref<2x128x128xf32, #tpu.memory_space<vmem>> -> memref<1x128x128xf32, #tpu.memory_space<vmem>>
      %dma_wait3A_173 = tpu.memref_squeeze %dma_wait3A_172 : memref<1x128x128xf32, #tpu.memory_space<vmem>> -> memref<128x128xf32, #tpu.memory_space<vmem>>
      %dma_wait3A_174 = arith.constant 0 : i32
      %dma_wait3A_175 = tpu.memref_slice %arg7[%scan3A_93, %dma_wait3A_174] : memref<40x128xi32, #tpu.memory_space<vmem>> -> memref<1x128xi32, #tpu.memory_space<vmem>>
      %dma_wait3A_176 = tpu.memref_squeeze %dma_wait3A_175 : memref<1x128xi32, #tpu.memory_space<vmem>> -> memref<128xi32, #tpu.memory_space<vmem>>
      %dma_wait3A_177 = arith.constant 0 : i32
      %dma_wait3A_178 = arith.constant 0 : i32
      %dma_wait3A_179 = tpu.memref_slice %arg2[%dma_wait3A_177, %dma_wait3A_178] : memref<20224x128xf32, #tpu.memory_space<hbm>> -> memref<20224x128xf32, #tpu.memory_space<hbm>>
      %dma_wait3A_180 = tpu.memref_slice %arg10[%select_n3A_169] : memref<2x!tpu.dma_semaphore, #tpu.memory_space<semaphore_mem>> -> memref<1x!tpu.dma_semaphore, #tpu.memory_space<semaphore_mem>>
      %dma_wait3A_181 = tpu.memref_squeeze %dma_wait3A_180 : memref<1x!tpu.dma_semaphore, #tpu.memory_space<semaphore_mem>> -> memref<!tpu.dma_semaphore, #tpu.memory_space<semaphore_mem>>
      tpu.wait_indirect_dma semaphore(%dma_wait3A_181 : memref<!tpu.dma_semaphore, #tpu.memory_space<semaphore_mem>>) src(%dma_wait3A_179 : memref<20224x128xf32, #tpu.memory_space<hbm>>) dst(%dma_wait3A_173 : memref<128x128xf32, #tpu.memory_space<vmem>>)
      %jit3A_182 = arith.constant 2 : i32
      %eq3A_183 = arith.constant 0 : i32
      %eq3A_184 = arith.cmpi eq, %jit3A_182, %eq3A_183 : i32
      %jit3A_185 = arith.constant 1 : i32
      %select_n3A_186 = arith.select %eq3A_184, %jit3A_185, %jit3A_182 : i32
      %rem3A_187 = arith.remsi %scan3A_93, %select_n3A_186 : i32
      %ne3A_188 = arith.constant 0 : i32
      %ne3A_189 = arith.cmpi ne, %rem3A_187, %ne3A_188 : i32
      %lt3A_190 = arith.constant 0 : i32
      %lt3A_191 = arith.cmpi slt, %rem3A_187, %lt3A_190 : i32
      %lt3A_192 = arith.constant 0 : i32
      %lt3A_193 = arith.cmpi slt, %select_n3A_186, %lt3A_192 : i32
      %ne3A_194 = arith.xori %lt3A_191, %lt3A_193 : i1
      %and3A_195 = arith.andi %ne3A_194, %ne3A_189 : i1
      %add3A_196 = arith.addi %rem3A_187, %select_n3A_186 : i32
      %select_n3A_197 = arith.select %and3A_195, %add3A_196, %rem3A_187 : i32
      "tpu.region"() ({
        %run_scoped3A = tpu.sem_alloc : memref<!tpu.dma_semaphore, #tpu.memory_space<semaphore_mem>>
        %dma_start3A_198 = arith.constant 0 : i32
        %dma_start3A_199 = arith.constant 0 : i32
        %dma_start3A_200 = tpu.memref_slice %arg9[%select_n3A_197, %dma_start3A_198, %dma_start3A_199] : memref<2x128x128xf32, #tpu.memory_space<vmem>> -> memref<1x128x128xf32, #tpu.memory_space<vmem>>
        %dma_start3A_201 = tpu.memref_squeeze %dma_start3A_200 : memref<1x128x128xf32, #tpu.memory_space<vmem>> -> memref<128x128xf32, #tpu.memory_space<vmem>>
        %dma_start3A_202 = arith.constant 0 : i32
        %dma_start3A_203 = tpu.memref_slice %arg8[%scan3A_93, %dma_start3A_202] : memref<40x128xi32, #tpu.memory_space<vmem>> -> memref<1x128xi32, #tpu.memory_space<vmem>>
        %dma_start3A_204 = tpu.memref_squeeze %dma_start3A_203 : memref<1x128xi32, #tpu.memory_space<vmem>> -> memref<128xi32, #tpu.memory_space<vmem>>
        %dma_start3A_205 = arith.constant 0 : i32
        %dma_start3A_206 = arith.constant 0 : i32
        %dma_start3A_207 = tpu.memref_slice %arg6[%dma_start3A_205, %dma_start3A_206] : memref<10112x128xf32, #tpu.memory_space<vmem_shared>> -> memref<10112x128xf32, #tpu.memory_space<vmem_shared>>
        tpu.enqueue_indirect_dma source(%dma_start3A_201 : memref<128x128xf32, #tpu.memory_space<vmem>>) target(%dma_start3A_207 : memref<10112x128xf32, #tpu.memory_space<vmem_shared>>) offsets(%dma_start3A_204 : memref<128xi32, #tpu.memory_space<vmem>>) semaphore(%run_scoped3A : memref<!tpu.dma_semaphore, #tpu.memory_space<semaphore_mem>>) {add = true}
        %dma_wait3A_208 = arith.constant 0 : i32
        %dma_wait3A_209 = arith.constant 0 : i32
        %dma_wait3A_210 = tpu.memref_slice %arg9[%select_n3A_197, %dma_wait3A_208, %dma_wait3A_209] : memref<2x128x128xf32, #tpu.memory_space<vmem>> -> memref<1x128x128xf32, #tpu.memory_space<vmem>>
        %dma_wait3A_211 = tpu.memref_squeeze %dma_wait3A_210 : memref<1x128x128xf32, #tpu.memory_space<vmem>> -> memref<128x128xf32, #tpu.memory_space<vmem>>
        %dma_wait3A_212 = arith.constant 0 : i32
        %dma_wait3A_213 = tpu.memref_slice %arg8[%scan3A_93, %dma_wait3A_212] : memref<40x128xi32, #tpu.memory_space<vmem>> -> memref<1x128xi32, #tpu.memory_space<vmem>>
        %dma_wait3A_214 = tpu.memref_squeeze %dma_wait3A_213 : memref<1x128xi32, #tpu.memory_space<vmem>> -> memref<128xi32, #tpu.memory_space<vmem>>
        %dma_wait3A_215 = arith.constant 0 : i32
        %dma_wait3A_216 = arith.constant 0 : i32
        %dma_wait3A_217 = tpu.memref_slice %arg6[%dma_wait3A_215, %dma_wait3A_216] : memref<10112x128xf32, #tpu.memory_space<vmem_shared>> -> memref<10112x128xf32, #tpu.memory_space<vmem_shared>>
        tpu.wait_indirect_dma semaphore(%run_scoped3A : memref<!tpu.dma_semaphore, #tpu.memory_space<semaphore_mem>>) src(%dma_wait3A_211 : memref<128x128xf32, #tpu.memory_space<vmem>>) dst(%dma_wait3A_217 : memref<10112x128xf32, #tpu.memory_space<vmem_shared>>)
        tpu.yield
      }) : () -> ()
    }
    %scan3A_76 = arith.constant 40 : i32
    %dma_wait3A_77 = arith.constant 39 : i32
    %dma_wait3A_78 = arith.constant 0 : i32
    %dma_wait3A_79 = arith.constant 0 : i32
    %dma_wait3A_80 = arith.constant 0 : i32
    %dma_wait3A_81 = arith.constant 0 : i32
    %dma_wait3A_82 = tpu.memref_slice %arg9[%dma_wait3A_78, %dma_wait3A_80, %dma_wait3A_81] : memref<2x128x128xf32, #tpu.memory_space<vmem>> -> memref<1x128x128xf32, #tpu.memory_space<vmem>>
    %dma_wait3A_83 = tpu.memref_squeeze %dma_wait3A_82 : memref<1x128x128xf32, #tpu.memory_space<vmem>> -> memref<128x128xf32, #tpu.memory_space<vmem>>
    %dma_wait3A_84 = arith.constant 0 : i32
    %dma_wait3A_85 = tpu.memref_slice %arg7[%dma_wait3A_77, %dma_wait3A_84] : memref<40x128xi32, #tpu.memory_space<vmem>> -> memref<1x128xi32, #tpu.memory_space<vmem>>
    %dma_wait3A_86 = tpu.memref_squeeze %dma_wait3A_85 : memref<1x128xi32, #tpu.memory_space<vmem>> -> memref<128xi32, #tpu.memory_space<vmem>>
    %dma_wait3A_87 = arith.constant 0 : i32
    %dma_wait3A_88 = arith.constant 0 : i32
    %dma_wait3A_89 = tpu.memref_slice %arg2[%dma_wait3A_87, %dma_wait3A_88] : memref<20224x128xf32, #tpu.memory_space<hbm>> -> memref<20224x128xf32, #tpu.memory_space<hbm>>
    %dma_wait3A_90 = tpu.memref_slice %arg10[%dma_wait3A_79] : memref<2x!tpu.dma_semaphore, #tpu.memory_space<semaphore_mem>> -> memref<1x!tpu.dma_semaphore, #tpu.memory_space<semaphore_mem>>
    %dma_wait3A_91 = tpu.memref_squeeze %dma_wait3A_90 : memref<1x!tpu.dma_semaphore, #tpu.memory_space<semaphore_mem>> -> memref<!tpu.dma_semaphore, #tpu.memory_space<semaphore_mem>>
    tpu.wait_indirect_dma semaphore(%dma_wait3A_91 : memref<!tpu.dma_semaphore, #tpu.memory_space<semaphore_mem>>) src(%dma_wait3A_89 : memref<20224x128xf32, #tpu.memory_space<hbm>>) dst(%dma_wait3A_83 : memref<128x128xf32, #tpu.memory_space<vmem>>)
    %barrier3A_92 = arith.constant 0 : index
    tpu.barrier barrier_id(%barrier3A_92)
    "tpu.region"() ({
      %run_scoped3A = tpu.sem_alloc : memref<!tpu.dma_semaphore, #tpu.memory_space<semaphore_mem>>
      %dma_start3A_93 = arith.constant 0 : i32
      %dma_start3A_94 = arith.constant 0 : i32
      %dma_start3A_95 = tpu.memref_slice %arg5[%arg0, %dma_start3A_93, %dma_start3A_94] : memref<2x10112x128xf32, #tpu.memory_space<hbm>> -> memref<1x10112x128xf32, #tpu.memory_space<hbm>>
      %dma_start3A_96 = tpu.memref_squeeze %dma_start3A_95 : memref<1x10112x128xf32, #tpu.memory_space<hbm>> -> memref<10112x128xf32, #tpu.memory_space<hbm>>
      %dma_start3A_97 = arith.constant 0 : i32
      %dma_start3A_98 = tpu.memref_slice %dma_start3A_96[%mul3A_2, %dma_start3A_97] : memref<10112x128xf32, #tpu.memory_space<hbm>> -> memref<632x128xf32, #tpu.memory_space<hbm>>
      %dma_start3A_99 = arith.constant 0 : i32
      %dma_start3A_100 = tpu.memref_slice %arg6[%mul3A_2, %dma_start3A_99] : memref<10112x128xf32, #tpu.memory_space<vmem_shared>> -> memref<632x128xf32, #tpu.memory_space<vmem_shared>>
      tpu.enqueue_dma source(%dma_start3A_100 : memref<632x128xf32, #tpu.memory_space<vmem_shared>>) target(%dma_start3A_98 : memref<632x128xf32, #tpu.memory_space<hbm>>) target_semaphore(%run_scoped3A : memref<!tpu.dma_semaphore, #tpu.memory_space<semaphore_mem>>)
      %dma_wait3A_101 = arith.constant 0 : i32
      %dma_wait3A_102 = arith.constant 0 : i32
      %dma_wait3A_103 = tpu.memref_slice %arg5[%arg0, %dma_wait3A_101, %dma_wait3A_102] : memref<2x10112x128xf32, #tpu.memory_space<hbm>> -> memref<1x10112x128xf32, #tpu.memory_space<hbm>>
      %dma_wait3A_104 = tpu.memref_squeeze %dma_wait3A_103 : memref<1x10112x128xf32, #tpu.memory_space<hbm>> -> memref<10112x128xf32, #tpu.memory_space<hbm>>
      %dma_wait3A_105 = arith.constant 0 : i32
      %dma_wait3A_106 = tpu.memref_slice %dma_wait3A_104[%mul3A_2, %dma_wait3A_105] : memref<10112x128xf32, #tpu.memory_space<hbm>> -> memref<632x128xf32, #tpu.memory_space<hbm>>
      %dma_wait3A_107 = arith.constant 0 : i32
      %dma_wait3A_108 = tpu.memref_slice %arg6[%mul3A_2, %dma_wait3A_107] : memref<10112x128xf32, #tpu.memory_space<vmem_shared>> -> memref<632x128xf32, #tpu.memory_space<vmem_shared>>
      tpu.wait_dma2 semaphore(%run_scoped3A : memref<!tpu.dma_semaphore, #tpu.memory_space<semaphore_mem>>) src(%dma_wait3A_108 : memref<632x128xf32, #tpu.memory_space<vmem_shared>>) dst(%dma_wait3A_106 : memref<632x128xf32, #tpu.memory_space<hbm>>)
      tpu.yield
    }) : () -> ()
    return
  }
}

#map = affine_map<(d0, d1) -> (0, 0)>
#map1 = affine_map<(d0, d1) -> (0, 0, 0)>
module attributes {stable_mosaic.version = 14 : i64} {
  func.func @seg_sum(%arg0: i32, %arg1: i32, %arg2: memref<20224x128xf32, #tpu.memory_space<hbm>>, %arg3: memref<2560x128xi32, #tpu.memory_space<hbm>>, %arg4: memref<2560x128xi32, #tpu.memory_space<hbm>>, %arg5: memref<2x10112x128xf32, #tpu.memory_space<hbm>>, %arg6: memref<10112x128xf32, #tpu.memory_space<vmem_shared>>, %arg7: memref<40x128xi32, #tpu.memory_space<vmem>>, %arg8: memref<40x128xi32, #tpu.memory_space<vmem>>, %arg9: memref<2x128x128xf32, #tpu.memory_space<vmem>>, %arg10: memref<2x!tpu.dma_semaphore, #tpu.memory_space<semaphore_mem>>, %arg11: memref<!tpu.dma_semaphore, #tpu.memory_space<semaphore_mem>>) attributes {dimension_semantics = [#tpu.dimension_semantics<core_parallel>, #tpu.dimension_semantics<subcore_parallel>], iteration_bounds = array<i64: 2, 16>, scalar_prefetch = 0 : i64, scratch_operands = 6 : i64, tpu.core_type = #tpu.core_type<sc_vector_subcore>, window_params = [{transform_indices = #map}, {transform_indices = #map}, {transform_indices = #map}, {transform_indices = #map1}]} {
    %mul3A = arith.constant 2 : i32
    %mul3A_0 = arith.muli %arg1, %mul3A : i32
    %add3A = arith.addi %mul3A_0, %arg0 : i32
    %mul3A_1 = arith.constant 632 : i32
    %mul3A_2 = arith.muli %arg1, %mul3A_1 : i32
    %mul3A_3 = arith.constant 80 : i32
    %mul3A_4 = arith.muli %add3A, %mul3A_3 : i32
    %mul3A_5 = arith.constant 10112 : i32
    %mul3A_6 = arith.muli %arg0, %mul3A_5 : i32
    %add3A_7 = arith.addi %mul3A_6, %mul3A_2 : i32
    %dma_start3A = arith.constant 0 : i32
    %dma_start3A_8 = tpu.memref_slice %arg6[%mul3A_2, %dma_start3A] : memref<10112x128xf32, #tpu.memory_space<vmem_shared>> -> memref<632x128xf32, #tpu.memory_space<vmem_shared>>
    %dma_start3A_9 = arith.constant 0 : i32
    %dma_start3A_10 = tpu.memref_slice %arg2[%add3A_7, %dma_start3A_9] : memref<20224x128xf32, #tpu.memory_space<hbm>> -> memref<632x128xf32, #tpu.memory_space<hbm>>
    tpu.enqueue_dma source(%dma_start3A_10 : memref<632x128xf32, #tpu.memory_space<hbm>>) target(%dma_start3A_8 : memref<632x128xf32, #tpu.memory_space<vmem_shared>>) target_semaphore(%arg11 : memref<!tpu.dma_semaphore, #tpu.memory_space<semaphore_mem>>)
    %add3A_11 = arith.constant 0 : i32
    %add3A_12 = arith.addi %mul3A_4, %add3A_11 : i32
    "tpu.region"() ({
      %run_scoped3A = tpu.sem_alloc : memref<!tpu.dma_semaphore, #tpu.memory_space<semaphore_mem>>
      %dma_start3A_93 = arith.constant 0 : i32
      %dma_start3A_94 = tpu.memref_slice %arg3[%add3A_12, %dma_start3A_93] : memref<2560x128xi32, #tpu.memory_space<hbm>> -> memref<40x128xi32, #tpu.memory_space<hbm>>
      %dma_start3A_95 = arith.constant 0 : i32
      %dma_start3A_96 = tpu.memref_slice %arg3[%add3A_12, %dma_start3A_95] : memref<2560x128xi32, #tpu.memory_space<hbm>> -> memref<40x128xi32, #tpu.memory_space<hbm>>
      tpu.enqueue_dma source(%dma_start3A_96 : memref<40x128xi32, #tpu.memory_space<hbm>>) target(%arg7 : memref<40x128xi32, #tpu.memory_space<vmem>>) target_semaphore(%run_scoped3A : memref<!tpu.dma_semaphore, #tpu.memory_space<semaphore_mem>>)
      %dma_wait3A_97 = arith.constant 0 : i32
      %dma_wait3A_98 = tpu.memref_slice %arg3[%add3A_12, %dma_wait3A_97] : memref<2560x128xi32, #tpu.memory_space<hbm>> -> memref<40x128xi32, #tpu.memory_space<hbm>>
      %dma_wait3A_99 = arith.constant 0 : i32
      %dma_wait3A_100 = tpu.memref_slice %arg3[%add3A_12, %dma_wait3A_99] : memref<2560x128xi32, #tpu.memory_space<hbm>> -> memref<40x128xi32, #tpu.memory_space<hbm>>
      tpu.wait_dma2 semaphore(%run_scoped3A : memref<!tpu.dma_semaphore, #tpu.memory_space<semaphore_mem>>) src(%dma_wait3A_100 : memref<40x128xi32, #tpu.memory_space<hbm>>) dst(%arg7 : memref<40x128xi32, #tpu.memory_space<vmem>>)
      tpu.yield
    }) : () -> ()
    "tpu.region"() ({
      %run_scoped3A = tpu.sem_alloc : memref<!tpu.dma_semaphore, #tpu.memory_space<semaphore_mem>>
      %dma_start3A_93 = arith.constant 0 : i32
      %dma_start3A_94 = tpu.memref_slice %arg4[%add3A_12, %dma_start3A_93] : memref<2560x128xi32, #tpu.memory_space<hbm>> -> memref<40x128xi32, #tpu.memory_space<hbm>>
      %dma_start3A_95 = arith.constant 0 : i32
      %dma_start3A_96 = tpu.memref_slice %arg4[%add3A_12, %dma_start3A_95] : memref<2560x128xi32, #tpu.memory_space<hbm>> -> memref<40x128xi32, #tpu.memory_space<hbm>>
      tpu.enqueue_dma source(%dma_start3A_96 : memref<40x128xi32, #tpu.memory_space<hbm>>) target(%arg8 : memref<40x128xi32, #tpu.memory_space<vmem>>) target_semaphore(%run_scoped3A : memref<!tpu.dma_semaphore, #tpu.memory_space<semaphore_mem>>)
      %dma_wait3A_97 = arith.constant 0 : i32
      %dma_wait3A_98 = tpu.memref_slice %arg4[%add3A_12, %dma_wait3A_97] : memref<2560x128xi32, #tpu.memory_space<hbm>> -> memref<40x128xi32, #tpu.memory_space<hbm>>
      %dma_wait3A_99 = arith.constant 0 : i32
      %dma_wait3A_100 = tpu.memref_slice %arg4[%add3A_12, %dma_wait3A_99] : memref<2560x128xi32, #tpu.memory_space<hbm>> -> memref<40x128xi32, #tpu.memory_space<hbm>>
      tpu.wait_dma2 semaphore(%run_scoped3A : memref<!tpu.dma_semaphore, #tpu.memory_space<semaphore_mem>>) src(%dma_wait3A_100 : memref<40x128xi32, #tpu.memory_space<hbm>>) dst(%arg8 : memref<40x128xi32, #tpu.memory_space<vmem>>)
      tpu.yield
    }) : () -> ()
    %dma_start3A_13 = arith.constant 0 : i32
    %dma_start3A_14 = arith.constant 0 : i32
    %dma_start3A_15 = arith.constant 0 : i32
    %dma_start3A_16 = arith.constant 0 : i32
    %dma_start3A_17 = arith.constant 0 : i32
    %dma_start3A_18 = tpu.memref_slice %arg9[%dma_start3A_14, %dma_start3A_16, %dma_start3A_17] : memref<2x128x128xf32, #tpu.memory_space<vmem>> -> memref<1x128x128xf32, #tpu.memory_space<vmem>>
    %dma_start3A_19 = tpu.memref_squeeze %dma_start3A_18 : memref<1x128x128xf32, #tpu.memory_space<vmem>> -> memref<128x128xf32, #tpu.memory_space<vmem>>
    %dma_start3A_20 = arith.constant 0 : i32
    %dma_start3A_21 = tpu.memref_slice %arg7[%dma_start3A_13, %dma_start3A_20] : memref<40x128xi32, #tpu.memory_space<vmem>> -> memref<1x128xi32, #tpu.memory_space<vmem>>
    %dma_start3A_22 = tpu.memref_squeeze %dma_start3A_21 : memref<1x128xi32, #tpu.memory_space<vmem>> -> memref<128xi32, #tpu.memory_space<vmem>>
    %dma_start3A_23 = arith.constant 0 : i32
    %dma_start3A_24 = arith.constant 0 : i32
    %dma_start3A_25 = tpu.memref_slice %arg2[%dma_start3A_23, %dma_start3A_24] : memref<20224x128xf32, #tpu.memory_space<hbm>> -> memref<20224x128xf32, #tpu.memory_space<hbm>>
    %dma_start3A_26 = tpu.memref_slice %arg10[%dma_start3A_15] : memref<2x!tpu.dma_semaphore, #tpu.memory_space<semaphore_mem>> -> memref<1x!tpu.dma_semaphore, #tpu.memory_space<semaphore_mem>>
    %dma_start3A_27 = tpu.memref_squeeze %dma_start3A_26 : memref<1x!tpu.dma_semaphore, #tpu.memory_space<semaphore_mem>> -> memref<!tpu.dma_semaphore, #tpu.memory_space<semaphore_mem>>
    tpu.enqueue_indirect_dma source(%dma_start3A_25 : memref<20224x128xf32, #tpu.memory_space<hbm>>) target(%dma_start3A_19 : memref<128x128xf32, #tpu.memory_space<vmem>>) offsets(%dma_start3A_22 : memref<128xi32, #tpu.memory_space<vmem>>) semaphore(%dma_start3A_27 : memref<!tpu.dma_semaphore, #tpu.memory_space<semaphore_mem>>)
    %mul3A_28 = arith.constant 10112 : i32
    %mul3A_29 = arith.muli %arg0, %mul3A_28 : i32
    %add3A_30 = arith.addi %mul3A_29, %mul3A_2 : i32
    %dma_wait3A = arith.constant 0 : i32
    %dma_wait3A_31 = tpu.memref_slice %arg6[%mul3A_2, %dma_wait3A] : memref<10112x128xf32, #tpu.memory_space<vmem_shared>> -> memref<632x128xf32, #tpu.memory_space<vmem_shared>>
    %dma_wait3A_32 = arith.constant 0 : i32
    %dma_wait3A_33 = tpu.memref_slice %arg2[%add3A_30, %dma_wait3A_32] : memref<20224x128xf32, #tpu.memory_space<hbm>> -> memref<632x128xf32, #tpu.memory_space<hbm>>
    tpu.wait_dma2 semaphore(%arg11 : memref<!tpu.dma_semaphore, #tpu.memory_space<semaphore_mem>>) src(%dma_wait3A_33 : memref<632x128xf32, #tpu.memory_space<hbm>>) dst(%dma_wait3A_31 : memref<632x128xf32, #tpu.memory_space<vmem_shared>>)
    %barrier3A = arith.constant 0 : index
    tpu.barrier barrier_id(%barrier3A)
    %scan3A = arith.constant 0 : i32
    %scan3A_34 = arith.constant 0 : i32
    %scan3A_35 = arith.constant 40 : i32
    %scan3A_36 = arith.addi %scan3A_34, %scan3A_35 : i32
    %scan3A_37 = arith.constant 1 : i32
    scf.for %scan3A_93 = %scan3A_34 to %scan3A_36 step %scan3A_37  : i32 {
      %add3A_94 = arith.constant 1 : i32
      %add3A_95 = arith.addi %scan3A_93, %add3A_94 : i32
      %min3A = arith.constant 39 : i32
      %min3A_96 = arith.minsi %add3A_95, %min3A : i32
      %add3A_97 = arith.constant 1 : i32
      %add3A_98 = arith.addi %scan3A_93, %add3A_97 : i32
      %jit3A = arith.constant 2 : i32
      %eq3A = arith.constant 0 : i32
      %eq3A_99 = arith.cmpi eq, %jit3A, %eq3A : i32
      %jit3A_100 = arith.constant 1 : i32
      %select_n3A = arith.select %eq3A_99, %jit3A_100, %jit3A : i32
      %rem3A = arith.remsi %add3A_98, %select_n3A : i32
      %ne3A = arith.constant 0 : i32
      %ne3A_101 = arith.cmpi ne, %rem3A, %ne3A : i32
      %lt3A = arith.constant 0 : i32
      %lt3A_102 = arith.cmpi slt, %rem3A, %lt3A : i32
      %lt3A_103 = arith.constant 0 : i32
      %lt3A_104 = arith.cmpi slt, %select_n3A, %lt3A_103 : i32
      %ne3A_105 = arith.xori %lt3A_102, %lt3A_104 : i1
      %and3A = arith.andi %ne3A_105, %ne3A_101 : i1
      %add3A_106 = arith.addi %rem3A, %select_n3A : i32
      %select_n3A_107 = arith.select %and3A, %add3A_106, %rem3A : i32
      %add3A_108 = arith.constant 1 : i32
      %add3A_109 = arith.addi %scan3A_93, %add3A_108 : i32
      %jit3A_110 = arith.constant 2 : i32
      %eq3A_111 = arith.constant 0 : i32
      %eq3A_112 = arith.cmpi eq, %jit3A_110, %eq3A_111 : i32
      %jit3A_113 = arith.constant 1 : i32
      %select_n3A_114 = arith.select %eq3A_112, %jit3A_113, %jit3A_110 : i32
      %rem3A_115 = arith.remsi %add3A_109, %select_n3A_114 : i32
      %ne3A_116 = arith.constant 0 : i32
      %ne3A_117 = arith.cmpi ne, %rem3A_115, %ne3A_116 : i32
      %lt3A_118 = arith.constant 0 : i32
      %lt3A_119 = arith.cmpi slt, %rem3A_115, %lt3A_118 : i32
      %lt3A_120 = arith.constant 0 : i32
      %lt3A_121 = arith.cmpi slt, %select_n3A_114, %lt3A_120 : i32
      %ne3A_122 = arith.xori %lt3A_119, %lt3A_121 : i1
      %and3A_123 = arith.andi %ne3A_122, %ne3A_117 : i1
      %add3A_124 = arith.addi %rem3A_115, %select_n3A_114 : i32
      %select_n3A_125 = arith.select %and3A_123, %add3A_124, %rem3A_115 : i32
      %dma_start3A_126 = arith.constant 0 : i32
      %dma_start3A_127 = arith.constant 0 : i32
      %dma_start3A_128 = tpu.memref_slice %arg9[%select_n3A_107, %dma_start3A_126, %dma_start3A_127] : memref<2x128x128xf32, #tpu.memory_space<vmem>> -> memref<1x128x128xf32, #tpu.memory_space<vmem>>
      %dma_start3A_129 = tpu.memref_squeeze %dma_start3A_128 : memref<1x128x128xf32, #tpu.memory_space<vmem>> -> memref<128x128xf32, #tpu.memory_space<vmem>>
      %dma_start3A_130 = arith.constant 0 : i32
      %dma_start3A_131 = tpu.memref_slice %arg7[%min3A_96, %dma_start3A_130] : memref<40x128xi32, #tpu.memory_space<vmem>> -> memref<1x128xi32, #tpu.memory_space<vmem>>
      %dma_start3A_132 = tpu.memref_squeeze %dma_start3A_131 : memref<1x128xi32, #tpu.memory_space<vmem>> -> memref<128xi32, #tpu.memory_space<vmem>>
      %dma_start3A_133 = arith.constant 0 : i32
      %dma_start3A_134 = arith.constant 0 : i32
      %dma_start3A_135 = tpu.memref_slice %arg2[%dma_start3A_133, %dma_start3A_134] : memref<20224x128xf32, #tpu.memory_space<hbm>> -> memref<20224x128xf32, #tpu.memory_space<hbm>>
      %dma_start3A_136 = tpu.memref_slice %arg10[%select_n3A_125] : memref<2x!tpu.dma_semaphore, #tpu.memory_space<semaphore_mem>> -> memref<1x!tpu.dma_semaphore, #tpu.memory_space<semaphore_mem>>
      %dma_start3A_137 = tpu.memref_squeeze %dma_start3A_136 : memref<1x!tpu.dma_semaphore, #tpu.memory_space<semaphore_mem>> -> memref<!tpu.dma_semaphore, #tpu.memory_space<semaphore_mem>>
      tpu.enqueue_indirect_dma source(%dma_start3A_135 : memref<20224x128xf32, #tpu.memory_space<hbm>>) target(%dma_start3A_129 : memref<128x128xf32, #tpu.memory_space<vmem>>) offsets(%dma_start3A_132 : memref<128xi32, #tpu.memory_space<vmem>>) semaphore(%dma_start3A_137 : memref<!tpu.dma_semaphore, #tpu.memory_space<semaphore_mem>>)
      %jit3A_138 = arith.constant 2 : i32
      %eq3A_139 = arith.constant 0 : i32
      %eq3A_140 = arith.cmpi eq, %jit3A_138, %eq3A_139 : i32
      %jit3A_141 = arith.constant 1 : i32
      %select_n3A_142 = arith.select %eq3A_140, %jit3A_141, %jit3A_138 : i32
      %rem3A_143 = arith.remsi %scan3A_93, %select_n3A_142 : i32
      %ne3A_144 = arith.constant 0 : i32
      %ne3A_145 = arith.cmpi ne, %rem3A_143, %ne3A_144 : i32
      %lt3A_146 = arith.constant 0 : i32
      %lt3A_147 = arith.cmpi slt, %rem3A_143, %lt3A_146 : i32
      %lt3A_148 = arith.constant 0 : i32
      %lt3A_149 = arith.cmpi slt, %select_n3A_142, %lt3A_148 : i32
      %ne3A_150 = arith.xori %lt3A_147, %lt3A_149 : i1
      %and3A_151 = arith.andi %ne3A_150, %ne3A_145 : i1
      %add3A_152 = arith.addi %rem3A_143, %select_n3A_142 : i32
      %select_n3A_153 = arith.select %and3A_151, %add3A_152, %rem3A_143 : i32
      %jit3A_154 = arith.constant 2 : i32
      %eq3A_155 = arith.constant 0 : i32
      %eq3A_156 = arith.cmpi eq, %jit3A_154, %eq3A_155 : i32
      %jit3A_157 = arith.constant 1 : i32
      %select_n3A_158 = arith.select %eq3A_156, %jit3A_157, %jit3A_154 : i32
      %rem3A_159 = arith.remsi %scan3A_93, %select_n3A_158 : i32
      %ne3A_160 = arith.constant 0 : i32
      %ne3A_161 = arith.cmpi ne, %rem3A_159, %ne3A_160 : i32
      %lt3A_162 = arith.constant 0 : i32
      %lt3A_163 = arith.cmpi slt, %rem3A_159, %lt3A_162 : i32
      %lt3A_164 = arith.constant 0 : i32
      %lt3A_165 = arith.cmpi slt, %select_n3A_158, %lt3A_164 : i32
      %ne3A_166 = arith.xori %lt3A_163, %lt3A_165 : i1
      %and3A_167 = arith.andi %ne3A_166, %ne3A_161 : i1
      %add3A_168 = arith.addi %rem3A_159, %select_n3A_158 : i32
      %select_n3A_169 = arith.select %and3A_167, %add3A_168, %rem3A_159 : i32
      %dma_wait3A_170 = arith.constant 0 : i32
      %dma_wait3A_171 = arith.constant 0 : i32
      %dma_wait3A_172 = tpu.memref_slice %arg9[%select_n3A_153, %dma_wait3A_170, %dma_wait3A_171] : memref<2x128x128xf32, #tpu.memory_space<vmem>> -> memref<1x128x128xf32, #tpu.memory_space<vmem>>
      %dma_wait3A_173 = tpu.memref_squeeze %dma_wait3A_172 : memref<1x128x128xf32, #tpu.memory_space<vmem>> -> memref<128x128xf32, #tpu.memory_space<vmem>>
      %dma_wait3A_174 = arith.constant 0 : i32
      %dma_wait3A_175 = tpu.memref_slice %arg7[%scan3A_93, %dma_wait3A_174] : memref<40x128xi32, #tpu.memory_space<vmem>> -> memref<1x128xi32, #tpu.memory_space<vmem>>
      %dma_wait3A_176 = tpu.memref_squeeze %dma_wait3A_175 : memref<1x128xi32, #tpu.memory_space<vmem>> -> memref<128xi32, #tpu.memory_space<vmem>>
      %dma_wait3A_177 = arith.constant 0 : i32
      %dma_wait3A_178 = arith.constant 0 : i32
      %dma_wait3A_179 = tpu.memref_slice %arg2[%dma_wait3A_177, %dma_wait3A_178] : memref<20224x128xf32, #tpu.memory_space<hbm>> -> memref<20224x128xf32, #tpu.memory_space<hbm>>
      %dma_wait3A_180 = tpu.memref_slice %arg10[%select_n3A_169] : memref<2x!tpu.dma_semaphore, #tpu.memory_space<semaphore_mem>> -> memref<1x!tpu.dma_semaphore, #tpu.memory_space<semaphore_mem>>
      %dma_wait3A_181 = tpu.memref_squeeze %dma_wait3A_180 : memref<1x!tpu.dma_semaphore, #tpu.memory_space<semaphore_mem>> -> memref<!tpu.dma_semaphore, #tpu.memory_space<semaphore_mem>>
      tpu.wait_indirect_dma semaphore(%dma_wait3A_181 : memref<!tpu.dma_semaphore, #tpu.memory_space<semaphore_mem>>) src(%dma_wait3A_179 : memref<20224x128xf32, #tpu.memory_space<hbm>>) dst(%dma_wait3A_173 : memref<128x128xf32, #tpu.memory_space<vmem>>)
      %jit3A_182 = arith.constant 2 : i32
      %eq3A_183 = arith.constant 0 : i32
      %eq3A_184 = arith.cmpi eq, %jit3A_182, %eq3A_183 : i32
      %jit3A_185 = arith.constant 1 : i32
      %select_n3A_186 = arith.select %eq3A_184, %jit3A_185, %jit3A_182 : i32
      %rem3A_187 = arith.remsi %scan3A_93, %select_n3A_186 : i32
      %ne3A_188 = arith.constant 0 : i32
      %ne3A_189 = arith.cmpi ne, %rem3A_187, %ne3A_188 : i32
      %lt3A_190 = arith.constant 0 : i32
      %lt3A_191 = arith.cmpi slt, %rem3A_187, %lt3A_190 : i32
      %lt3A_192 = arith.constant 0 : i32
      %lt3A_193 = arith.cmpi slt, %select_n3A_186, %lt3A_192 : i32
      %ne3A_194 = arith.xori %lt3A_191, %lt3A_193 : i1
      %and3A_195 = arith.andi %ne3A_194, %ne3A_189 : i1
      %add3A_196 = arith.addi %rem3A_187, %select_n3A_186 : i32
      %select_n3A_197 = arith.select %and3A_195, %add3A_196, %rem3A_187 : i32
      "tpu.region"() ({
        %run_scoped3A = tpu.sem_alloc : memref<!tpu.dma_semaphore, #tpu.memory_space<semaphore_mem>>
        %dma_start3A_198 = arith.constant 0 : i32
        %dma_start3A_199 = arith.constant 0 : i32
        %dma_start3A_200 = tpu.memref_slice %arg9[%select_n3A_197, %dma_start3A_198, %dma_start3A_199] : memref<2x128x128xf32, #tpu.memory_space<vmem>> -> memref<1x128x128xf32, #tpu.memory_space<vmem>>
        %dma_start3A_201 = tpu.memref_squeeze %dma_start3A_200 : memref<1x128x128xf32, #tpu.memory_space<vmem>> -> memref<128x128xf32, #tpu.memory_space<vmem>>
        %dma_start3A_202 = arith.constant 0 : i32
        %dma_start3A_203 = tpu.memref_slice %arg8[%scan3A_93, %dma_start3A_202] : memref<40x128xi32, #tpu.memory_space<vmem>> -> memref<1x128xi32, #tpu.memory_space<vmem>>
        %dma_start3A_204 = tpu.memref_squeeze %dma_start3A_203 : memref<1x128xi32, #tpu.memory_space<vmem>> -> memref<128xi32, #tpu.memory_space<vmem>>
        %dma_start3A_205 = arith.constant 0 : i32
        %dma_start3A_206 = arith.constant 0 : i32
        %dma_start3A_207 = tpu.memref_slice %arg6[%dma_start3A_205, %dma_start3A_206] : memref<10112x128xf32, #tpu.memory_space<vmem_shared>> -> memref<10112x128xf32, #tpu.memory_space<vmem_shared>>
        tpu.enqueue_indirect_dma source(%dma_start3A_201 : memref<128x128xf32, #tpu.memory_space<vmem>>) target(%dma_start3A_207 : memref<10112x128xf32, #tpu.memory_space<vmem_shared>>) offsets(%dma_start3A_204 : memref<128xi32, #tpu.memory_space<vmem>>) semaphore(%run_scoped3A : memref<!tpu.dma_semaphore, #tpu.memory_space<semaphore_mem>>) {add = true}
        %dma_wait3A_208 = arith.constant 0 : i32
        %dma_wait3A_209 = arith.constant 0 : i32
        %dma_wait3A_210 = tpu.memref_slice %arg9[%select_n3A_197, %dma_wait3A_208, %dma_wait3A_209] : memref<2x128x128xf32, #tpu.memory_space<vmem>> -> memref<1x128x128xf32, #tpu.memory_space<vmem>>
        %dma_wait3A_211 = tpu.memref_squeeze %dma_wait3A_210 : memref<1x128x128xf32, #tpu.memory_space<vmem>> -> memref<128x128xf32, #tpu.memory_space<vmem>>
        %dma_wait3A_212 = arith.constant 0 : i32
        %dma_wait3A_213 = tpu.memref_slice %arg8[%scan3A_93, %dma_wait3A_212] : memref<40x128xi32, #tpu.memory_space<vmem>> -> memref<1x128xi32, #tpu.memory_space<vmem>>
        %dma_wait3A_214 = tpu.memref_squeeze %dma_wait3A_213 : memref<1x128xi32, #tpu.memory_space<vmem>> -> memref<128xi32, #tpu.memory_space<vmem>>
        %dma_wait3A_215 = arith.constant 0 : i32
        %dma_wait3A_216 = arith.constant 0 : i32
        %dma_wait3A_217 = tpu.memref_slice %arg6[%dma_wait3A_215, %dma_wait3A_216] : memref<10112x128xf32, #tpu.memory_space<vmem_shared>> -> memref<10112x128xf32, #tpu.memory_space<vmem_shared>>
        tpu.wait_indirect_dma semaphore(%run_scoped3A : memref<!tpu.dma_semaphore, #tpu.memory_space<semaphore_mem>>) src(%dma_wait3A_211 : memref<128x128xf32, #tpu.memory_space<vmem>>) dst(%dma_wait3A_217 : memref<10112x128xf32, #tpu.memory_space<vmem_shared>>)
        tpu.yield
      }) : () -> ()
    }
    %scan3A_38 = arith.constant 40 : i32
    %dma_wait3A_39 = arith.constant 39 : i32
    %dma_wait3A_40 = arith.constant 0 : i32
    %dma_wait3A_41 = arith.constant 0 : i32
    %dma_wait3A_42 = arith.constant 0 : i32
    %dma_wait3A_43 = arith.constant 0 : i32
    %dma_wait3A_44 = tpu.memref_slice %arg9[%dma_wait3A_40, %dma_wait3A_42, %dma_wait3A_43] : memref<2x128x128xf32, #tpu.memory_space<vmem>> -> memref<1x128x128xf32, #tpu.memory_space<vmem>>
    %dma_wait3A_45 = tpu.memref_squeeze %dma_wait3A_44 : memref<1x128x128xf32, #tpu.memory_space<vmem>> -> memref<128x128xf32, #tpu.memory_space<vmem>>
    %dma_wait3A_46 = arith.constant 0 : i32
    %dma_wait3A_47 = tpu.memref_slice %arg7[%dma_wait3A_39, %dma_wait3A_46] : memref<40x128xi32, #tpu.memory_space<vmem>> -> memref<1x128xi32, #tpu.memory_space<vmem>>
    %dma_wait3A_48 = tpu.memref_squeeze %dma_wait3A_47 : memref<1x128xi32, #tpu.memory_space<vmem>> -> memref<128xi32, #tpu.memory_space<vmem>>
    %dma_wait3A_49 = arith.constant 0 : i32
    %dma_wait3A_50 = arith.constant 0 : i32
    %dma_wait3A_51 = tpu.memref_slice %arg2[%dma_wait3A_49, %dma_wait3A_50] : memref<20224x128xf32, #tpu.memory_space<hbm>> -> memref<20224x128xf32, #tpu.memory_space<hbm>>
    %dma_wait3A_52 = tpu.memref_slice %arg10[%dma_wait3A_41] : memref<2x!tpu.dma_semaphore, #tpu.memory_space<semaphore_mem>> -> memref<1x!tpu.dma_semaphore, #tpu.memory_space<semaphore_mem>>
    %dma_wait3A_53 = tpu.memref_squeeze %dma_wait3A_52 : memref<1x!tpu.dma_semaphore, #tpu.memory_space<semaphore_mem>> -> memref<!tpu.dma_semaphore, #tpu.memory_space<semaphore_mem>>
    tpu.wait_indirect_dma semaphore(%dma_wait3A_53 : memref<!tpu.dma_semaphore, #tpu.memory_space<semaphore_mem>>) src(%dma_wait3A_51 : memref<20224x128xf32, #tpu.memory_space<hbm>>) dst(%dma_wait3A_45 : memref<128x128xf32, #tpu.memory_space<vmem>>)
    %add3A_54 = arith.constant 40 : i32
    %add3A_55 = arith.addi %mul3A_4, %add3A_54 : i32
    "tpu.region"() ({
      %run_scoped3A = tpu.sem_alloc : memref<!tpu.dma_semaphore, #tpu.memory_space<semaphore_mem>>
      %dma_start3A_93 = arith.constant 0 : i32
      %dma_start3A_94 = tpu.memref_slice %arg3[%add3A_55, %dma_start3A_93] : memref<2560x128xi32, #tpu.memory_space<hbm>> -> memref<40x128xi32, #tpu.memory_space<hbm>>
      %dma_start3A_95 = arith.constant 0 : i32
      %dma_start3A_96 = tpu.memref_slice %arg3[%add3A_55, %dma_start3A_95] : memref<2560x128xi32, #tpu.memory_space<hbm>> -> memref<40x128xi32, #tpu.memory_space<hbm>>
      tpu.enqueue_dma source(%dma_start3A_96 : memref<40x128xi32, #tpu.memory_space<hbm>>) target(%arg7 : memref<40x128xi32, #tpu.memory_space<vmem>>) target_semaphore(%run_scoped3A : memref<!tpu.dma_semaphore, #tpu.memory_space<semaphore_mem>>)
      %dma_wait3A_97 = arith.constant 0 : i32
      %dma_wait3A_98 = tpu.memref_slice %arg3[%add3A_55, %dma_wait3A_97] : memref<2560x128xi32, #tpu.memory_space<hbm>> -> memref<40x128xi32, #tpu.memory_space<hbm>>
      %dma_wait3A_99 = arith.constant 0 : i32
      %dma_wait3A_100 = tpu.memref_slice %arg3[%add3A_55, %dma_wait3A_99] : memref<2560x128xi32, #tpu.memory_space<hbm>> -> memref<40x128xi32, #tpu.memory_space<hbm>>
      tpu.wait_dma2 semaphore(%run_scoped3A : memref<!tpu.dma_semaphore, #tpu.memory_space<semaphore_mem>>) src(%dma_wait3A_100 : memref<40x128xi32, #tpu.memory_space<hbm>>) dst(%arg7 : memref<40x128xi32, #tpu.memory_space<vmem>>)
      tpu.yield
    }) : () -> ()
    "tpu.region"() ({
      %run_scoped3A = tpu.sem_alloc : memref<!tpu.dma_semaphore, #tpu.memory_space<semaphore_mem>>
      %dma_start3A_93 = arith.constant 0 : i32
      %dma_start3A_94 = tpu.memref_slice %arg4[%add3A_55, %dma_start3A_93] : memref<2560x128xi32, #tpu.memory_space<hbm>> -> memref<40x128xi32, #tpu.memory_space<hbm>>
      %dma_start3A_95 = arith.constant 0 : i32
      %dma_start3A_96 = tpu.memref_slice %arg4[%add3A_55, %dma_start3A_95] : memref<2560x128xi32, #tpu.memory_space<hbm>> -> memref<40x128xi32, #tpu.memory_space<hbm>>
      tpu.enqueue_dma source(%dma_start3A_96 : memref<40x128xi32, #tpu.memory_space<hbm>>) target(%arg8 : memref<40x128xi32, #tpu.memory_space<vmem>>) target_semaphore(%run_scoped3A : memref<!tpu.dma_semaphore, #tpu.memory_space<semaphore_mem>>)
      %dma_wait3A_97 = arith.constant 0 : i32
      %dma_wait3A_98 = tpu.memref_slice %arg4[%add3A_55, %dma_wait3A_97] : memref<2560x128xi32, #tpu.memory_space<hbm>> -> memref<40x128xi32, #tpu.memory_space<hbm>>
      %dma_wait3A_99 = arith.constant 0 : i32
      %dma_wait3A_100 = tpu.memref_slice %arg4[%add3A_55, %dma_wait3A_99] : memref<2560x128xi32, #tpu.memory_space<hbm>> -> memref<40x128xi32, #tpu.memory_space<hbm>>
      tpu.wait_dma2 semaphore(%run_scoped3A : memref<!tpu.dma_semaphore, #tpu.memory_space<semaphore_mem>>) src(%dma_wait3A_100 : memref<40x128xi32, #tpu.memory_space<hbm>>) dst(%arg8 : memref<40x128xi32, #tpu.memory_space<vmem>>)
      tpu.yield
    }) : () -> ()
    %dma_start3A_56 = arith.constant 0 : i32
    %dma_start3A_57 = arith.constant 0 : i32
    %dma_start3A_58 = arith.constant 0 : i32
    %dma_start3A_59 = arith.constant 0 : i32
    %dma_start3A_60 = arith.constant 0 : i32
    %dma_start3A_61 = tpu.memref_slice %arg9[%dma_start3A_57, %dma_start3A_59, %dma_start3A_60] : memref<2x128x128xf32, #tpu.memory_space<vmem>> -> memref<1x128x128xf32, #tpu.memory_space<vmem>>
    %dma_start3A_62 = tpu.memref_squeeze %dma_start3A_61 : memref<1x128x128xf32, #tpu.memory_space<vmem>> -> memref<128x128xf32, #tpu.memory_space<vmem>>
    %dma_start3A_63 = arith.constant 0 : i32
    %dma_start3A_64 = tpu.memref_slice %arg7[%dma_start3A_56, %dma_start3A_63] : memref<40x128xi32, #tpu.memory_space<vmem>> -> memref<1x128xi32, #tpu.memory_space<vmem>>
    %dma_start3A_65 = tpu.memref_squeeze %dma_start3A_64 : memref<1x128xi32, #tpu.memory_space<vmem>> -> memref<128xi32, #tpu.memory_space<vmem>>
    %dma_start3A_66 = arith.constant 0 : i32
    %dma_start3A_67 = arith.constant 0 : i32
    %dma_start3A_68 = tpu.memref_slice %arg2[%dma_start3A_66, %dma_start3A_67] : memref<20224x128xf32, #tpu.memory_space<hbm>> -> memref<20224x128xf32, #tpu.memory_space<hbm>>
    %dma_start3A_69 = tpu.memref_slice %arg10[%dma_start3A_58] : memref<2x!tpu.dma_semaphore, #tpu.memory_space<semaphore_mem>> -> memref<1x!tpu.dma_semaphore, #tpu.memory_space<semaphore_mem>>
    %dma_start3A_70 = tpu.memref_squeeze %dma_start3A_69 : memref<1x!tpu.dma_semaphore, #tpu.memory_space<semaphore_mem>> -> memref<!tpu.dma_semaphore, #tpu.memory_space<semaphore_mem>>
    tpu.enqueue_indirect_dma source(%dma_start3A_68 : memref<20224x128xf32, #tpu.memory_space<hbm>>) target(%dma_start3A_62 : memref<128x128xf32, #tpu.memory_space<vmem>>) offsets(%dma_start3A_65 : memref<128xi32, #tpu.memory_space<vmem>>) semaphore(%dma_start3A_70 : memref<!tpu.dma_semaphore, #tpu.memory_space<semaphore_mem>>)
    %scan3A_71 = arith.constant 0 : i32
    %scan3A_72 = arith.constant 0 : i32
    %scan3A_73 = arith.constant 40 : i32
    %scan3A_74 = arith.addi %scan3A_72, %scan3A_73 : i32
    %scan3A_75 = arith.constant 1 : i32
    scf.for %scan3A_93 = %scan3A_72 to %scan3A_74 step %scan3A_75  : i32 {
      %add3A_94 = arith.constant 1 : i32
      %add3A_95 = arith.addi %scan3A_93, %add3A_94 : i32
      %min3A = arith.constant 39 : i32
      %min3A_96 = arith.minsi %add3A_95, %min3A : i32
      %add3A_97 = arith.constant 1 : i32
      %add3A_98 = arith.addi %scan3A_93, %add3A_97 : i32
      %jit3A = arith.constant 2 : i32
      %eq3A = arith.constant 0 : i32
      %eq3A_99 = arith.cmpi eq, %jit3A, %eq3A : i32
      %jit3A_100 = arith.constant 1 : i32
      %select_n3A = arith.select %eq3A_99, %jit3A_100, %jit3A : i32
      %rem3A = arith.remsi %add3A_98, %select_n3A : i32
      %ne3A = arith.constant 0 : i32
      %ne3A_101 = arith.cmpi ne, %rem3A, %ne3A : i32
      %lt3A = arith.constant 0 : i32
      %lt3A_102 = arith.cmpi slt, %rem3A, %lt3A : i32
      %lt3A_103 = arith.constant 0 : i32
      %lt3A_104 = arith.cmpi slt, %select_n3A, %lt3A_103 : i32
      %ne3A_105 = arith.xori %lt3A_102, %lt3A_104 : i1
      %and3A = arith.andi %ne3A_105, %ne3A_101 : i1
      %add3A_106 = arith.addi %rem3A, %select_n3A : i32
      %select_n3A_107 = arith.select %and3A, %add3A_106, %rem3A : i32
      %add3A_108 = arith.constant 1 : i32
      %add3A_109 = arith.addi %scan3A_93, %add3A_108 : i32
      %jit3A_110 = arith.constant 2 : i32
      %eq3A_111 = arith.constant 0 : i32
      %eq3A_112 = arith.cmpi eq, %jit3A_110, %eq3A_111 : i32
      %jit3A_113 = arith.constant 1 : i32
      %select_n3A_114 = arith.select %eq3A_112, %jit3A_113, %jit3A_110 : i32
      %rem3A_115 = arith.remsi %add3A_109, %select_n3A_114 : i32
      %ne3A_116 = arith.constant 0 : i32
      %ne3A_117 = arith.cmpi ne, %rem3A_115, %ne3A_116 : i32
      %lt3A_118 = arith.constant 0 : i32
      %lt3A_119 = arith.cmpi slt, %rem3A_115, %lt3A_118 : i32
      %lt3A_120 = arith.constant 0 : i32
      %lt3A_121 = arith.cmpi slt, %select_n3A_114, %lt3A_120 : i32
      %ne3A_122 = arith.xori %lt3A_119, %lt3A_121 : i1
      %and3A_123 = arith.andi %ne3A_122, %ne3A_117 : i1
      %add3A_124 = arith.addi %rem3A_115, %select_n3A_114 : i32
      %select_n3A_125 = arith.select %and3A_123, %add3A_124, %rem3A_115 : i32
      %dma_start3A_126 = arith.constant 0 : i32
      %dma_start3A_127 = arith.constant 0 : i32
      %dma_start3A_128 = tpu.memref_slice %arg9[%select_n3A_107, %dma_start3A_126, %dma_start3A_127] : memref<2x128x128xf32, #tpu.memory_space<vmem>> -> memref<1x128x128xf32, #tpu.memory_space<vmem>>
      %dma_start3A_129 = tpu.memref_squeeze %dma_start3A_128 : memref<1x128x128xf32, #tpu.memory_space<vmem>> -> memref<128x128xf32, #tpu.memory_space<vmem>>
      %dma_start3A_130 = arith.constant 0 : i32
      %dma_start3A_131 = tpu.memref_slice %arg7[%min3A_96, %dma_start3A_130] : memref<40x128xi32, #tpu.memory_space<vmem>> -> memref<1x128xi32, #tpu.memory_space<vmem>>
      %dma_start3A_132 = tpu.memref_squeeze %dma_start3A_131 : memref<1x128xi32, #tpu.memory_space<vmem>> -> memref<128xi32, #tpu.memory_space<vmem>>
      %dma_start3A_133 = arith.constant 0 : i32
      %dma_start3A_134 = arith.constant 0 : i32
      %dma_start3A_135 = tpu.memref_slice %arg2[%dma_start3A_133, %dma_start3A_134] : memref<20224x128xf32, #tpu.memory_space<hbm>> -> memref<20224x128xf32, #tpu.memory_space<hbm>>
      %dma_start3A_136 = tpu.memref_slice %arg10[%select_n3A_125] : memref<2x!tpu.dma_semaphore, #tpu.memory_space<semaphore_mem>> -> memref<1x!tpu.dma_semaphore, #tpu.memory_space<semaphore_mem>>
      %dma_start3A_137 = tpu.memref_squeeze %dma_start3A_136 : memref<1x!tpu.dma_semaphore, #tpu.memory_space<semaphore_mem>> -> memref<!tpu.dma_semaphore, #tpu.memory_space<semaphore_mem>>
      tpu.enqueue_indirect_dma source(%dma_start3A_135 : memref<20224x128xf32, #tpu.memory_space<hbm>>) target(%dma_start3A_129 : memref<128x128xf32, #tpu.memory_space<vmem>>) offsets(%dma_start3A_132 : memref<128xi32, #tpu.memory_space<vmem>>) semaphore(%dma_start3A_137 : memref<!tpu.dma_semaphore, #tpu.memory_space<semaphore_mem>>)
      %jit3A_138 = arith.constant 2 : i32
      %eq3A_139 = arith.constant 0 : i32
      %eq3A_140 = arith.cmpi eq, %jit3A_138, %eq3A_139 : i32
      %jit3A_141 = arith.constant 1 : i32
      %select_n3A_142 = arith.select %eq3A_140, %jit3A_141, %jit3A_138 : i32
      %rem3A_143 = arith.remsi %scan3A_93, %select_n3A_142 : i32
      %ne3A_144 = arith.constant 0 : i32
      %ne3A_145 = arith.cmpi ne, %rem3A_143, %ne3A_144 : i32
      %lt3A_146 = arith.constant 0 : i32
      %lt3A_147 = arith.cmpi slt, %rem3A_143, %lt3A_146 : i32
      %lt3A_148 = arith.constant 0 : i32
      %lt3A_149 = arith.cmpi slt, %select_n3A_142, %lt3A_148 : i32
      %ne3A_150 = arith.xori %lt3A_147, %lt3A_149 : i1
      %and3A_151 = arith.andi %ne3A_150, %ne3A_145 : i1
      %add3A_152 = arith.addi %rem3A_143, %select_n3A_142 : i32
      %select_n3A_153 = arith.select %and3A_151, %add3A_152, %rem3A_143 : i32
      %jit3A_154 = arith.constant 2 : i32
      %eq3A_155 = arith.constant 0 : i32
      %eq3A_156 = arith.cmpi eq, %jit3A_154, %eq3A_155 : i32
      %jit3A_157 = arith.constant 1 : i32
      %select_n3A_158 = arith.select %eq3A_156, %jit3A_157, %jit3A_154 : i32
      %rem3A_159 = arith.remsi %scan3A_93, %select_n3A_158 : i32
      %ne3A_160 = arith.constant 0 : i32
      %ne3A_161 = arith.cmpi ne, %rem3A_159, %ne3A_160 : i32
      %lt3A_162 = arith.constant 0 : i32
      %lt3A_163 = arith.cmpi slt, %rem3A_159, %lt3A_162 : i32
      %lt3A_164 = arith.constant 0 : i32
      %lt3A_165 = arith.cmpi slt, %select_n3A_158, %lt3A_164 : i32
      %ne3A_166 = arith.xori %lt3A_163, %lt3A_165 : i1
      %and3A_167 = arith.andi %ne3A_166, %ne3A_161 : i1
      %add3A_168 = arith.addi %rem3A_159, %select_n3A_158 : i32
      %select_n3A_169 = arith.select %and3A_167, %add3A_168, %rem3A_159 : i32
      %dma_wait3A_170 = arith.constant 0 : i32
      %dma_wait3A_171 = arith.constant 0 : i32
      %dma_wait3A_172 = tpu.memref_slice %arg9[%select_n3A_153, %dma_wait3A_170, %dma_wait3A_171] : memref<2x128x128xf32, #tpu.memory_space<vmem>> -> memref<1x128x128xf32, #tpu.memory_space<vmem>>
      %dma_wait3A_173 = tpu.memref_squeeze %dma_wait3A_172 : memref<1x128x128xf32, #tpu.memory_space<vmem>> -> memref<128x128xf32, #tpu.memory_space<vmem>>
      %dma_wait3A_174 = arith.constant 0 : i32
      %dma_wait3A_175 = tpu.memref_slice %arg7[%scan3A_93, %dma_wait3A_174] : memref<40x128xi32, #tpu.memory_space<vmem>> -> memref<1x128xi32, #tpu.memory_space<vmem>>
      %dma_wait3A_176 = tpu.memref_squeeze %dma_wait3A_175 : memref<1x128xi32, #tpu.memory_space<vmem>> -> memref<128xi32, #tpu.memory_space<vmem>>
      %dma_wait3A_177 = arith.constant 0 : i32
      %dma_wait3A_178 = arith.constant 0 : i32
      %dma_wait3A_179 = tpu.memref_slice %arg2[%dma_wait3A_177, %dma_wait3A_178] : memref<20224x128xf32, #tpu.memory_space<hbm>> -> memref<20224x128xf32, #tpu.memory_space<hbm>>
      %dma_wait3A_180 = tpu.memref_slice %arg10[%select_n3A_169] : memref<2x!tpu.dma_semaphore, #tpu.memory_space<semaphore_mem>> -> memref<1x!tpu.dma_semaphore, #tpu.memory_space<semaphore_mem>>
      %dma_wait3A_181 = tpu.memref_squeeze %dma_wait3A_180 : memref<1x!tpu.dma_semaphore, #tpu.memory_space<semaphore_mem>> -> memref<!tpu.dma_semaphore, #tpu.memory_space<semaphore_mem>>
      tpu.wait_indirect_dma semaphore(%dma_wait3A_181 : memref<!tpu.dma_semaphore, #tpu.memory_space<semaphore_mem>>) src(%dma_wait3A_179 : memref<20224x128xf32, #tpu.memory_space<hbm>>) dst(%dma_wait3A_173 : memref<128x128xf32, #tpu.memory_space<vmem>>)
      %jit3A_182 = arith.constant 2 : i32
      %eq3A_183 = arith.constant 0 : i32
      %eq3A_184 = arith.cmpi eq, %jit3A_182, %eq3A_183 : i32
      %jit3A_185 = arith.constant 1 : i32
      %select_n3A_186 = arith.select %eq3A_184, %jit3A_185, %jit3A_182 : i32
      %rem3A_187 = arith.remsi %scan3A_93, %select_n3A_186 : i32
      %ne3A_188 = arith.constant 0 : i32
      %ne3A_189 = arith.cmpi ne, %rem3A_187, %ne3A_188 : i32
      %lt3A_190 = arith.constant 0 : i32
      %lt3A_191 = arith.cmpi slt, %rem3A_187, %lt3A_190 : i32
      %lt3A_192 = arith.constant 0 : i32
      %lt3A_193 = arith.cmpi slt, %select_n3A_186, %lt3A_192 : i32
      %ne3A_194 = arith.xori %lt3A_191, %lt3A_193 : i1
      %and3A_195 = arith.andi %ne3A_194, %ne3A_189 : i1
      %add3A_196 = arith.addi %rem3A_187, %select_n3A_186 : i32
      %select_n3A_197 = arith.select %and3A_195, %add3A_196, %rem3A_187 : i32
      "tpu.region"() ({
        %run_scoped3A = tpu.sem_alloc : memref<!tpu.dma_semaphore, #tpu.memory_space<semaphore_mem>>
        %dma_start3A_198 = arith.constant 0 : i32
        %dma_start3A_199 = arith.constant 0 : i32
        %dma_start3A_200 = tpu.memref_slice %arg9[%select_n3A_197, %dma_start3A_198, %dma_start3A_199] : memref<2x128x128xf32, #tpu.memory_space<vmem>> -> memref<1x128x128xf32, #tpu.memory_space<vmem>>
        %dma_start3A_201 = tpu.memref_squeeze %dma_start3A_200 : memref<1x128x128xf32, #tpu.memory_space<vmem>> -> memref<128x128xf32, #tpu.memory_space<vmem>>
        %dma_start3A_202 = arith.constant 0 : i32
        %dma_start3A_203 = tpu.memref_slice %arg8[%scan3A_93, %dma_start3A_202] : memref<40x128xi32, #tpu.memory_space<vmem>> -> memref<1x128xi32, #tpu.memory_space<vmem>>
        %dma_start3A_204 = tpu.memref_squeeze %dma_start3A_203 : memref<1x128xi32, #tpu.memory_space<vmem>> -> memref<128xi32, #tpu.memory_space<vmem>>
        %dma_start3A_205 = arith.constant 0 : i32
        %dma_start3A_206 = arith.constant 0 : i32
        %dma_start3A_207 = tpu.memref_slice %arg6[%dma_start3A_205, %dma_start3A_206] : memref<10112x128xf32, #tpu.memory_space<vmem_shared>> -> memref<10112x128xf32, #tpu.memory_space<vmem_shared>>
        tpu.enqueue_indirect_dma source(%dma_start3A_201 : memref<128x128xf32, #tpu.memory_space<vmem>>) target(%dma_start3A_207 : memref<10112x128xf32, #tpu.memory_space<vmem_shared>>) offsets(%dma_start3A_204 : memref<128xi32, #tpu.memory_space<vmem>>) semaphore(%run_scoped3A : memref<!tpu.dma_semaphore, #tpu.memory_space<semaphore_mem>>) {add = true}
        %dma_wait3A_208 = arith.constant 0 : i32
        %dma_wait3A_209 = arith.constant 0 : i32
        %dma_wait3A_210 = tpu.memref_slice %arg9[%select_n3A_197, %dma_wait3A_208, %dma_wait3A_209] : memref<2x128x128xf32, #tpu.memory_space<vmem>> -> memref<1x128x128xf32, #tpu.memory_space<vmem>>
        %dma_wait3A_211 = tpu.memref_squeeze %dma_wait3A_210 : memref<1x128x128xf32, #tpu.memory_space<vmem>> -> memref<128x128xf32, #tpu.memory_space<vmem>>
        %dma_wait3A_212 = arith.constant 0 : i32
        %dma_wait3A_213 = tpu.memref_slice %arg8[%scan3A_93, %dma_wait3A_212] : memref<40x128xi32, #tpu.memory_space<vmem>> -> memref<1x128xi32, #tpu.memory_space<vmem>>
        %dma_wait3A_214 = tpu.memref_squeeze %dma_wait3A_213 : memref<1x128xi32, #tpu.memory_space<vmem>> -> memref<128xi32, #tpu.memory_space<vmem>>
        %dma_wait3A_215 = arith.constant 0 : i32
        %dma_wait3A_216 = arith.constant 0 : i32
        %dma_wait3A_217 = tpu.memref_slice %arg6[%dma_wait3A_215, %dma_wait3A_216] : memref<10112x128xf32, #tpu.memory_space<vmem_shared>> -> memref<10112x128xf32, #tpu.memory_space<vmem_shared>>
        tpu.wait_indirect_dma semaphore(%run_scoped3A : memref<!tpu.dma_semaphore, #tpu.memory_space<semaphore_mem>>) src(%dma_wait3A_211 : memref<128x128xf32, #tpu.memory_space<vmem>>) dst(%dma_wait3A_217 : memref<10112x128xf32, #tpu.memory_space<vmem_shared>>)
        tpu.yield
      }) : () -> ()
    }
    %scan3A_76 = arith.constant 40 : i32
    %dma_wait3A_77 = arith.constant 39 : i32
    %dma_wait3A_78 = arith.constant 0 : i32
    %dma_wait3A_79 = arith.constant 0 : i32
    %dma_wait3A_80 = arith.constant 0 : i32
    %dma_wait3A_81 = arith.constant 0 : i32
    %dma_wait3A_82 = tpu.memref_slice %arg9[%dma_wait3A_78, %dma_wait3A_80, %dma_wait3A_81] : memref<2x128x128xf32, #tpu.memory_space<vmem>> -> memref<1x128x128xf32, #tpu.memory_space<vmem>>
    %dma_wait3A_83 = tpu.memref_squeeze %dma_wait3A_82 : memref<1x128x128xf32, #tpu.memory_space<vmem>> -> memref<128x128xf32, #tpu.memory_space<vmem>>
    %dma_wait3A_84 = arith.constant 0 : i32
    %dma_wait3A_85 = tpu.memref_slice %arg7[%dma_wait3A_77, %dma_wait3A_84] : memref<40x128xi32, #tpu.memory_space<vmem>> -> memref<1x128xi32, #tpu.memory_space<vmem>>
    %dma_wait3A_86 = tpu.memref_squeeze %dma_wait3A_85 : memref<1x128xi32, #tpu.memory_space<vmem>> -> memref<128xi32, #tpu.memory_space<vmem>>
    %dma_wait3A_87 = arith.constant 0 : i32
    %dma_wait3A_88 = arith.constant 0 : i32
    %dma_wait3A_89 = tpu.memref_slice %arg2[%dma_wait3A_87, %dma_wait3A_88] : memref<20224x128xf32, #tpu.memory_space<hbm>> -> memref<20224x128xf32, #tpu.memory_space<hbm>>
    %dma_wait3A_90 = tpu.memref_slice %arg10[%dma_wait3A_79] : memref<2x!tpu.dma_semaphore, #tpu.memory_space<semaphore_mem>> -> memref<1x!tpu.dma_semaphore, #tpu.memory_space<semaphore_mem>>
    %dma_wait3A_91 = tpu.memref_squeeze %dma_wait3A_90 : memref<1x!tpu.dma_semaphore, #tpu.memory_space<semaphore_mem>> -> memref<!tpu.dma_semaphore, #tpu.memory_space<semaphore_mem>>
    tpu.wait_indirect_dma semaphore(%dma_wait3A_91 : memref<!tpu.dma_semaphore, #tpu.memory_space<semaphore_mem>>) src(%dma_wait3A_89 : memref<20224x128xf32, #tpu.memory_space<hbm>>) dst(%dma_wait3A_83 : memref<128x128xf32, #tpu.memory_space<vmem>>)
    %barrier3A_92 = arith.constant 0 : index
    tpu.barrier barrier_id(%barrier3A_92)
    "tpu.region"() ({
      %run_scoped3A = tpu.sem_alloc : memref<!tpu.dma_semaphore, #tpu.memory_space<semaphore_mem>>
      %dma_start3A_93 = arith.constant 0 : i32
      %dma_start3A_94 = arith.constant 0 : i32
      %dma_start3A_95 = tpu.memref_slice %arg5[%arg0, %dma_start3A_93, %dma_start3A_94] : memref<2x10112x128xf32, #tpu.memory_space<hbm>> -> memref<1x10112x128xf32, #tpu.memory_space<hbm>>
      %dma_start3A_96 = tpu.memref_squeeze %dma_start3A_95 : memref<1x10112x128xf32, #tpu.memory_space<hbm>> -> memref<10112x128xf32, #tpu.memory_space<hbm>>
      %dma_start3A_97 = arith.constant 0 : i32
      %dma_start3A_98 = tpu.memref_slice %dma_start3A_96[%mul3A_2, %dma_start3A_97] : memref<10112x128xf32, #tpu.memory_space<hbm>> -> memref<632x128xf32, #tpu.memory_space<hbm>>
      %dma_start3A_99 = arith.constant 0 : i32
      %dma_start3A_100 = tpu.memref_slice %arg6[%mul3A_2, %dma_start3A_99] : memref<10112x128xf32, #tpu.memory_space<vmem_shared>> -> memref<632x128xf32, #tpu.memory_space<vmem_shared>>
      tpu.enqueue_dma source(%dma_start3A_100 : memref<632x128xf32, #tpu.memory_space<vmem_shared>>) target(%dma_start3A_98 : memref<632x128xf32, #tpu.memory_space<hbm>>) target_semaphore(%run_scoped3A : memref<!tpu.dma_semaphore, #tpu.memory_space<semaphore_mem>>)
      %dma_wait3A_101 = arith.constant 0 : i32
      %dma_wait3A_102 = arith.constant 0 : i32
      %dma_wait3A_103 = tpu.memref_slice %arg5[%arg0, %dma_wait3A_101, %dma_wait3A_102] : memref<2x10112x128xf32, #tpu.memory_space<hbm>> -> memref<1x10112x128xf32, #tpu.memory_space<hbm>>
      %dma_wait3A_104 = tpu.memref_squeeze %dma_wait3A_103 : memref<1x10112x128xf32, #tpu.memory_space<hbm>> -> memref<10112x128xf32, #tpu.memory_space<hbm>>
      %dma_wait3A_105 = arith.constant 0 : i32
      %dma_wait3A_106 = tpu.memref_slice %dma_wait3A_104[%mul3A_2, %dma_wait3A_105] : memref<10112x128xf32, #tpu.memory_space<hbm>> -> memref<632x128xf32, #tpu.memory_space<hbm>>
      %dma_wait3A_107 = arith.constant 0 : i32
      %dma_wait3A_108 = tpu.memref_slice %arg6[%mul3A_2, %dma_wait3A_107] : memref<10112x128xf32, #tpu.memory_space<vmem_shared>> -> memref<632x128xf32, #tpu.memory_space<vmem_shared>>
      tpu.wait_dma2 semaphore(%run_scoped3A : memref<!tpu.dma_semaphore, #tpu.memory_space<semaphore_mem>>) src(%dma_wait3A_108 : memref<632x128xf32, #tpu.memory_space<vmem_shared>>) dst(%dma_wait3A_106 : memref<632x128xf32, #tpu.memory_space<hbm>>)
      tpu.yield
    }) : () -> ()
    return
  }
}

#map = affine_map<(d0, d1) -> (0, 0)>
#map1 = affine_map<(d0, d1) -> (0, 0, 0)>
module attributes {stable_mosaic.version = 14 : i64} {
  func.func @seg_sum(%arg0: i32, %arg1: i32, %arg2: memref<20224x128xf32, #tpu.memory_space<hbm>>, %arg3: memref<2560x128xi32, #tpu.memory_space<hbm>>, %arg4: memref<2560x128xi32, #tpu.memory_space<hbm>>, %arg5: memref<2x10112x128xf32, #tpu.memory_space<hbm>>, %arg6: memref<10112x128xf32, #tpu.memory_space<vmem_shared>>, %arg7: memref<40x128xi32, #tpu.memory_space<vmem>>, %arg8: memref<40x128xi32, #tpu.memory_space<vmem>>, %arg9: memref<2x128x128xf32, #tpu.memory_space<vmem>>, %arg10: memref<2x!tpu.dma_semaphore, #tpu.memory_space<semaphore_mem>>, %arg11: memref<!tpu.dma_semaphore, #tpu.memory_space<semaphore_mem>>) attributes {dimension_semantics = [#tpu.dimension_semantics<core_parallel>, #tpu.dimension_semantics<subcore_parallel>], iteration_bounds = array<i64: 2, 16>, scalar_prefetch = 0 : i64, scratch_operands = 6 : i64, tpu.core_type = #tpu.core_type<sc_vector_subcore>, window_params = [{transform_indices = #map}, {transform_indices = #map}, {transform_indices = #map}, {transform_indices = #map1}]} {
    %mul3A = arith.constant 2 : i32
    %mul3A_0 = arith.muli %arg1, %mul3A : i32
    %add3A = arith.addi %mul3A_0, %arg0 : i32
    %mul3A_1 = arith.constant 632 : i32
    %mul3A_2 = arith.muli %arg1, %mul3A_1 : i32
    %mul3A_3 = arith.constant 80 : i32
    %mul3A_4 = arith.muli %add3A, %mul3A_3 : i32
    %mul3A_5 = arith.constant 10112 : i32
    %mul3A_6 = arith.muli %arg0, %mul3A_5 : i32
    %add3A_7 = arith.addi %mul3A_6, %mul3A_2 : i32
    %dma_start3A = arith.constant 0 : i32
    %dma_start3A_8 = tpu.memref_slice %arg6[%mul3A_2, %dma_start3A] : memref<10112x128xf32, #tpu.memory_space<vmem_shared>> -> memref<632x128xf32, #tpu.memory_space<vmem_shared>>
    %dma_start3A_9 = arith.constant 0 : i32
    %dma_start3A_10 = tpu.memref_slice %arg2[%add3A_7, %dma_start3A_9] : memref<20224x128xf32, #tpu.memory_space<hbm>> -> memref<632x128xf32, #tpu.memory_space<hbm>>
    tpu.enqueue_dma source(%dma_start3A_10 : memref<632x128xf32, #tpu.memory_space<hbm>>) target(%dma_start3A_8 : memref<632x128xf32, #tpu.memory_space<vmem_shared>>) target_semaphore(%arg11 : memref<!tpu.dma_semaphore, #tpu.memory_space<semaphore_mem>>)
    %add3A_11 = arith.constant 0 : i32
    %add3A_12 = arith.addi %mul3A_4, %add3A_11 : i32
    "tpu.region"() ({
      %run_scoped3A = tpu.sem_alloc : memref<!tpu.dma_semaphore, #tpu.memory_space<semaphore_mem>>
      %dma_start3A_93 = arith.constant 0 : i32
      %dma_start3A_94 = tpu.memref_slice %arg3[%add3A_12, %dma_start3A_93] : memref<2560x128xi32, #tpu.memory_space<hbm>> -> memref<40x128xi32, #tpu.memory_space<hbm>>
      %dma_start3A_95 = arith.constant 0 : i32
      %dma_start3A_96 = tpu.memref_slice %arg3[%add3A_12, %dma_start3A_95] : memref<2560x128xi32, #tpu.memory_space<hbm>> -> memref<40x128xi32, #tpu.memory_space<hbm>>
      tpu.enqueue_dma source(%dma_start3A_96 : memref<40x128xi32, #tpu.memory_space<hbm>>) target(%arg7 : memref<40x128xi32, #tpu.memory_space<vmem>>) target_semaphore(%run_scoped3A : memref<!tpu.dma_semaphore, #tpu.memory_space<semaphore_mem>>)
      %dma_wait3A_97 = arith.constant 0 : i32
      %dma_wait3A_98 = tpu.memref_slice %arg3[%add3A_12, %dma_wait3A_97] : memref<2560x128xi32, #tpu.memory_space<hbm>> -> memref<40x128xi32, #tpu.memory_space<hbm>>
      %dma_wait3A_99 = arith.constant 0 : i32
      %dma_wait3A_100 = tpu.memref_slice %arg3[%add3A_12, %dma_wait3A_99] : memref<2560x128xi32, #tpu.memory_space<hbm>> -> memref<40x128xi32, #tpu.memory_space<hbm>>
      tpu.wait_dma2 semaphore(%run_scoped3A : memref<!tpu.dma_semaphore, #tpu.memory_space<semaphore_mem>>) src(%dma_wait3A_100 : memref<40x128xi32, #tpu.memory_space<hbm>>) dst(%arg7 : memref<40x128xi32, #tpu.memory_space<vmem>>)
      tpu.yield
    }) : () -> ()
    "tpu.region"() ({
      %run_scoped3A = tpu.sem_alloc : memref<!tpu.dma_semaphore, #tpu.memory_space<semaphore_mem>>
      %dma_start3A_93 = arith.constant 0 : i32
      %dma_start3A_94 = tpu.memref_slice %arg4[%add3A_12, %dma_start3A_93] : memref<2560x128xi32, #tpu.memory_space<hbm>> -> memref<40x128xi32, #tpu.memory_space<hbm>>
      %dma_start3A_95 = arith.constant 0 : i32
      %dma_start3A_96 = tpu.memref_slice %arg4[%add3A_12, %dma_start3A_95] : memref<2560x128xi32, #tpu.memory_space<hbm>> -> memref<40x128xi32, #tpu.memory_space<hbm>>
      tpu.enqueue_dma source(%dma_start3A_96 : memref<40x128xi32, #tpu.memory_space<hbm>>) target(%arg8 : memref<40x128xi32, #tpu.memory_space<vmem>>) target_semaphore(%run_scoped3A : memref<!tpu.dma_semaphore, #tpu.memory_space<semaphore_mem>>)
      %dma_wait3A_97 = arith.constant 0 : i32
      %dma_wait3A_98 = tpu.memref_slice %arg4[%add3A_12, %dma_wait3A_97] : memref<2560x128xi32, #tpu.memory_space<hbm>> -> memref<40x128xi32, #tpu.memory_space<hbm>>
      %dma_wait3A_99 = arith.constant 0 : i32
      %dma_wait3A_100 = tpu.memref_slice %arg4[%add3A_12, %dma_wait3A_99] : memref<2560x128xi32, #tpu.memory_space<hbm>> -> memref<40x128xi32, #tpu.memory_space<hbm>>
      tpu.wait_dma2 semaphore(%run_scoped3A : memref<!tpu.dma_semaphore, #tpu.memory_space<semaphore_mem>>) src(%dma_wait3A_100 : memref<40x128xi32, #tpu.memory_space<hbm>>) dst(%arg8 : memref<40x128xi32, #tpu.memory_space<vmem>>)
      tpu.yield
    }) : () -> ()
    %dma_start3A_13 = arith.constant 0 : i32
    %dma_start3A_14 = arith.constant 0 : i32
    %dma_start3A_15 = arith.constant 0 : i32
    %dma_start3A_16 = arith.constant 0 : i32
    %dma_start3A_17 = arith.constant 0 : i32
    %dma_start3A_18 = tpu.memref_slice %arg9[%dma_start3A_14, %dma_start3A_16, %dma_start3A_17] : memref<2x128x128xf32, #tpu.memory_space<vmem>> -> memref<1x128x128xf32, #tpu.memory_space<vmem>>
    %dma_start3A_19 = tpu.memref_squeeze %dma_start3A_18 : memref<1x128x128xf32, #tpu.memory_space<vmem>> -> memref<128x128xf32, #tpu.memory_space<vmem>>
    %dma_start3A_20 = arith.constant 0 : i32
    %dma_start3A_21 = tpu.memref_slice %arg7[%dma_start3A_13, %dma_start3A_20] : memref<40x128xi32, #tpu.memory_space<vmem>> -> memref<1x128xi32, #tpu.memory_space<vmem>>
    %dma_start3A_22 = tpu.memref_squeeze %dma_start3A_21 : memref<1x128xi32, #tpu.memory_space<vmem>> -> memref<128xi32, #tpu.memory_space<vmem>>
    %dma_start3A_23 = arith.constant 0 : i32
    %dma_start3A_24 = arith.constant 0 : i32
    %dma_start3A_25 = tpu.memref_slice %arg2[%dma_start3A_23, %dma_start3A_24] : memref<20224x128xf32, #tpu.memory_space<hbm>> -> memref<20224x128xf32, #tpu.memory_space<hbm>>
    %dma_start3A_26 = tpu.memref_slice %arg10[%dma_start3A_15] : memref<2x!tpu.dma_semaphore, #tpu.memory_space<semaphore_mem>> -> memref<1x!tpu.dma_semaphore, #tpu.memory_space<semaphore_mem>>
    %dma_start3A_27 = tpu.memref_squeeze %dma_start3A_26 : memref<1x!tpu.dma_semaphore, #tpu.memory_space<semaphore_mem>> -> memref<!tpu.dma_semaphore, #tpu.memory_space<semaphore_mem>>
    tpu.enqueue_indirect_dma source(%dma_start3A_25 : memref<20224x128xf32, #tpu.memory_space<hbm>>) target(%dma_start3A_19 : memref<128x128xf32, #tpu.memory_space<vmem>>) offsets(%dma_start3A_22 : memref<128xi32, #tpu.memory_space<vmem>>) semaphore(%dma_start3A_27 : memref<!tpu.dma_semaphore, #tpu.memory_space<semaphore_mem>>)
    %mul3A_28 = arith.constant 10112 : i32
    %mul3A_29 = arith.muli %arg0, %mul3A_28 : i32
    %add3A_30 = arith.addi %mul3A_29, %mul3A_2 : i32
    %dma_wait3A = arith.constant 0 : i32
    %dma_wait3A_31 = tpu.memref_slice %arg6[%mul3A_2, %dma_wait3A] : memref<10112x128xf32, #tpu.memory_space<vmem_shared>> -> memref<632x128xf32, #tpu.memory_space<vmem_shared>>
    %dma_wait3A_32 = arith.constant 0 : i32
    %dma_wait3A_33 = tpu.memref_slice %arg2[%add3A_30, %dma_wait3A_32] : memref<20224x128xf32, #tpu.memory_space<hbm>> -> memref<632x128xf32, #tpu.memory_space<hbm>>
    tpu.wait_dma2 semaphore(%arg11 : memref<!tpu.dma_semaphore, #tpu.memory_space<semaphore_mem>>) src(%dma_wait3A_33 : memref<632x128xf32, #tpu.memory_space<hbm>>) dst(%dma_wait3A_31 : memref<632x128xf32, #tpu.memory_space<vmem_shared>>)
    %barrier3A = arith.constant 0 : index
    tpu.barrier barrier_id(%barrier3A)
    %scan3A = arith.constant 0 : i32
    %scan3A_34 = arith.constant 0 : i32
    %scan3A_35 = arith.constant 40 : i32
    %scan3A_36 = arith.addi %scan3A_34, %scan3A_35 : i32
    %scan3A_37 = arith.constant 1 : i32
    scf.for %scan3A_93 = %scan3A_34 to %scan3A_36 step %scan3A_37  : i32 {
      %add3A_94 = arith.constant 1 : i32
      %add3A_95 = arith.addi %scan3A_93, %add3A_94 : i32
      %min3A = arith.constant 39 : i32
      %min3A_96 = arith.minsi %add3A_95, %min3A : i32
      %add3A_97 = arith.constant 1 : i32
      %add3A_98 = arith.addi %scan3A_93, %add3A_97 : i32
      %jit3A = arith.constant 2 : i32
      %eq3A = arith.constant 0 : i32
      %eq3A_99 = arith.cmpi eq, %jit3A, %eq3A : i32
      %jit3A_100 = arith.constant 1 : i32
      %select_n3A = arith.select %eq3A_99, %jit3A_100, %jit3A : i32
      %rem3A = arith.remsi %add3A_98, %select_n3A : i32
      %ne3A = arith.constant 0 : i32
      %ne3A_101 = arith.cmpi ne, %rem3A, %ne3A : i32
      %lt3A = arith.constant 0 : i32
      %lt3A_102 = arith.cmpi slt, %rem3A, %lt3A : i32
      %lt3A_103 = arith.constant 0 : i32
      %lt3A_104 = arith.cmpi slt, %select_n3A, %lt3A_103 : i32
      %ne3A_105 = arith.xori %lt3A_102, %lt3A_104 : i1
      %and3A = arith.andi %ne3A_105, %ne3A_101 : i1
      %add3A_106 = arith.addi %rem3A, %select_n3A : i32
      %select_n3A_107 = arith.select %and3A, %add3A_106, %rem3A : i32
      %add3A_108 = arith.constant 1 : i32
      %add3A_109 = arith.addi %scan3A_93, %add3A_108 : i32
      %jit3A_110 = arith.constant 2 : i32
      %eq3A_111 = arith.constant 0 : i32
      %eq3A_112 = arith.cmpi eq, %jit3A_110, %eq3A_111 : i32
      %jit3A_113 = arith.constant 1 : i32
      %select_n3A_114 = arith.select %eq3A_112, %jit3A_113, %jit3A_110 : i32
      %rem3A_115 = arith.remsi %add3A_109, %select_n3A_114 : i32
      %ne3A_116 = arith.constant 0 : i32
      %ne3A_117 = arith.cmpi ne, %rem3A_115, %ne3A_116 : i32
      %lt3A_118 = arith.constant 0 : i32
      %lt3A_119 = arith.cmpi slt, %rem3A_115, %lt3A_118 : i32
      %lt3A_120 = arith.constant 0 : i32
      %lt3A_121 = arith.cmpi slt, %select_n3A_114, %lt3A_120 : i32
      %ne3A_122 = arith.xori %lt3A_119, %lt3A_121 : i1
      %and3A_123 = arith.andi %ne3A_122, %ne3A_117 : i1
      %add3A_124 = arith.addi %rem3A_115, %select_n3A_114 : i32
      %select_n3A_125 = arith.select %and3A_123, %add3A_124, %rem3A_115 : i32
      %dma_start3A_126 = arith.constant 0 : i32
      %dma_start3A_127 = arith.constant 0 : i32
      %dma_start3A_128 = tpu.memref_slice %arg9[%select_n3A_107, %dma_start3A_126, %dma_start3A_127] : memref<2x128x128xf32, #tpu.memory_space<vmem>> -> memref<1x128x128xf32, #tpu.memory_space<vmem>>
      %dma_start3A_129 = tpu.memref_squeeze %dma_start3A_128 : memref<1x128x128xf32, #tpu.memory_space<vmem>> -> memref<128x128xf32, #tpu.memory_space<vmem>>
      %dma_start3A_130 = arith.constant 0 : i32
      %dma_start3A_131 = tpu.memref_slice %arg7[%min3A_96, %dma_start3A_130] : memref<40x128xi32, #tpu.memory_space<vmem>> -> memref<1x128xi32, #tpu.memory_space<vmem>>
      %dma_start3A_132 = tpu.memref_squeeze %dma_start3A_131 : memref<1x128xi32, #tpu.memory_space<vmem>> -> memref<128xi32, #tpu.memory_space<vmem>>
      %dma_start3A_133 = arith.constant 0 : i32
      %dma_start3A_134 = arith.constant 0 : i32
      %dma_start3A_135 = tpu.memref_slice %arg2[%dma_start3A_133, %dma_start3A_134] : memref<20224x128xf32, #tpu.memory_space<hbm>> -> memref<20224x128xf32, #tpu.memory_space<hbm>>
      %dma_start3A_136 = tpu.memref_slice %arg10[%select_n3A_125] : memref<2x!tpu.dma_semaphore, #tpu.memory_space<semaphore_mem>> -> memref<1x!tpu.dma_semaphore, #tpu.memory_space<semaphore_mem>>
      %dma_start3A_137 = tpu.memref_squeeze %dma_start3A_136 : memref<1x!tpu.dma_semaphore, #tpu.memory_space<semaphore_mem>> -> memref<!tpu.dma_semaphore, #tpu.memory_space<semaphore_mem>>
      tpu.enqueue_indirect_dma source(%dma_start3A_135 : memref<20224x128xf32, #tpu.memory_space<hbm>>) target(%dma_start3A_129 : memref<128x128xf32, #tpu.memory_space<vmem>>) offsets(%dma_start3A_132 : memref<128xi32, #tpu.memory_space<vmem>>) semaphore(%dma_start3A_137 : memref<!tpu.dma_semaphore, #tpu.memory_space<semaphore_mem>>)
      %jit3A_138 = arith.constant 2 : i32
      %eq3A_139 = arith.constant 0 : i32
      %eq3A_140 = arith.cmpi eq, %jit3A_138, %eq3A_139 : i32
      %jit3A_141 = arith.constant 1 : i32
      %select_n3A_142 = arith.select %eq3A_140, %jit3A_141, %jit3A_138 : i32
      %rem3A_143 = arith.remsi %scan3A_93, %select_n3A_142 : i32
      %ne3A_144 = arith.constant 0 : i32
      %ne3A_145 = arith.cmpi ne, %rem3A_143, %ne3A_144 : i32
      %lt3A_146 = arith.constant 0 : i32
      %lt3A_147 = arith.cmpi slt, %rem3A_143, %lt3A_146 : i32
      %lt3A_148 = arith.constant 0 : i32
      %lt3A_149 = arith.cmpi slt, %select_n3A_142, %lt3A_148 : i32
      %ne3A_150 = arith.xori %lt3A_147, %lt3A_149 : i1
      %and3A_151 = arith.andi %ne3A_150, %ne3A_145 : i1
      %add3A_152 = arith.addi %rem3A_143, %select_n3A_142 : i32
      %select_n3A_153 = arith.select %and3A_151, %add3A_152, %rem3A_143 : i32
      %jit3A_154 = arith.constant 2 : i32
      %eq3A_155 = arith.constant 0 : i32
      %eq3A_156 = arith.cmpi eq, %jit3A_154, %eq3A_155 : i32
      %jit3A_157 = arith.constant 1 : i32
      %select_n3A_158 = arith.select %eq3A_156, %jit3A_157, %jit3A_154 : i32
      %rem3A_159 = arith.remsi %scan3A_93, %select_n3A_158 : i32
      %ne3A_160 = arith.constant 0 : i32
      %ne3A_161 = arith.cmpi ne, %rem3A_159, %ne3A_160 : i32
      %lt3A_162 = arith.constant 0 : i32
      %lt3A_163 = arith.cmpi slt, %rem3A_159, %lt3A_162 : i32
      %lt3A_164 = arith.constant 0 : i32
      %lt3A_165 = arith.cmpi slt, %select_n3A_158, %lt3A_164 : i32
      %ne3A_166 = arith.xori %lt3A_163, %lt3A_165 : i1
      %and3A_167 = arith.andi %ne3A_166, %ne3A_161 : i1
      %add3A_168 = arith.addi %rem3A_159, %select_n3A_158 : i32
      %select_n3A_169 = arith.select %and3A_167, %add3A_168, %rem3A_159 : i32
      %dma_wait3A_170 = arith.constant 0 : i32
      %dma_wait3A_171 = arith.constant 0 : i32
      %dma_wait3A_172 = tpu.memref_slice %arg9[%select_n3A_153, %dma_wait3A_170, %dma_wait3A_171] : memref<2x128x128xf32, #tpu.memory_space<vmem>> -> memref<1x128x128xf32, #tpu.memory_space<vmem>>
      %dma_wait3A_173 = tpu.memref_squeeze %dma_wait3A_172 : memref<1x128x128xf32, #tpu.memory_space<vmem>> -> memref<128x128xf32, #tpu.memory_space<vmem>>
      %dma_wait3A_174 = arith.constant 0 : i32
      %dma_wait3A_175 = tpu.memref_slice %arg7[%scan3A_93, %dma_wait3A_174] : memref<40x128xi32, #tpu.memory_space<vmem>> -> memref<1x128xi32, #tpu.memory_space<vmem>>
      %dma_wait3A_176 = tpu.memref_squeeze %dma_wait3A_175 : memref<1x128xi32, #tpu.memory_space<vmem>> -> memref<128xi32, #tpu.memory_space<vmem>>
      %dma_wait3A_177 = arith.constant 0 : i32
      %dma_wait3A_178 = arith.constant 0 : i32
      %dma_wait3A_179 = tpu.memref_slice %arg2[%dma_wait3A_177, %dma_wait3A_178] : memref<20224x128xf32, #tpu.memory_space<hbm>> -> memref<20224x128xf32, #tpu.memory_space<hbm>>
      %dma_wait3A_180 = tpu.memref_slice %arg10[%select_n3A_169] : memref<2x!tpu.dma_semaphore, #tpu.memory_space<semaphore_mem>> -> memref<1x!tpu.dma_semaphore, #tpu.memory_space<semaphore_mem>>
      %dma_wait3A_181 = tpu.memref_squeeze %dma_wait3A_180 : memref<1x!tpu.dma_semaphore, #tpu.memory_space<semaphore_mem>> -> memref<!tpu.dma_semaphore, #tpu.memory_space<semaphore_mem>>
      tpu.wait_indirect_dma semaphore(%dma_wait3A_181 : memref<!tpu.dma_semaphore, #tpu.memory_space<semaphore_mem>>) src(%dma_wait3A_179 : memref<20224x128xf32, #tpu.memory_space<hbm>>) dst(%dma_wait3A_173 : memref<128x128xf32, #tpu.memory_space<vmem>>)
      %jit3A_182 = arith.constant 2 : i32
      %eq3A_183 = arith.constant 0 : i32
      %eq3A_184 = arith.cmpi eq, %jit3A_182, %eq3A_183 : i32
      %jit3A_185 = arith.constant 1 : i32
      %select_n3A_186 = arith.select %eq3A_184, %jit3A_185, %jit3A_182 : i32
      %rem3A_187 = arith.remsi %scan3A_93, %select_n3A_186 : i32
      %ne3A_188 = arith.constant 0 : i32
      %ne3A_189 = arith.cmpi ne, %rem3A_187, %ne3A_188 : i32
      %lt3A_190 = arith.constant 0 : i32
      %lt3A_191 = arith.cmpi slt, %rem3A_187, %lt3A_190 : i32
      %lt3A_192 = arith.constant 0 : i32
      %lt3A_193 = arith.cmpi slt, %select_n3A_186, %lt3A_192 : i32
      %ne3A_194 = arith.xori %lt3A_191, %lt3A_193 : i1
      %and3A_195 = arith.andi %ne3A_194, %ne3A_189 : i1
      %add3A_196 = arith.addi %rem3A_187, %select_n3A_186 : i32
      %select_n3A_197 = arith.select %and3A_195, %add3A_196, %rem3A_187 : i32
      "tpu.region"() ({
        %run_scoped3A = tpu.sem_alloc : memref<!tpu.dma_semaphore, #tpu.memory_space<semaphore_mem>>
        %dma_start3A_198 = arith.constant 0 : i32
        %dma_start3A_199 = arith.constant 0 : i32
        %dma_start3A_200 = tpu.memref_slice %arg9[%select_n3A_197, %dma_start3A_198, %dma_start3A_199] : memref<2x128x128xf32, #tpu.memory_space<vmem>> -> memref<1x128x128xf32, #tpu.memory_space<vmem>>
        %dma_start3A_201 = tpu.memref_squeeze %dma_start3A_200 : memref<1x128x128xf32, #tpu.memory_space<vmem>> -> memref<128x128xf32, #tpu.memory_space<vmem>>
        %dma_start3A_202 = arith.constant 0 : i32
        %dma_start3A_203 = tpu.memref_slice %arg8[%scan3A_93, %dma_start3A_202] : memref<40x128xi32, #tpu.memory_space<vmem>> -> memref<1x128xi32, #tpu.memory_space<vmem>>
        %dma_start3A_204 = tpu.memref_squeeze %dma_start3A_203 : memref<1x128xi32, #tpu.memory_space<vmem>> -> memref<128xi32, #tpu.memory_space<vmem>>
        %dma_start3A_205 = arith.constant 0 : i32
        %dma_start3A_206 = arith.constant 0 : i32
        %dma_start3A_207 = tpu.memref_slice %arg6[%dma_start3A_205, %dma_start3A_206] : memref<10112x128xf32, #tpu.memory_space<vmem_shared>> -> memref<10112x128xf32, #tpu.memory_space<vmem_shared>>
        tpu.enqueue_indirect_dma source(%dma_start3A_201 : memref<128x128xf32, #tpu.memory_space<vmem>>) target(%dma_start3A_207 : memref<10112x128xf32, #tpu.memory_space<vmem_shared>>) offsets(%dma_start3A_204 : memref<128xi32, #tpu.memory_space<vmem>>) semaphore(%run_scoped3A : memref<!tpu.dma_semaphore, #tpu.memory_space<semaphore_mem>>) {add = true}
        %dma_wait3A_208 = arith.constant 0 : i32
        %dma_wait3A_209 = arith.constant 0 : i32
        %dma_wait3A_210 = tpu.memref_slice %arg9[%select_n3A_197, %dma_wait3A_208, %dma_wait3A_209] : memref<2x128x128xf32, #tpu.memory_space<vmem>> -> memref<1x128x128xf32, #tpu.memory_space<vmem>>
        %dma_wait3A_211 = tpu.memref_squeeze %dma_wait3A_210 : memref<1x128x128xf32, #tpu.memory_space<vmem>> -> memref<128x128xf32, #tpu.memory_space<vmem>>
        %dma_wait3A_212 = arith.constant 0 : i32
        %dma_wait3A_213 = tpu.memref_slice %arg8[%scan3A_93, %dma_wait3A_212] : memref<40x128xi32, #tpu.memory_space<vmem>> -> memref<1x128xi32, #tpu.memory_space<vmem>>
        %dma_wait3A_214 = tpu.memref_squeeze %dma_wait3A_213 : memref<1x128xi32, #tpu.memory_space<vmem>> -> memref<128xi32, #tpu.memory_space<vmem>>
        %dma_wait3A_215 = arith.constant 0 : i32
        %dma_wait3A_216 = arith.constant 0 : i32
        %dma_wait3A_217 = tpu.memref_slice %arg6[%dma_wait3A_215, %dma_wait3A_216] : memref<10112x128xf32, #tpu.memory_space<vmem_shared>> -> memref<10112x128xf32, #tpu.memory_space<vmem_shared>>
        tpu.wait_indirect_dma semaphore(%run_scoped3A : memref<!tpu.dma_semaphore, #tpu.memory_space<semaphore_mem>>) src(%dma_wait3A_211 : memref<128x128xf32, #tpu.memory_space<vmem>>) dst(%dma_wait3A_217 : memref<10112x128xf32, #tpu.memory_space<vmem_shared>>)
        tpu.yield
      }) : () -> ()
    }
    %scan3A_38 = arith.constant 40 : i32
    %dma_wait3A_39 = arith.constant 39 : i32
    %dma_wait3A_40 = arith.constant 0 : i32
    %dma_wait3A_41 = arith.constant 0 : i32
    %dma_wait3A_42 = arith.constant 0 : i32
    %dma_wait3A_43 = arith.constant 0 : i32
    %dma_wait3A_44 = tpu.memref_slice %arg9[%dma_wait3A_40, %dma_wait3A_42, %dma_wait3A_43] : memref<2x128x128xf32, #tpu.memory_space<vmem>> -> memref<1x128x128xf32, #tpu.memory_space<vmem>>
    %dma_wait3A_45 = tpu.memref_squeeze %dma_wait3A_44 : memref<1x128x128xf32, #tpu.memory_space<vmem>> -> memref<128x128xf32, #tpu.memory_space<vmem>>
    %dma_wait3A_46 = arith.constant 0 : i32
    %dma_wait3A_47 = tpu.memref_slice %arg7[%dma_wait3A_39, %dma_wait3A_46] : memref<40x128xi32, #tpu.memory_space<vmem>> -> memref<1x128xi32, #tpu.memory_space<vmem>>
    %dma_wait3A_48 = tpu.memref_squeeze %dma_wait3A_47 : memref<1x128xi32, #tpu.memory_space<vmem>> -> memref<128xi32, #tpu.memory_space<vmem>>
    %dma_wait3A_49 = arith.constant 0 : i32
    %dma_wait3A_50 = arith.constant 0 : i32
    %dma_wait3A_51 = tpu.memref_slice %arg2[%dma_wait3A_49, %dma_wait3A_50] : memref<20224x128xf32, #tpu.memory_space<hbm>> -> memref<20224x128xf32, #tpu.memory_space<hbm>>
    %dma_wait3A_52 = tpu.memref_slice %arg10[%dma_wait3A_41] : memref<2x!tpu.dma_semaphore, #tpu.memory_space<semaphore_mem>> -> memref<1x!tpu.dma_semaphore, #tpu.memory_space<semaphore_mem>>
    %dma_wait3A_53 = tpu.memref_squeeze %dma_wait3A_52 : memref<1x!tpu.dma_semaphore, #tpu.memory_space<semaphore_mem>> -> memref<!tpu.dma_semaphore, #tpu.memory_space<semaphore_mem>>
    tpu.wait_indirect_dma semaphore(%dma_wait3A_53 : memref<!tpu.dma_semaphore, #tpu.memory_space<semaphore_mem>>) src(%dma_wait3A_51 : memref<20224x128xf32, #tpu.memory_space<hbm>>) dst(%dma_wait3A_45 : memref<128x128xf32, #tpu.memory_space<vmem>>)
    %add3A_54 = arith.constant 40 : i32
    %add3A_55 = arith.addi %mul3A_4, %add3A_54 : i32
    "tpu.region"() ({
      %run_scoped3A = tpu.sem_alloc : memref<!tpu.dma_semaphore, #tpu.memory_space<semaphore_mem>>
      %dma_start3A_93 = arith.constant 0 : i32
      %dma_start3A_94 = tpu.memref_slice %arg3[%add3A_55, %dma_start3A_93] : memref<2560x128xi32, #tpu.memory_space<hbm>> -> memref<40x128xi32, #tpu.memory_space<hbm>>
      %dma_start3A_95 = arith.constant 0 : i32
      %dma_start3A_96 = tpu.memref_slice %arg3[%add3A_55, %dma_start3A_95] : memref<2560x128xi32, #tpu.memory_space<hbm>> -> memref<40x128xi32, #tpu.memory_space<hbm>>
      tpu.enqueue_dma source(%dma_start3A_96 : memref<40x128xi32, #tpu.memory_space<hbm>>) target(%arg7 : memref<40x128xi32, #tpu.memory_space<vmem>>) target_semaphore(%run_scoped3A : memref<!tpu.dma_semaphore, #tpu.memory_space<semaphore_mem>>)
      %dma_wait3A_97 = arith.constant 0 : i32
      %dma_wait3A_98 = tpu.memref_slice %arg3[%add3A_55, %dma_wait3A_97] : memref<2560x128xi32, #tpu.memory_space<hbm>> -> memref<40x128xi32, #tpu.memory_space<hbm>>
      %dma_wait3A_99 = arith.constant 0 : i32
      %dma_wait3A_100 = tpu.memref_slice %arg3[%add3A_55, %dma_wait3A_99] : memref<2560x128xi32, #tpu.memory_space<hbm>> -> memref<40x128xi32, #tpu.memory_space<hbm>>
      tpu.wait_dma2 semaphore(%run_scoped3A : memref<!tpu.dma_semaphore, #tpu.memory_space<semaphore_mem>>) src(%dma_wait3A_100 : memref<40x128xi32, #tpu.memory_space<hbm>>) dst(%arg7 : memref<40x128xi32, #tpu.memory_space<vmem>>)
      tpu.yield
    }) : () -> ()
    "tpu.region"() ({
      %run_scoped3A = tpu.sem_alloc : memref<!tpu.dma_semaphore, #tpu.memory_space<semaphore_mem>>
      %dma_start3A_93 = arith.constant 0 : i32
      %dma_start3A_94 = tpu.memref_slice %arg4[%add3A_55, %dma_start3A_93] : memref<2560x128xi32, #tpu.memory_space<hbm>> -> memref<40x128xi32, #tpu.memory_space<hbm>>
      %dma_start3A_95 = arith.constant 0 : i32
      %dma_start3A_96 = tpu.memref_slice %arg4[%add3A_55, %dma_start3A_95] : memref<2560x128xi32, #tpu.memory_space<hbm>> -> memref<40x128xi32, #tpu.memory_space<hbm>>
      tpu.enqueue_dma source(%dma_start3A_96 : memref<40x128xi32, #tpu.memory_space<hbm>>) target(%arg8 : memref<40x128xi32, #tpu.memory_space<vmem>>) target_semaphore(%run_scoped3A : memref<!tpu.dma_semaphore, #tpu.memory_space<semaphore_mem>>)
      %dma_wait3A_97 = arith.constant 0 : i32
      %dma_wait3A_98 = tpu.memref_slice %arg4[%add3A_55, %dma_wait3A_97] : memref<2560x128xi32, #tpu.memory_space<hbm>> -> memref<40x128xi32, #tpu.memory_space<hbm>>
      %dma_wait3A_99 = arith.constant 0 : i32
      %dma_wait3A_100 = tpu.memref_slice %arg4[%add3A_55, %dma_wait3A_99] : memref<2560x128xi32, #tpu.memory_space<hbm>> -> memref<40x128xi32, #tpu.memory_space<hbm>>
      tpu.wait_dma2 semaphore(%run_scoped3A : memref<!tpu.dma_semaphore, #tpu.memory_space<semaphore_mem>>) src(%dma_wait3A_100 : memref<40x128xi32, #tpu.memory_space<hbm>>) dst(%arg8 : memref<40x128xi32, #tpu.memory_space<vmem>>)
      tpu.yield
    }) : () -> ()
    %dma_start3A_56 = arith.constant 0 : i32
    %dma_start3A_57 = arith.constant 0 : i32
    %dma_start3A_58 = arith.constant 0 : i32
    %dma_start3A_59 = arith.constant 0 : i32
    %dma_start3A_60 = arith.constant 0 : i32
    %dma_start3A_61 = tpu.memref_slice %arg9[%dma_start3A_57, %dma_start3A_59, %dma_start3A_60] : memref<2x128x128xf32, #tpu.memory_space<vmem>> -> memref<1x128x128xf32, #tpu.memory_space<vmem>>
    %dma_start3A_62 = tpu.memref_squeeze %dma_start3A_61 : memref<1x128x128xf32, #tpu.memory_space<vmem>> -> memref<128x128xf32, #tpu.memory_space<vmem>>
    %dma_start3A_63 = arith.constant 0 : i32
    %dma_start3A_64 = tpu.memref_slice %arg7[%dma_start3A_56, %dma_start3A_63] : memref<40x128xi32, #tpu.memory_space<vmem>> -> memref<1x128xi32, #tpu.memory_space<vmem>>
    %dma_start3A_65 = tpu.memref_squeeze %dma_start3A_64 : memref<1x128xi32, #tpu.memory_space<vmem>> -> memref<128xi32, #tpu.memory_space<vmem>>
    %dma_start3A_66 = arith.constant 0 : i32
    %dma_start3A_67 = arith.constant 0 : i32
    %dma_start3A_68 = tpu.memref_slice %arg2[%dma_start3A_66, %dma_start3A_67] : memref<20224x128xf32, #tpu.memory_space<hbm>> -> memref<20224x128xf32, #tpu.memory_space<hbm>>
    %dma_start3A_69 = tpu.memref_slice %arg10[%dma_start3A_58] : memref<2x!tpu.dma_semaphore, #tpu.memory_space<semaphore_mem>> -> memref<1x!tpu.dma_semaphore, #tpu.memory_space<semaphore_mem>>
    %dma_start3A_70 = tpu.memref_squeeze %dma_start3A_69 : memref<1x!tpu.dma_semaphore, #tpu.memory_space<semaphore_mem>> -> memref<!tpu.dma_semaphore, #tpu.memory_space<semaphore_mem>>
    tpu.enqueue_indirect_dma source(%dma_start3A_68 : memref<20224x128xf32, #tpu.memory_space<hbm>>) target(%dma_start3A_62 : memref<128x128xf32, #tpu.memory_space<vmem>>) offsets(%dma_start3A_65 : memref<128xi32, #tpu.memory_space<vmem>>) semaphore(%dma_start3A_70 : memref<!tpu.dma_semaphore, #tpu.memory_space<semaphore_mem>>)
    %scan3A_71 = arith.constant 0 : i32
    %scan3A_72 = arith.constant 0 : i32
    %scan3A_73 = arith.constant 40 : i32
    %scan3A_74 = arith.addi %scan3A_72, %scan3A_73 : i32
    %scan3A_75 = arith.constant 1 : i32
    scf.for %scan3A_93 = %scan3A_72 to %scan3A_74 step %scan3A_75  : i32 {
      %add3A_94 = arith.constant 1 : i32
      %add3A_95 = arith.addi %scan3A_93, %add3A_94 : i32
      %min3A = arith.constant 39 : i32
      %min3A_96 = arith.minsi %add3A_95, %min3A : i32
      %add3A_97 = arith.constant 1 : i32
      %add3A_98 = arith.addi %scan3A_93, %add3A_97 : i32
      %jit3A = arith.constant 2 : i32
      %eq3A = arith.constant 0 : i32
      %eq3A_99 = arith.cmpi eq, %jit3A, %eq3A : i32
      %jit3A_100 = arith.constant 1 : i32
      %select_n3A = arith.select %eq3A_99, %jit3A_100, %jit3A : i32
      %rem3A = arith.remsi %add3A_98, %select_n3A : i32
      %ne3A = arith.constant 0 : i32
      %ne3A_101 = arith.cmpi ne, %rem3A, %ne3A : i32
      %lt3A = arith.constant 0 : i32
      %lt3A_102 = arith.cmpi slt, %rem3A, %lt3A : i32
      %lt3A_103 = arith.constant 0 : i32
      %lt3A_104 = arith.cmpi slt, %select_n3A, %lt3A_103 : i32
      %ne3A_105 = arith.xori %lt3A_102, %lt3A_104 : i1
      %and3A = arith.andi %ne3A_105, %ne3A_101 : i1
      %add3A_106 = arith.addi %rem3A, %select_n3A : i32
      %select_n3A_107 = arith.select %and3A, %add3A_106, %rem3A : i32
      %add3A_108 = arith.constant 1 : i32
      %add3A_109 = arith.addi %scan3A_93, %add3A_108 : i32
      %jit3A_110 = arith.constant 2 : i32
      %eq3A_111 = arith.constant 0 : i32
      %eq3A_112 = arith.cmpi eq, %jit3A_110, %eq3A_111 : i32
      %jit3A_113 = arith.constant 1 : i32
      %select_n3A_114 = arith.select %eq3A_112, %jit3A_113, %jit3A_110 : i32
      %rem3A_115 = arith.remsi %add3A_109, %select_n3A_114 : i32
      %ne3A_116 = arith.constant 0 : i32
      %ne3A_117 = arith.cmpi ne, %rem3A_115, %ne3A_116 : i32
      %lt3A_118 = arith.constant 0 : i32
      %lt3A_119 = arith.cmpi slt, %rem3A_115, %lt3A_118 : i32
      %lt3A_120 = arith.constant 0 : i32
      %lt3A_121 = arith.cmpi slt, %select_n3A_114, %lt3A_120 : i32
      %ne3A_122 = arith.xori %lt3A_119, %lt3A_121 : i1
      %and3A_123 = arith.andi %ne3A_122, %ne3A_117 : i1
      %add3A_124 = arith.addi %rem3A_115, %select_n3A_114 : i32
      %select_n3A_125 = arith.select %and3A_123, %add3A_124, %rem3A_115 : i32
      %dma_start3A_126 = arith.constant 0 : i32
      %dma_start3A_127 = arith.constant 0 : i32
      %dma_start3A_128 = tpu.memref_slice %arg9[%select_n3A_107, %dma_start3A_126, %dma_start3A_127] : memref<2x128x128xf32, #tpu.memory_space<vmem>> -> memref<1x128x128xf32, #tpu.memory_space<vmem>>
      %dma_start3A_129 = tpu.memref_squeeze %dma_start3A_128 : memref<1x128x128xf32, #tpu.memory_space<vmem>> -> memref<128x128xf32, #tpu.memory_space<vmem>>
      %dma_start3A_130 = arith.constant 0 : i32
      %dma_start3A_131 = tpu.memref_slice %arg7[%min3A_96, %dma_start3A_130] : memref<40x128xi32, #tpu.memory_space<vmem>> -> memref<1x128xi32, #tpu.memory_space<vmem>>
      %dma_start3A_132 = tpu.memref_squeeze %dma_start3A_131 : memref<1x128xi32, #tpu.memory_space<vmem>> -> memref<128xi32, #tpu.memory_space<vmem>>
      %dma_start3A_133 = arith.constant 0 : i32
      %dma_start3A_134 = arith.constant 0 : i32
      %dma_start3A_135 = tpu.memref_slice %arg2[%dma_start3A_133, %dma_start3A_134] : memref<20224x128xf32, #tpu.memory_space<hbm>> -> memref<20224x128xf32, #tpu.memory_space<hbm>>
      %dma_start3A_136 = tpu.memref_slice %arg10[%select_n3A_125] : memref<2x!tpu.dma_semaphore, #tpu.memory_space<semaphore_mem>> -> memref<1x!tpu.dma_semaphore, #tpu.memory_space<semaphore_mem>>
      %dma_start3A_137 = tpu.memref_squeeze %dma_start3A_136 : memref<1x!tpu.dma_semaphore, #tpu.memory_space<semaphore_mem>> -> memref<!tpu.dma_semaphore, #tpu.memory_space<semaphore_mem>>
      tpu.enqueue_indirect_dma source(%dma_start3A_135 : memref<20224x128xf32, #tpu.memory_space<hbm>>) target(%dma_start3A_129 : memref<128x128xf32, #tpu.memory_space<vmem>>) offsets(%dma_start3A_132 : memref<128xi32, #tpu.memory_space<vmem>>) semaphore(%dma_start3A_137 : memref<!tpu.dma_semaphore, #tpu.memory_space<semaphore_mem>>)
      %jit3A_138 = arith.constant 2 : i32
      %eq3A_139 = arith.constant 0 : i32
      %eq3A_140 = arith.cmpi eq, %jit3A_138, %eq3A_139 : i32
      %jit3A_141 = arith.constant 1 : i32
      %select_n3A_142 = arith.select %eq3A_140, %jit3A_141, %jit3A_138 : i32
      %rem3A_143 = arith.remsi %scan3A_93, %select_n3A_142 : i32
      %ne3A_144 = arith.constant 0 : i32
      %ne3A_145 = arith.cmpi ne, %rem3A_143, %ne3A_144 : i32
      %lt3A_146 = arith.constant 0 : i32
      %lt3A_147 = arith.cmpi slt, %rem3A_143, %lt3A_146 : i32
      %lt3A_148 = arith.constant 0 : i32
      %lt3A_149 = arith.cmpi slt, %select_n3A_142, %lt3A_148 : i32
      %ne3A_150 = arith.xori %lt3A_147, %lt3A_149 : i1
      %and3A_151 = arith.andi %ne3A_150, %ne3A_145 : i1
      %add3A_152 = arith.addi %rem3A_143, %select_n3A_142 : i32
      %select_n3A_153 = arith.select %and3A_151, %add3A_152, %rem3A_143 : i32
      %jit3A_154 = arith.constant 2 : i32
      %eq3A_155 = arith.constant 0 : i32
      %eq3A_156 = arith.cmpi eq, %jit3A_154, %eq3A_155 : i32
      %jit3A_157 = arith.constant 1 : i32
      %select_n3A_158 = arith.select %eq3A_156, %jit3A_157, %jit3A_154 : i32
      %rem3A_159 = arith.remsi %scan3A_93, %select_n3A_158 : i32
      %ne3A_160 = arith.constant 0 : i32
      %ne3A_161 = arith.cmpi ne, %rem3A_159, %ne3A_160 : i32
      %lt3A_162 = arith.constant 0 : i32
      %lt3A_163 = arith.cmpi slt, %rem3A_159, %lt3A_162 : i32
      %lt3A_164 = arith.constant 0 : i32
      %lt3A_165 = arith.cmpi slt, %select_n3A_158, %lt3A_164 : i32
      %ne3A_166 = arith.xori %lt3A_163, %lt3A_165 : i1
      %and3A_167 = arith.andi %ne3A_166, %ne3A_161 : i1
      %add3A_168 = arith.addi %rem3A_159, %select_n3A_158 : i32
      %select_n3A_169 = arith.select %and3A_167, %add3A_168, %rem3A_159 : i32
      %dma_wait3A_170 = arith.constant 0 : i32
      %dma_wait3A_171 = arith.constant 0 : i32
      %dma_wait3A_172 = tpu.memref_slice %arg9[%select_n3A_153, %dma_wait3A_170, %dma_wait3A_171] : memref<2x128x128xf32, #tpu.memory_space<vmem>> -> memref<1x128x128xf32, #tpu.memory_space<vmem>>
      %dma_wait3A_173 = tpu.memref_squeeze %dma_wait3A_172 : memref<1x128x128xf32, #tpu.memory_space<vmem>> -> memref<128x128xf32, #tpu.memory_space<vmem>>
      %dma_wait3A_174 = arith.constant 0 : i32
      %dma_wait3A_175 = tpu.memref_slice %arg7[%scan3A_93, %dma_wait3A_174] : memref<40x128xi32, #tpu.memory_space<vmem>> -> memref<1x128xi32, #tpu.memory_space<vmem>>
      %dma_wait3A_176 = tpu.memref_squeeze %dma_wait3A_175 : memref<1x128xi32, #tpu.memory_space<vmem>> -> memref<128xi32, #tpu.memory_space<vmem>>
      %dma_wait3A_177 = arith.constant 0 : i32
      %dma_wait3A_178 = arith.constant 0 : i32
      %dma_wait3A_179 = tpu.memref_slice %arg2[%dma_wait3A_177, %dma_wait3A_178] : memref<20224x128xf32, #tpu.memory_space<hbm>> -> memref<20224x128xf32, #tpu.memory_space<hbm>>
      %dma_wait3A_180 = tpu.memref_slice %arg10[%select_n3A_169] : memref<2x!tpu.dma_semaphore, #tpu.memory_space<semaphore_mem>> -> memref<1x!tpu.dma_semaphore, #tpu.memory_space<semaphore_mem>>
      %dma_wait3A_181 = tpu.memref_squeeze %dma_wait3A_180 : memref<1x!tpu.dma_semaphore, #tpu.memory_space<semaphore_mem>> -> memref<!tpu.dma_semaphore, #tpu.memory_space<semaphore_mem>>
      tpu.wait_indirect_dma semaphore(%dma_wait3A_181 : memref<!tpu.dma_semaphore, #tpu.memory_space<semaphore_mem>>) src(%dma_wait3A_179 : memref<20224x128xf32, #tpu.memory_space<hbm>>) dst(%dma_wait3A_173 : memref<128x128xf32, #tpu.memory_space<vmem>>)
      %jit3A_182 = arith.constant 2 : i32
      %eq3A_183 = arith.constant 0 : i32
      %eq3A_184 = arith.cmpi eq, %jit3A_182, %eq3A_183 : i32
      %jit3A_185 = arith.constant 1 : i32
      %select_n3A_186 = arith.select %eq3A_184, %jit3A_185, %jit3A_182 : i32
      %rem3A_187 = arith.remsi %scan3A_93, %select_n3A_186 : i32
      %ne3A_188 = arith.constant 0 : i32
      %ne3A_189 = arith.cmpi ne, %rem3A_187, %ne3A_188 : i32
      %lt3A_190 = arith.constant 0 : i32
      %lt3A_191 = arith.cmpi slt, %rem3A_187, %lt3A_190 : i32
      %lt3A_192 = arith.constant 0 : i32
      %lt3A_193 = arith.cmpi slt, %select_n3A_186, %lt3A_192 : i32
      %ne3A_194 = arith.xori %lt3A_191, %lt3A_193 : i1
      %and3A_195 = arith.andi %ne3A_194, %ne3A_189 : i1
      %add3A_196 = arith.addi %rem3A_187, %select_n3A_186 : i32
      %select_n3A_197 = arith.select %and3A_195, %add3A_196, %rem3A_187 : i32
      "tpu.region"() ({
        %run_scoped3A = tpu.sem_alloc : memref<!tpu.dma_semaphore, #tpu.memory_space<semaphore_mem>>
        %dma_start3A_198 = arith.constant 0 : i32
        %dma_start3A_199 = arith.constant 0 : i32
        %dma_start3A_200 = tpu.memref_slice %arg9[%select_n3A_197, %dma_start3A_198, %dma_start3A_199] : memref<2x128x128xf32, #tpu.memory_space<vmem>> -> memref<1x128x128xf32, #tpu.memory_space<vmem>>
        %dma_start3A_201 = tpu.memref_squeeze %dma_start3A_200 : memref<1x128x128xf32, #tpu.memory_space<vmem>> -> memref<128x128xf32, #tpu.memory_space<vmem>>
        %dma_start3A_202 = arith.constant 0 : i32
        %dma_start3A_203 = tpu.memref_slice %arg8[%scan3A_93, %dma_start3A_202] : memref<40x128xi32, #tpu.memory_space<vmem>> -> memref<1x128xi32, #tpu.memory_space<vmem>>
        %dma_start3A_204 = tpu.memref_squeeze %dma_start3A_203 : memref<1x128xi32, #tpu.memory_space<vmem>> -> memref<128xi32, #tpu.memory_space<vmem>>
        %dma_start3A_205 = arith.constant 0 : i32
        %dma_start3A_206 = arith.constant 0 : i32
        %dma_start3A_207 = tpu.memref_slice %arg6[%dma_start3A_205, %dma_start3A_206] : memref<10112x128xf32, #tpu.memory_space<vmem_shared>> -> memref<10112x128xf32, #tpu.memory_space<vmem_shared>>
        tpu.enqueue_indirect_dma source(%dma_start3A_201 : memref<128x128xf32, #tpu.memory_space<vmem>>) target(%dma_start3A_207 : memref<10112x128xf32, #tpu.memory_space<vmem_shared>>) offsets(%dma_start3A_204 : memref<128xi32, #tpu.memory_space<vmem>>) semaphore(%run_scoped3A : memref<!tpu.dma_semaphore, #tpu.memory_space<semaphore_mem>>) {add = true}
        %dma_wait3A_208 = arith.constant 0 : i32
        %dma_wait3A_209 = arith.constant 0 : i32
        %dma_wait3A_210 = tpu.memref_slice %arg9[%select_n3A_197, %dma_wait3A_208, %dma_wait3A_209] : memref<2x128x128xf32, #tpu.memory_space<vmem>> -> memref<1x128x128xf32, #tpu.memory_space<vmem>>
        %dma_wait3A_211 = tpu.memref_squeeze %dma_wait3A_210 : memref<1x128x128xf32, #tpu.memory_space<vmem>> -> memref<128x128xf32, #tpu.memory_space<vmem>>
        %dma_wait3A_212 = arith.constant 0 : i32
        %dma_wait3A_213 = tpu.memref_slice %arg8[%scan3A_93, %dma_wait3A_212] : memref<40x128xi32, #tpu.memory_space<vmem>> -> memref<1x128xi32, #tpu.memory_space<vmem>>
        %dma_wait3A_214 = tpu.memref_squeeze %dma_wait3A_213 : memref<1x128xi32, #tpu.memory_space<vmem>> -> memref<128xi32, #tpu.memory_space<vmem>>
        %dma_wait3A_215 = arith.constant 0 : i32
        %dma_wait3A_216 = arith.constant 0 : i32
        %dma_wait3A_217 = tpu.memref_slice %arg6[%dma_wait3A_215, %dma_wait3A_216] : memref<10112x128xf32, #tpu.memory_space<vmem_shared>> -> memref<10112x128xf32, #tpu.memory_space<vmem_shared>>
        tpu.wait_indirect_dma semaphore(%run_scoped3A : memref<!tpu.dma_semaphore, #tpu.memory_space<semaphore_mem>>) src(%dma_wait3A_211 : memref<128x128xf32, #tpu.memory_space<vmem>>) dst(%dma_wait3A_217 : memref<10112x128xf32, #tpu.memory_space<vmem_shared>>)
        tpu.yield
      }) : () -> ()
    }
    %scan3A_76 = arith.constant 40 : i32
    %dma_wait3A_77 = arith.constant 39 : i32
    %dma_wait3A_78 = arith.constant 0 : i32
    %dma_wait3A_79 = arith.constant 0 : i32
    %dma_wait3A_80 = arith.constant 0 : i32
    %dma_wait3A_81 = arith.constant 0 : i32
    %dma_wait3A_82 = tpu.memref_slice %arg9[%dma_wait3A_78, %dma_wait3A_80, %dma_wait3A_81] : memref<2x128x128xf32, #tpu.memory_space<vmem>> -> memref<1x128x128xf32, #tpu.memory_space<vmem>>
    %dma_wait3A_83 = tpu.memref_squeeze %dma_wait3A_82 : memref<1x128x128xf32, #tpu.memory_space<vmem>> -> memref<128x128xf32, #tpu.memory_space<vmem>>
    %dma_wait3A_84 = arith.constant 0 : i32
    %dma_wait3A_85 = tpu.memref_slice %arg7[%dma_wait3A_77, %dma_wait3A_84] : memref<40x128xi32, #tpu.memory_space<vmem>> -> memref<1x128xi32, #tpu.memory_space<vmem>>
    %dma_wait3A_86 = tpu.memref_squeeze %dma_wait3A_85 : memref<1x128xi32, #tpu.memory_space<vmem>> -> memref<128xi32, #tpu.memory_space<vmem>>
    %dma_wait3A_87 = arith.constant 0 : i32
    %dma_wait3A_88 = arith.constant 0 : i32
    %dma_wait3A_89 = tpu.memref_slice %arg2[%dma_wait3A_87, %dma_wait3A_88] : memref<20224x128xf32, #tpu.memory_space<hbm>> -> memref<20224x128xf32, #tpu.memory_space<hbm>>
    %dma_wait3A_90 = tpu.memref_slice %arg10[%dma_wait3A_79] : memref<2x!tpu.dma_semaphore, #tpu.memory_space<semaphore_mem>> -> memref<1x!tpu.dma_semaphore, #tpu.memory_space<semaphore_mem>>
    %dma_wait3A_91 = tpu.memref_squeeze %dma_wait3A_90 : memref<1x!tpu.dma_semaphore, #tpu.memory_space<semaphore_mem>> -> memref<!tpu.dma_semaphore, #tpu.memory_space<semaphore_mem>>
    tpu.wait_indirect_dma semaphore(%dma_wait3A_91 : memref<!tpu.dma_semaphore, #tpu.memory_space<semaphore_mem>>) src(%dma_wait3A_89 : memref<20224x128xf32, #tpu.memory_space<hbm>>) dst(%dma_wait3A_83 : memref<128x128xf32, #tpu.memory_space<vmem>>)
    %barrier3A_92 = arith.constant 0 : index
    tpu.barrier barrier_id(%barrier3A_92)
    "tpu.region"() ({
      %run_scoped3A = tpu.sem_alloc : memref<!tpu.dma_semaphore, #tpu.memory_space<semaphore_mem>>
      %dma_start3A_93 = arith.constant 0 : i32
      %dma_start3A_94 = arith.constant 0 : i32
      %dma_start3A_95 = tpu.memref_slice %arg5[%arg0, %dma_start3A_93, %dma_start3A_94] : memref<2x10112x128xf32, #tpu.memory_space<hbm>> -> memref<1x10112x128xf32, #tpu.memory_space<hbm>>
      %dma_start3A_96 = tpu.memref_squeeze %dma_start3A_95 : memref<1x10112x128xf32, #tpu.memory_space<hbm>> -> memref<10112x128xf32, #tpu.memory_space<hbm>>
      %dma_start3A_97 = arith.constant 0 : i32
      %dma_start3A_98 = tpu.memref_slice %dma_start3A_96[%mul3A_2, %dma_start3A_97] : memref<10112x128xf32, #tpu.memory_space<hbm>> -> memref<632x128xf32, #tpu.memory_space<hbm>>
      %dma_start3A_99 = arith.constant 0 : i32
      %dma_start3A_100 = tpu.memref_slice %arg6[%mul3A_2, %dma_start3A_99] : memref<10112x128xf32, #tpu.memory_space<vmem_shared>> -> memref<632x128xf32, #tpu.memory_space<vmem_shared>>
      tpu.enqueue_dma source(%dma_start3A_100 : memref<632x128xf32, #tpu.memory_space<vmem_shared>>) target(%dma_start3A_98 : memref<632x128xf32, #tpu.memory_space<hbm>>) target_semaphore(%run_scoped3A : memref<!tpu.dma_semaphore, #tpu.memory_space<semaphore_mem>>)
      %dma_wait3A_101 = arith.constant 0 : i32
      %dma_wait3A_102 = arith.constant 0 : i32
      %dma_wait3A_103 = tpu.memref_slice %arg5[%arg0, %dma_wait3A_101, %dma_wait3A_102] : memref<2x10112x128xf32, #tpu.memory_space<hbm>> -> memref<1x10112x128xf32, #tpu.memory_space<hbm>>
      %dma_wait3A_104 = tpu.memref_squeeze %dma_wait3A_103 : memref<1x10112x128xf32, #tpu.memory_space<hbm>> -> memref<10112x128xf32, #tpu.memory_space<hbm>>
      %dma_wait3A_105 = arith.constant 0 : i32
      %dma_wait3A_106 = tpu.memref_slice %dma_wait3A_104[%mul3A_2, %dma_wait3A_105] : memref<10112x128xf32, #tpu.memory_space<hbm>> -> memref<632x128xf32, #tpu.memory_space<hbm>>
      %dma_wait3A_107 = arith.constant 0 : i32
      %dma_wait3A_108 = tpu.memref_slice %arg6[%mul3A_2, %dma_wait3A_107] : memref<10112x128xf32, #tpu.memory_space<vmem_shared>> -> memref<632x128xf32, #tpu.memory_space<vmem_shared>>
      tpu.wait_dma2 semaphore(%run_scoped3A : memref<!tpu.dma_semaphore, #tpu.memory_space<semaphore_mem>>) src(%dma_wait3A_108 : memref<632x128xf32, #tpu.memory_space<vmem_shared>>) dst(%dma_wait3A_106 : memref<632x128xf32, #tpu.memory_space<hbm>>)
      tpu.yield
    }) : () -> ()
    return
  }
}

module attributes {stable_mosaic.version = 14 : i64} {
  func.func @body(%arg0: i32, %arg1: memref<1x2528x128xf32, #tpu.memory_space<vmem>>, %arg2: memref<1x2528x128xf32, #tpu.memory_space<vmem>>, %arg3: memref<1x1x2528xi32, #tpu.memory_space<vmem>>, %arg4: memref<128x128xf32, #tpu.memory_space<vmem>>, %arg5: memref<128x128xf32, #tpu.memory_space<vmem>>, %arg6: memref<16x128xf32, #tpu.memory_space<vmem>>, %arg7: memref<1x1x16xf32, #tpu.memory_space<vmem>>, %arg8: memref<128x10xf32, #tpu.memory_space<vmem>>, %arg9: memref<128x128xf32, #tpu.memory_space<vmem>>) attributes {dimension_semantics = [#tpu.dimension_semantics<arbitrary>], iteration_bounds = array<i64: 4>, scalar_prefetch = 0 : i64, scratch_operands = 0 : i64, tpu.core_type = #tpu.core_type<tc>, window_params = [{transform_indices = @transform_0, window_bounds = array<i64: 1, 2528, 128>}, {transform_indices = @transform_1, window_bounds = array<i64: 1, 2528, 128>}, {transform_indices = @transform_2, window_bounds = array<i64: 1, 1, 2528>}, {pipeline_mode = #tpu.pipeline_mode<synchronous>, transform_indices = @transform_3, window_bounds = array<i64: 128, 128>}, {pipeline_mode = #tpu.pipeline_mode<synchronous>, transform_indices = @transform_4, window_bounds = array<i64: 128, 128>}, {pipeline_mode = #tpu.pipeline_mode<synchronous>, transform_indices = @transform_5, window_bounds = array<i64: 16, 128>}, {pipeline_mode = #tpu.pipeline_mode<synchronous>, transform_indices = @transform_6, window_bounds = array<i64: 1, 1, 16>}, {pipeline_mode = #tpu.pipeline_mode<synchronous>, transform_indices = @transform_7, window_bounds = array<i64: 128, 10>}, {pipeline_mode = #tpu.pipeline_mode<synchronous>, transform_indices = @transform_8, window_bounds = array<i64: 128, 128>}]} {
    %get3A = arith.constant 0 : index
    %get3A_0 = arith.constant 0 : index
    %get3A_1 = arith.constant 0 : index
    %get3A_2 = vector.load %arg1[%get3A, %get3A_0, %get3A_1] : memref<1x2528x128xf32, #tpu.memory_space<vmem>>, vector<1x2528x128xf32>
    %get3A_3 = vector.shape_cast %get3A_2 : vector<1x2528x128xf32> to vector<2528x128xf32>
    %get3A_4 = arith.constant 0 : index
    %get3A_5 = arith.constant 0 : index
    %get3A_6 = arith.constant 0 : index
    %get3A_7 = vector.load %arg2[%get3A_4, %get3A_5, %get3A_6] : memref<1x2528x128xf32, #tpu.memory_space<vmem>>, vector<1x2528x128xf32>
    %get3A_8 = vector.shape_cast %get3A_7 : vector<1x2528x128xf32> to vector<2528x128xf32>
    %add3A = arith.addf %get3A_3, %get3A_8 : vector<2528x128xf32>
    %get3A_9 = arith.constant 0 : index
    %get3A_10 = arith.constant 0 : index
    %get3A_11 = vector.load %arg4[%get3A_9, %get3A_10] : memref<128x128xf32, #tpu.memory_space<vmem>>, vector<128x128xf32>
    %dot_general3A = arith.constant dense<0.000000e+00> : vector<2528x128xf32>
    %dot_general3A_12 = tpu.matmul %add3A, %get3A_11, %dot_general3A {dimension_numbers = #tpu.dot_dimension_numbers<[1], [1], [0], [0], [0, 0, 1, 0], [], []>, transpose_lhs_hint = false} : vector<2528x128xf32>, vector<128x128xf32>, vector<2528x128xf32> -> vector<2528x128xf32>
    %neg3A = arith.constant 0.000000e+00 : f32
    %neg3A_13 = vector.broadcast %neg3A : f32 to vector<2528x128xf32>
    %neg3A_14 = arith.subf %neg3A_13, %dot_general3A_12 : vector<2528x128xf32>
    %exp3A = math.exp %neg3A_14 : vector<2528x128xf32>
    %add3A_15 = arith.constant 1.000000e+00 : f32
    %add3A_16 = vector.broadcast %add3A_15 : f32 to vector<2528x128xf32>
    %add3A_17 = arith.addf %add3A_16, %exp3A : vector<2528x128xf32>
    %div3A = arith.constant 1.000000e+00 : f32
    %div3A_18 = vector.broadcast %div3A : f32 to vector<2528x128xf32>
    %div3A_19 = arith.divf %div3A_18, %add3A_17 : vector<2528x128xf32>
    %get3A_20 = arith.constant 0 : index
    %get3A_21 = arith.constant 0 : index
    %get3A_22 = vector.load %arg5[%get3A_20, %get3A_21] : memref<128x128xf32, #tpu.memory_space<vmem>>, vector<128x128xf32>
    %dot_general3A_23 = arith.constant dense<0.000000e+00> : vector<2528x128xf32>
    %dot_general3A_24 = tpu.matmul %div3A_19, %get3A_22, %dot_general3A_23 {dimension_numbers = #tpu.dot_dimension_numbers<[1], [1], [0], [0], [0, 0, 1, 0], [], []>, transpose_lhs_hint = false} : vector<2528x128xf32>, vector<128x128xf32>, vector<2528x128xf32> -> vector<2528x128xf32>
    %neg3A_25 = arith.constant 0.000000e+00 : f32
    %neg3A_26 = vector.broadcast %neg3A_25 : f32 to vector<2528x128xf32>
    %neg3A_27 = arith.subf %neg3A_26, %dot_general3A_24 : vector<2528x128xf32>
    %exp3A_28 = math.exp %neg3A_27 : vector<2528x128xf32>
    %add3A_29 = arith.constant 1.000000e+00 : f32
    %add3A_30 = vector.broadcast %add3A_29 : f32 to vector<2528x128xf32>
    %add3A_31 = arith.addf %add3A_30, %exp3A_28 : vector<2528x128xf32>
    %div3A_32 = arith.constant 1.000000e+00 : f32
    %div3A_33 = vector.broadcast %div3A_32 : f32 to vector<2528x128xf32>
    %div3A_34 = arith.divf %div3A_33, %add3A_31 : vector<2528x128xf32>
    %get3A_35 = arith.constant 0 : index
    %get3A_36 = arith.constant 0 : index
    %get3A_37 = arith.constant 0 : index
    %get3A_38 = vector.load %arg3[%get3A_35, %get3A_36, %get3A_37] : memref<1x1x2528xi32, #tpu.memory_space<vmem>>, vector<1x1x2528xi32>
    %get3A_39 = vector.shape_cast %get3A_38 : vector<1x1x2528xi32> to vector<2528xi32>
    %broadcast_in_dim3A = vector.shape_cast %get3A_39 : vector<2528xi32> to vector<2528x1xi32>
    %iota3A = tpu.iota {dimensions = array<i32: 1>} : vector<2528x128xi32>
    %eq3A = vector.broadcast %broadcast_in_dim3A : vector<2528x1xi32> to vector<2528x128xi32>
    %eq3A_40 = arith.cmpi eq, %eq3A, %iota3A : vector<2528x128xi32>
    %convert_element_type3A = arith.extui %eq3A_40 : vector<2528x128xi1> to vector<2528x128xi32>
    %convert_element_type3A_41 = arith.sitofp %convert_element_type3A : vector<2528x128xi32> to vector<2528x128xf32>
    %dot_general3A_42 = arith.constant dense<0.000000e+00> : vector<128x128xf32>
    %dot_general3A_43 = tpu.matmul %convert_element_type3A_41, %div3A_34, %dot_general3A_42 {dimension_numbers = #tpu.dot_dimension_numbers<[0], [0], [1], [1], [0, 1, 1, 1], [], []>, precision = #tpu.contract_precision<fp32>, transpose_lhs_hint = false} : vector<2528x128xf32>, vector<2528x128xf32>, vector<128x128xf32> -> vector<128x128xf32>
    %eq3A_44 = arith.constant 0 : i32
    %eq3A_45 = arith.cmpi eq, %arg0, %eq3A_44 : i32
    %convert_element_type3A_46 = arith.extui %eq3A_45 : i1 to i32
    %cond3A = arith.constant 0 : i32
    %cond3A_47 = arith.cmpi ne, %convert_element_type3A_46, %cond3A : i32
    scf.if %cond3A_47 {
      %swap3A = arith.constant 0 : index
      %swap3A_57 = arith.constant 0 : index
      %swap3A_58 = vector.load %arg9[%swap3A, %swap3A_57] : memref<128x128xf32, #tpu.memory_space<vmem>>, vector<128x128xf32>
      tpu.vector_store %arg9[%swap3A, %swap3A_57], %dot_general3A_43 {strides = array<i32>} : memref<128x128xf32, #tpu.memory_space<vmem>>, vector<128x128xf32>,
    } else {
    }
    %gt3A = arith.constant 0 : i32
    %gt3A_48 = arith.cmpi sgt, %arg0, %gt3A : i32
    %convert_element_type3A_49 = arith.extui %gt3A_48 : i1 to i32
    %cond3A_50 = arith.constant 0 : i32
    %cond3A_51 = arith.cmpi ne, %convert_element_type3A_49, %cond3A_50 : i32
    scf.if %cond3A_51 {
      %get3A_57 = arith.constant 0 : index
      %get3A_58 = arith.constant 0 : index
      %get3A_59 = vector.load %arg9[%get3A_57, %get3A_58] : memref<128x128xf32, #tpu.memory_space<vmem>>, vector<128x128xf32>
      %add3A_60 = arith.addf %get3A_59, %dot_general3A_43 : vector<128x128xf32>
      %swap3A = arith.constant 0 : index
      %swap3A_61 = arith.constant 0 : index
      %swap3A_62 = vector.load %arg9[%swap3A, %swap3A_61] : memref<128x128xf32, #tpu.memory_space<vmem>>, vector<128x128xf32>
      tpu.vector_store %arg9[%swap3A, %swap3A_61], %add3A_60 {strides = array<i32>} : memref<128x128xf32, #tpu.memory_space<vmem>>, vector<128x128xf32>,
    } else {
    }
    %eq3A_52 = arith.constant 3 : i32
    %eq3A_53 = arith.cmpi eq, %arg0, %eq3A_52 : i32
    %convert_element_type3A_54 = arith.extui %eq3A_53 : i1 to i32
    %cond3A_55 = arith.constant 0 : i32
    %cond3A_56 = arith.cmpi ne, %convert_element_type3A_54, %cond3A_55 : i32
    scf.if %cond3A_56 {
      %get3A_57 = arith.constant 0 : index
      %get3A_58 = arith.constant 0 : index
      %get3A_59 = vector.load %arg9[%get3A_57, %get3A_58] : memref<128x128xf32, #tpu.memory_space<vmem>>, vector<128x128xf32>
      %get3A_60 = arith.constant 0 : index
      %get3A_61 = arith.constant 0 : index
      %get3A_62 = vector.load %arg6[%get3A_60, %get3A_61] : memref<16x128xf32, #tpu.memory_space<vmem>>, vector<16x128xf32>
      %dot_general3A_63 = arith.constant dense<0.000000e+00> : vector<128x16xf32>
      %dot_general3A_64 = tpu.matmul %get3A_59, %get3A_62, %dot_general3A_63 {dimension_numbers = #tpu.dot_dimension_numbers<[1], [1], [0], [0], [0, 0, 1, 0], [], []>, precision = #tpu.contract_precision<fp32>, transpose_lhs_hint = false} : vector<128x128xf32>, vector<16x128xf32>, vector<128x16xf32> -> vector<128x16xf32>
      %get3A_65 = arith.constant 0 : index
      %get3A_66 = arith.constant 0 : index
      %get3A_67 = arith.constant 0 : index
      %get3A_68 = vector.load %arg7[%get3A_65, %get3A_66, %get3A_67] : memref<1x1x16xf32, #tpu.memory_space<vmem>>, vector<1x1x16xf32>
      %get3A_69 = vector.shape_cast %get3A_68 : vector<1x1x16xf32> to vector<16xf32>
      %broadcast_in_dim3A_70 = vector.shape_cast %get3A_69 : vector<16xf32> to vector<1x16xf32>
      %add3A_71 = vector.broadcast %broadcast_in_dim3A_70 : vector<1x16xf32> to vector<128x16xf32>
      %add3A_72 = arith.addf %dot_general3A_64, %add3A_71 : vector<128x16xf32>
      %reduce_max3A = arith.constant dense<0xFF800000> : vector<128xf32>
      %reduce_max3A_73 = vector.multi_reduction <maximumf>, %add3A_72, %reduce_max3A [1] : vector<128x16xf32> to vector<128xf32>
      %broadcast_in_dim3A_74 = vector.shape_cast %reduce_max3A_73 : vector<128xf32> to vector<128x1xf32>
      %sub3A = vector.broadcast %broadcast_in_dim3A_74 : vector<128x1xf32> to vector<128x16xf32>
      %sub3A_75 = arith.subf %add3A_72, %sub3A : vector<128x16xf32>
      %exp3A_76 = math.exp %sub3A_75 : vector<128x16xf32>
      %reduce_sum3A = arith.constant dense<0.000000e+00> : vector<128xf32>
      %reduce_sum3A_77 = vector.multi_reduction <add>, %exp3A_76, %reduce_sum3A [1] : vector<128x16xf32> to vector<128xf32>
      %broadcast_in_dim3A_78 = vector.shape_cast %reduce_sum3A_77 : vector<128xf32> to vector<128x1xf32>
      %log3A = math.log %broadcast_in_dim3A_78 : vector<128x1xf32>
      %sub3A_79 = vector.broadcast %broadcast_in_dim3A_74 : vector<128x1xf32> to vector<128x16xf32>
      %sub3A_80 = arith.subf %add3A_72, %sub3A_79 : vector<128x16xf32>
      %sub3A_81 = vector.broadcast %log3A : vector<128x1xf32> to vector<128x16xf32>
      %sub3A_82 = arith.subf %sub3A_80, %sub3A_81 : vector<128x16xf32>
      %slice3A = vector.extract_strided_slice %sub3A_82 {offsets = [0, 0], sizes = [128, 10], strides = [1, 1]} : vector<128x16xf32> to vector<128x10xf32>
      %swap3A = arith.constant 0 : index
      %swap3A_83 = arith.constant 0 : index
      %swap3A_84 = vector.load %arg8[%swap3A, %swap3A_83] : memref<128x10xf32, #tpu.memory_space<vmem>>, vector<128x10xf32>
      tpu.vector_store %arg8[%swap3A, %swap3A_83], %slice3A {strides = array<i32>} : memref<128x10xf32, #tpu.memory_space<vmem>>, vector<128x10xf32>,
    } else {
    }
    return
  }
  func.func @transform_0(%arg0: i32) -> (i32, i32, i32) {
    %c0_i32 = arith.constant 0 : i32
    %c0_i32_0 = arith.constant 0 : i32
    %c0_i32_1 = arith.constant 0 : i32
    return %c0_i32, %arg0, %c0_i32_0 : i32, i32, i32
  }
  func.func @transform_1(%arg0: i32) -> (i32, i32, i32) {
    %c1_i32 = arith.constant 1 : i32
    %c0_i32 = arith.constant 0 : i32
    %c0_i32_0 = arith.constant 0 : i32
    return %c1_i32, %arg0, %c0_i32 : i32, i32, i32
  }
  func.func @transform_2(%arg0: i32) -> (i32, i32, i32) {
    %c0_i32 = arith.constant 0 : i32
    %c0_i32_0 = arith.constant 0 : i32
    %c0_i32_1 = arith.constant 0 : i32
    return %arg0, %c0_i32, %c0_i32_0 : i32, i32, i32
  }
  func.func @transform_3(%arg0: i32) -> (i32, i32) {
    %c0_i32 = arith.constant 0 : i32
    %c0_i32_0 = arith.constant 0 : i32
    %c0_i32_1 = arith.constant 0 : i32
    return %c0_i32, %c0_i32_0 : i32, i32
  }
  func.func @transform_4(%arg0: i32) -> (i32, i32) {
    %c0_i32 = arith.constant 0 : i32
    %c0_i32_0 = arith.constant 0 : i32
    %c0_i32_1 = arith.constant 0 : i32
    return %c0_i32, %c0_i32_0 : i32, i32
  }
  func.func @transform_5(%arg0: i32) -> (i32, i32) {
    %c0_i32 = arith.constant 0 : i32
    %c0_i32_0 = arith.constant 0 : i32
    %c0_i32_1 = arith.constant 0 : i32
    return %c0_i32, %c0_i32_0 : i32, i32
  }
  func.func @transform_6(%arg0: i32) -> (i32, i32, i32) {
    %c0_i32 = arith.constant 0 : i32
    %c0_i32_0 = arith.constant 0 : i32
    %c0_i32_1 = arith.constant 0 : i32
    %c0_i32_2 = arith.constant 0 : i32
    return %c0_i32, %c0_i32_0, %c0_i32_1 : i32, i32, i32
  }
  func.func @transform_7(%arg0: i32) -> (i32, i32) {
    %c0_i32 = arith.constant 0 : i32
    %c0_i32_0 = arith.constant 0 : i32
    %c0_i32_1 = arith.constant 0 : i32
    return %c0_i32, %c0_i32_0 : i32, i32
  }
  func.func @transform_8(%arg0: i32) -> (i32, i32) {
    %c0_i32 = arith.constant 0 : i32
    %c0_i32_0 = arith.constant 0 : i32
    %c0_i32_1 = arith.constant 0 : i32
    return %c0_i32, %c0_i32_0 : i32, i32
  }
}

module attributes {stable_mosaic.version = 14 : i64} {
  func.func @body(%arg0: i32, %arg1: memref<1x2528x128xf32, #tpu.memory_space<vmem>>, %arg2: memref<1x2528x128xf32, #tpu.memory_space<vmem>>, %arg3: memref<20224x128xf32, #tpu.memory_space<any>>, %arg4: memref<128x128xf32, #tpu.memory_space<vmem>>, %arg5: memref<128x128xf32, #tpu.memory_space<vmem>>, %arg6: memref<2528x128xf32, #tpu.memory_space<vmem>>) attributes {dimension_semantics = [#tpu.dimension_semantics<arbitrary>], iteration_bounds = array<i64: 4>, scalar_prefetch = 0 : i64, scratch_operands = 0 : i64, tpu.core_type = #tpu.core_type<tc>, window_params = [{transform_indices = @transform_0, window_bounds = array<i64: 1, 2528, 128>}, {transform_indices = @transform_1, window_bounds = array<i64: 1, 2528, 128>}, {}, {pipeline_mode = #tpu.pipeline_mode<synchronous>, transform_indices = @transform_3, window_bounds = array<i64: 128, 128>}, {pipeline_mode = #tpu.pipeline_mode<synchronous>, transform_indices = @transform_4, window_bounds = array<i64: 128, 128>}, {transform_indices = @transform_5, window_bounds = array<i64: 2528, 128>}]} {
    %get3A = arith.constant 0 : index
    %get3A_0 = arith.constant 0 : index
    %get3A_1 = arith.constant 0 : index
    %get3A_2 = vector.load %arg1[%get3A, %get3A_0, %get3A_1] : memref<1x2528x128xf32, #tpu.memory_space<vmem>>, vector<1x2528x128xf32>
    %get3A_3 = vector.shape_cast %get3A_2 : vector<1x2528x128xf32> to vector<2528x128xf32>
    %get3A_4 = arith.constant 0 : index
    %get3A_5 = arith.constant 0 : index
    %get3A_6 = arith.constant 0 : index
    %get3A_7 = vector.load %arg2[%get3A_4, %get3A_5, %get3A_6] : memref<1x2528x128xf32, #tpu.memory_space<vmem>>, vector<1x2528x128xf32>
    %get3A_8 = vector.shape_cast %get3A_7 : vector<1x2528x128xf32> to vector<2528x128xf32>
    %add3A = arith.addf %get3A_3, %get3A_8 : vector<2528x128xf32>
    %get3A_9 = arith.constant 0 : index
    %get3A_10 = arith.constant 0 : index
    %get3A_11 = vector.load %arg4[%get3A_9, %get3A_10] : memref<128x128xf32, #tpu.memory_space<vmem>>, vector<128x128xf32>
    %dot_general3A = arith.constant dense<0.000000e+00> : vector<2528x128xf32>
    %dot_general3A_12 = tpu.matmul %add3A, %get3A_11, %dot_general3A {dimension_numbers = #tpu.dot_dimension_numbers<[1], [1], [0], [0], [0, 0, 1, 0], [], []>, transpose_lhs_hint = false} : vector<2528x128xf32>, vector<128x128xf32>, vector<2528x128xf32> -> vector<2528x128xf32>
    %neg3A = arith.constant 0.000000e+00 : f32
    %neg3A_13 = vector.broadcast %neg3A : f32 to vector<2528x128xf32>
    %neg3A_14 = arith.subf %neg3A_13, %dot_general3A_12 : vector<2528x128xf32>
    %exp3A = math.exp %neg3A_14 : vector<2528x128xf32>
    %add3A_15 = arith.constant 1.000000e+00 : f32
    %add3A_16 = vector.broadcast %add3A_15 : f32 to vector<2528x128xf32>
    %add3A_17 = arith.addf %add3A_16, %exp3A : vector<2528x128xf32>
    %div3A = arith.constant 1.000000e+00 : f32
    %div3A_18 = vector.broadcast %div3A : f32 to vector<2528x128xf32>
    %div3A_19 = arith.divf %div3A_18, %add3A_17 : vector<2528x128xf32>
    %get3A_20 = arith.constant 0 : index
    %get3A_21 = arith.constant 0 : index
    %get3A_22 = vector.load %arg5[%get3A_20, %get3A_21] : memref<128x128xf32, #tpu.memory_space<vmem>>, vector<128x128xf32>
    %dot_general3A_23 = arith.constant dense<0.000000e+00> : vector<2528x128xf32>
    %dot_general3A_24 = tpu.matmul %div3A_19, %get3A_22, %dot_general3A_23 {dimension_numbers = #tpu.dot_dimension_numbers<[1], [1], [0], [0], [0, 0, 1, 0], [], []>, transpose_lhs_hint = false} : vector<2528x128xf32>, vector<128x128xf32>, vector<2528x128xf32> -> vector<2528x128xf32>
    %neg3A_25 = arith.constant 0.000000e+00 : f32
    %neg3A_26 = vector.broadcast %neg3A_25 : f32 to vector<2528x128xf32>
    %neg3A_27 = arith.subf %neg3A_26, %dot_general3A_24 : vector<2528x128xf32>
    %exp3A_28 = math.exp %neg3A_27 : vector<2528x128xf32>
    %add3A_29 = arith.constant 1.000000e+00 : f32
    %add3A_30 = vector.broadcast %add3A_29 : f32 to vector<2528x128xf32>
    %add3A_31 = arith.addf %add3A_30, %exp3A_28 : vector<2528x128xf32>
    %div3A_32 = arith.constant 1.000000e+00 : f32
    %div3A_33 = vector.broadcast %div3A_32 : f32 to vector<2528x128xf32>
    %div3A_34 = arith.divf %div3A_33, %add3A_31 : vector<2528x128xf32>
    %swap3A = arith.constant 0 : index
    %swap3A_35 = arith.constant 0 : index
    %swap3A_36 = vector.load %arg6[%swap3A, %swap3A_35] : memref<2528x128xf32, #tpu.memory_space<vmem>>, vector<2528x128xf32>
    tpu.vector_store %arg6[%swap3A, %swap3A_35], %div3A_34 {strides = array<i32>} : memref<2528x128xf32, #tpu.memory_space<vmem>>, vector<2528x128xf32>,
    return
  }
  func.func @transform_0(%arg0: i32) -> (i32, i32, i32) {
    %c0_i32 = arith.constant 0 : i32
    %c0_i32_0 = arith.constant 0 : i32
    %c0_i32_1 = arith.constant 0 : i32
    return %c0_i32, %arg0, %c0_i32_0 : i32, i32, i32
  }
  func.func @transform_1(%arg0: i32) -> (i32, i32, i32) {
    %c1_i32 = arith.constant 1 : i32
    %c0_i32 = arith.constant 0 : i32
    %c0_i32_0 = arith.constant 0 : i32
    return %c1_i32, %arg0, %c0_i32 : i32, i32, i32
  }
  func.func @transform_3(%arg0: i32) -> (i32, i32) {
    %c0_i32 = arith.constant 0 : i32
    %c0_i32_0 = arith.constant 0 : i32
    %c0_i32_1 = arith.constant 0 : i32
    return %c0_i32, %c0_i32_0 : i32, i32
  }
  func.func @transform_4(%arg0: i32) -> (i32, i32) {
    %c0_i32 = arith.constant 0 : i32
    %c0_i32_0 = arith.constant 0 : i32
    %c0_i32_1 = arith.constant 0 : i32
    return %c0_i32, %c0_i32_0 : i32, i32
  }
  func.func @transform_5(%arg0: i32) -> (i32, i32) {
    %c0_i32 = arith.constant 0 : i32
    %c0_i32_0 = arith.constant 0 : i32
    return %arg0, %c0_i32 : i32, i32
  }
}

</mosaic_0001>

<sc_bundles>
// kernel: kernel.10.cloned.1.call-start
scs
__scs_entry_jumppad:
0x0: {  	(pc) =	sbr.rel $0x88, $3  }
0x1: {  	(tag) =	ssettag $0x0;
	lr =	simm.s32 $0x1  }
0x2: {  	[smem:$0x3F9B] =	sst lr;
	_ =	strace $0xD0000000  }
0x3: {  	_ = 	snop  }
0x4: {  	_ = 	snop  }
0x5: {  	_ = 	snop  }
0x6: {  	_ = 	snop  }
0x7: {  	_ = 	snop  }
__scs_overlays_trampoline_lowered:
0x8: {  	[smem:$0x3FAA] =	sst s0  }
0x9: {  	[smem:$0x3FAB] =	sst s1  }
0xa: {  	[smem:$0x3FAC] =	sst s2  }
0xb: {  	[smem:$0x3FAD] =	sst s3  }
0xc: {  	[smem:$0x3FAE] =	sst s4  }
0xd: {  	[smem:$0x3FAF] =	sst s5  }
0xe: {  	[smem:$0x3FB0] =	sst s6  }
0xf: {  	[smem:$0x3FB1] =	sst s7  }
0x10: {  	[smem:$0x3FB2] =	sst s8  }
0x11: {  	[smem:$0x3FB3] =	sst s9;
	s0 =	simm.s32 @!p0 $0x0  }
0x12: {  	s1 =	sld [smem:$0x3F99];
	s0 =	simm.s32 @p0 $0x1  }
0x13: {  	[smem:$0x3FB4] =	sst s0;
	s0 =	simm.s32 @!p1 $0x0  }
0x14: {  	s2 =	sld [smem:$0x3F98];
	s0 =	simm.s32 @p1 $0x1  }
0x15: {  	[smem:$0x3FB5] =	sst s0;
	s0 =	simm.s32 @!p2 $0x0  }
0x16: {  	s3 =	sld [smem:$0x3FDB];
	s0 =	simm.s32 @p2 $0x1  }
0x17: {  	s4 =	simm.s32 $0x1BF5;
	[smem:$0x3FB7] =	sst s0  }
0x18: {  	s0 =	sld [smem:$0x3F9A];
	_ =	swait.ge [sflag:s4], $0x0  }
0x19: {  	s7 =	sld [smem:$0x3F9B]  }
0x1a: {  	s8 =	sadd.s32 $0xFFFFE003, lr  }
0x1b: {  	s9 =	sadd.s32 $0xFFFFFEF7, lr;
	s5 =	simm.s32 $0xFFFFFFFF;
	p2 =	slt.u32 s8, $0xFFFFF086  }
0x1c: {  	p1 =	slt.u32 s9, $0xF7A;
	s5 =	simm.s32 @!p2 $0x0  }
0x1d: {  	s5 =	simm.s32 @p1 $0x1;
	p0 =	seq.s32 s7, s2  }
0x1e: {  	s7 =	smul.u32 @!p0 $0xF7A, s2;
	p2 =	seq.s32 @!p0 s5, $0x0  }
0x1f: {  	s9 =	smul.u32 $0xF7A, s1;
	s8 =	simm.s32 @!p0 $0x1BF5;
	p2 =	por !p2, p0  }
0x20: {  	[sflag:s8] =	ssyncset.s32 @!p0 $0xFFFFF086;
	s6 =	sadd.s32 @!p0 s3, s7;
	s7 =	simm.s32 @!p0 $0x108  }
0x21: {  	s3 =	sadd.s32 s3, s9;
	s6 =	sadd.s32 @!p0 $0x88, s6;
	s7 =	simm.s32 @p2 $0x1082  }
0x22: {  	[simem:s7], [sflag:s8] =	dma.local @!p0 [hbm:s6], $0xF7A  }
0x23: {  	s9 =	sor.u32 $0xD0000000, s2;
	s6 =	simm.s32 $0x108;
	_ =	swait.ge @!p0 [sflag:s8], $0x0  }
0x24: {  	s3 =	sadd.s32 $0x88, s3;
	s6 =	simm.s32 @!p1 $0x1082;
	[sflag:s4] =	ssyncset.s32 $0xFFFFF086  }
0x25: {  	[simem:s6], [sflag:s4] =	dma.local [hbm:s3], $0xF7A  }
0x26: {  	[smem:$0x3F9B] =	sst s1;
	(tag) =	ssettag s2;
	_ =	strace s9  }
0x27: {  	s1 =	sld [smem:$0x3FAB]  }
0x28: {  	s2 =	sld [smem:$0x3FAC]  }
0x29: {  	s4 =	sld [smem:$0x3FAE]  }
0x2a: {  	p0 =	seq.s32 s5, $0x0;
	s5 =	sld [smem:$0x3FAF]  }
0x2b: {  	s6 =	sld [smem:$0x3FB0]  }
0x2c: {  	s7 =	sld [smem:$0x3FB1]  }
0x2d: {  	s3 =	simm.s32 $0x108;
	s8 =	sld [smem:$0x3FB2]  }
0x2e: {  	s3 =	simm.s32 @!p0 $0x1082;
	s9 =	sld [smem:$0x3FB3]  }
0x2f: {  	lr =	sadd.s32 s0, s3;
	s0 =	sld [smem:$0x3FAA]  }
0x30: {  	s3 =	sld [smem:$0x3FAD]  }
0x31: {  	[smem:$0x3FB6] =	sst s10  }
0x32: {  	s10 =	sld [smem:$0x3FB4];
	_ =	sdelay $0x3  }
0x33: {  	p0 =	seq.s32 s10, $0x1;
	s10 =	sld [smem:$0x3FB6];
	_ =	sdelay $0x3  }
0x34: {  	[smem:$0x3FB6] =	sst s10  }
0x35: {  	s10 =	sld [smem:$0x3FB5];
	_ =	sdelay $0x3  }
0x36: {  	p1 =	seq.s32 s10, $0x1;
	s10 =	sld [smem:$0x3FB6];
	_ =	sdelay $0x3  }
0x37: {  	[smem:$0x3FB6] =	sst s10  }
0x38: {  	s10 =	sld [smem:$0x3FB7]  }
0x39: {  	_ = 	snop;
	(pc) =	sbr.ind lr, $3  }
0x3a: {  	_ = 	snop  }
0x3b: {  	_ = 	snop  }
0x3c: {  	p2 =	seq.s32 s10, $0x1;
	s10 =	sld [smem:$0x3FB6]  }
0x3d: {  	_ =	shalt  }
0x3e: {  	_ =	shalt  }
0x3f: {  	_ =	shalt  }
0x40: {  	_ =	shalt  }
0x41: {  	_ =	shalt  }
0x42: {  	_ =	shalt  }
0x43: {  	_ =	shalt  }
0x44: {  	_ =	shalt  }
0x45: {  	_ =	shalt  }
0x46: {  	_ =	shalt  }
0x47: {  	_ =	shalt  }
0x48: {  	_ =	shalt  }
0x49: {  	_ =	shalt  }
0x4a: {  	_ =	shalt  }
0x4b: {  	_ =	shalt  }
0x4c: {  	_ =	shalt  }
0x4d: {  	_ =	shalt  }
0x4e: {  	_ =	shalt  }
0x4f: {  	_ =	shalt  }
0x50: {  	_ =	shalt  }
0x51: {  	_ =	shalt  }
0x52: {  	_ =	shalt  }
0x53: {  	_ =	shalt  }
0x54: {  	_ =	shalt  }
0x55: {  	_ =	shalt  }
0x56: {  	_ =	shalt  }
0x57: {  	_ =	shalt  }
0x58: {  	_ =	shalt  }
0x59: {  	_ =	shalt  }
0x5a: {  	_ =	shalt  }
0x5b: {  	_ =	shalt  }
0x5c: {  	_ =	shalt  }
0x5d: {  	_ =	shalt  }
0x5e: {  	_ =	shalt  }
0x5f: {  	_ =	shalt  }
0x60: {  	_ =	shalt  }
0x61: {  	_ =	shalt  }
0x62: {  	_ =	shalt  }
0x63: {  	_ =	shalt  }
0x64: {  	_ =	shalt  }
0x65: {  	_ =	shalt  }
0x66: {  	_ =	shalt  }
0x67: {  	_ =	shalt  }
0x68: {  	_ =	shalt  }
0x69: {  	_ =	shalt  }
0x6a: {  	_ =	shalt  }
0x6b: {  	_ =	shalt  }
0x6c: {  	_ =	shalt  }
0x6d: {  	_ =	shalt  }
0x6e: {  	_ =	shalt  }
0x6f: {  	_ =	shalt  }
0x70: {  	_ =	shalt  }
0x71: {  	_ =	shalt  }
0x72: {  	_ =	shalt  }
0x73: {  	_ =	shalt  }
0x74: {  	_ =	shalt  }
0x75: {  	_ =	shalt  }
0x76: {  	_ =	shalt  }
0x77: {  	_ =	shalt  }
0x78: {  	_ =	shalt  }
0x79: {  	_ =	shalt  }
0x7a: {  	_ =	shalt  }
0x7b: {  	_ =	shalt  }
0x7c: {  	_ =	shalt  }
0x7d: {  	_ =	shalt  }
0x7e: {  	_ =	shalt  }
0x7f: {  	_ =	shalt  }
0x80: {  	_ =	shalt  }
0x81: {  	_ =	shalt  }
0x82: {  	_ =	shalt  }
0x83: {  	_ =	shalt  }
0x84: {  	_ =	shalt  }
0x85: {  	_ =	shalt  }
0x86: {  	_ =	shalt  }
0x87: {  	_ =	shalt  }
.Lfunc_end0:
.L_simem_size_0:
called_computation_lowered:
.L_overlay_start_0:
0x88: {  	s2 =	sld [smem:$0x3FD9]  }
0x89: {  	s3 =	sld [smem:$0x3FFE];
	_ =	sdelay $0x1  }
0x8a: {  	s1 =	srdreg.scid  }
0x8b: {  	s0 =	sand.u32 $0x1, s1  }
0x8c: {  	s16 =	sshll.u32 s0, $0xA;
	s2 =	sadd.s32 s3, s2  }
0x8d: {  	s2 =	sadd.s32 s2, s16  }
0x8e: {  	[smem:$0x3FC2] =	sst s2  }
0x8f: {  	_ = 	snop  }
0x90: {  	(tm) =	ssettm $0x1  }
0x91: {  	s17 =	sld [smem:$0x3FFB];
	_ =	sdelay $0x3  }
0x92: {  	_ =	strace s17  }
0x93: {  	s2 =	sld [smem:$0x3FFC];
	_ =	sdelay $0x3  }
0x94: {  	_ =	strace s2  }
0x95: {  	s2 =	sld [smem:$0x3FFD];
	_ =	sdelay $0x3  }
0x96: {  	_ =	strace s2  }
0x97: {  	_ =	strace $0x8FFFFFFF  }
0x98: {  	s18 =	sld [smem:$0x3FDB];
	_ =	sdelay $0x1  }
0x99: {  	s19 =	simm.s32 $_scs_section_size  }
0x9a: {  	s4 =	simm.s32 $_size__tile_overlayer_lowered;
	s5 =	simm.s32 $_tile_overlayer_lowered  }
0x9b: {  	s22 =	simm.s32 $0x1BFF;
	s21 =	sshll.u32 s5, $0x1;
	s2 =	sadd.s32 s19, s18  }
0x9c: {  	s6 =	simm.s32 $0x0;
	s20 =	sshll.u32 s4, $0x1;
	s4 =	sadd.s32 s21, s2  }
0x9d: {  	[timem:s6], [sflag:s22] =	dma.local [hbm:s4], s20  }
0x9e: {  	_ =	swait.ge [sflag:s22], s20  }
0x9f: {  	s3 =	ssub.s32 $0x0, s20;
	[sflag:s22] =	ssyncset.done $0x0  }
0xa0: {  	[sflag:s22] =	ssyncadd.s32 s3;
	_ =	sdelay $0x1  }
0xa1: {  	s23 =	simm.s32 $0x1B8B  }
0xa2: {  	_ =	swait.ge [sflag:s23], $0x1  }
0xa3: {  	[sflag:s23] =	ssyncset.done $0x0  }
0xa4: {  	s25 =	simm.s32 $0x1B8E;
	s24 =	sld [smem:$0x3FFE];
	[sflag:s23] =	ssyncadd.s32 $0xFFFFFFFF  }
0xa5: {  	s26 =	simm.s32 $execute0_lowered;
	[smem:$0x3FD2] =	sst s25  }
0xa6: {  	s4 =	sshll.u32 s26, $0x1;
	_ =	strace $0x80000046;
	[dreg:$0x1] =	wrdreg $0xFFFFFFFF  }
0xa7: {  	s28 =	simm.s32 $_size_execute0_lowered;
	s2 =	sadd.s32 s2, s4;
	[dreg:$0x0] =	wrdreg $0x0  }
0xa8: {  	s4 =	sshll.u32 s28, $0x1;
	[dreg:$0x2] =	wrdreg s2  }
0xa9: {  	[dreg:$0x3] =	wrdreg s4  }
0xaa: {  	[dreg:$0x4] =	wrdreg $0xC0  }
0xab: {  	_ =	task [dreg:s6], $0x5FFFF  }
0xac: {  	[dreg:$0x1] =	wrdreg $0xFFFFFFFF  }
0xad: {  	[dreg:$0x0] =	wrdreg $0x60  }
0xae: {  	[dreg:$0x2] =	wrdreg s24  }
0xaf: {  	[dreg:$0x3] =	wrdreg $0x0  }
0xb0: {  	[dreg:$0x4] =	wrdreg $0x9  }
0xb1: {  	_ =	task.clear_ibuf [dreg:s6], $0x5FFFF;
	_ =	strace $0x90000046  }
0xb2: {  	s29 =	simm.s32 $0x9;
	_ =	strace $0x80000048  }
0xb3: {  	_ =	swait.ge [sflag:s29], $0x1  }
0xb4: {  	[sflag:s29] =	ssyncadd.s32 $0xFFFFFFFF  }
0xb5: {  	_ =	strace $0x90000048  }
0xb6: {  	_ =	sfence  }
0xb7: {  	s30 =	sld [smem:$0x0];
	_ =	sdelay $0x2  }
0xb8: {  	s31 =	sshll.u32 s1, $0xD;
	s1 =	sshrl.u32 s1, $0x2  }
0xb9: {  	s3 =	sand.u32 $0x4000, s31;
	s1 =	sadd.s32 s1, s30  }
0xba: {  	s0 =	sor.u32 s3, s0;
	s1 =	sshll.u32 s1, $0x11  }
0xbb: {  	s0 =	sor.u32 s1, s0  }
0xbc: {  	s0 =	sadd.s32 $0x8F2B, s0  }
0xbd: {  	[sflag:s0] =	ssyncadd.remote.s32 $0x1  }
0xbe: {  	_ =	sfence.sel $0xFFFF  }
0xbf: {  	[dreg:$0x0] =	wrdreg $0xFFFFFFFF;
	(pc) =	sbr.abs _section_cstart, $3  }
0xc0: {  	[dreg:$0x1] =	wrdreg $0xFFFFFFFF  }
0xc1: {  	_ =	task.clear_ibuf [dreg:s6], $0x2FFFF;
	_ =	strace $0x9FFFFFFF  }
0xc2: {  	(tm) =	ssettm $0x7FFFFFFF  }
0xc3: {  	_ =	shalt  }
tec
execute0_lowered:
.L_overlay_start_1:
0x0: {  	(tag) =	ssettag $0x1  }
0x1: {  	s5 =	rddreg [dreg:$0x0]  }
0x2: {  	s1 =	rddreg [dreg:$0x1]  }
0x3: {  	s0 =	rddreg [dreg:$0x2];
	s2 =	simm.s32 $0x0  }
0x4: {  	s3 =	srdreg.scid;
	s16 =	simm.s32 $0x80;
	s17 =	simm.s32 $0x16400  }
0x5: {  	s18 =	simm.s32 $0x3;
	s19 =	simm.s32 $0x1;
	[smem:$0x7FF] =	sst s2  }
0x6: {  	s6 =	sand.u32 $0x1, s3;
	s4 =	sadd.s32 $0x3600, s5;
	s10 =	sadd.s32 $0x52600, s5  }
0x7: {  	s11 =	sadd.s32 $0x5C600, s5;
	s3 =	stileid.u32;
	s7 =	smul.u32 $0x27800, s6  }
0x8: {  	_ =	strace $0x80000047;
	s28 =	sshll.u32 s3, $0x1;
	s8 =	smul.u32 $0x4F000, s3  }
0x9: {  	s9 =	ssub.s32 $0x2, s6;
	s20 =	smul.u32 $0x2780, s3;
	s6 =	sor.u32 s6, s28  }
0xa: {  	s29 =	sshrl.u32 s9, $0x1;
	s12 =	sadd.s32 s7, s5;
	s8 =	sshrl.u32 s8, $0x2  }
0xb: {  	s13 =	smul.u32 $0x2800, s6;
	s14 =	ssub.s32 s9, s29;
	s7 =	sadd.s32 s20, s7  }
0xc: {  	s5 =	sshll.u32 s3, $0x6;
	s30 =	smul.u32 $0x500, s6;
	s15 =	sadd.s32 s8, s1  }
0xd: {  	s6 =	sadd.s32 s4, s7;
	s7 =	sor.u32 $0x1C03, s5;
	s21 =	sadd.s32 $0x66600, s12  }
0xe: {  	s12 =	smax.u32 s14, $0x1;
	s14 =	simm.s32 $0x13C00;
	s31 =	sshrl.u32 s13, $0x3  }
0xf: {  	s8 =	sadd.s32 s10, s30;
	s9 =	sadd.s32 s11, s30;
	s13 =	sadd.s32 $0x280, s31  }
0x10: {  	s20 =	sadd.s32 s20, s21;
	s21 =	simm.s32 $0x0;
	s10 =	sadd.s32 s10, s13  }
0x11: {  	s11 =	sadd.s32 s11, s13;
	s13 =	sshrl.u32 s15, $0x3;
	s15 =	simm.s32 $0x4  }
.LBB2_1:
0x12: {  	[spmem:s13], [sflag:s7] =	dma.local [hbm:s6], $0x2780  }
0x13: {  	[tilespmem:s14], [sflag:$0x4] =	stream.linear.gather [hbm4b:s8+s2], $0x1400, $0x38;
	[tilespmem:$0x1E400] =	vst v63  }
0x14: {  	_ =	swait.ge [sflag:s15], $0x1400  }
0x15: {  	[sflag:s15] =	ssyncset.done $0x0  }
0x16: {  	s22 =	simm.s32 $0x15000;
	[sflag:s15] =	ssyncadd.s32 $0xFFFFEC00  }
0x17: {  	[tilespmem:s22], [sflag:$0x4] =	stream.linear.gather [hbm4b:s9+s2], $0x1400, $0x38;
	[tilespmem:$0x1E400] =	vst v63  }
0x18: {  	_ =	swait.ge [sflag:s15], $0x1400  }
0x19: {  	[sflag:s15] =	ssyncset.done $0x0  }
0x1a: {  	s23 =	simm.s32 $0x1;
	s24 =	sand.u32 $0x1, s2;
	[sflag:s15] =	ssyncadd.s32 $0xFFFFEC00  }
0x1b: {  	[tilespmem:s17], [sflag:$0x1] =	stream.indirect.gather [hbm4b:s4+s16], $0x80, s14, s16, $0xb8;
	[tilespmem:$0x1E400] =	vst v63  }
0x1c: {  	s25 =	smin.u32 s23, $0x27;
	s26 =	sand.u32 $0x1, s23;
	_ =	swait.ge [sflag:s18], $0x2780  }
0x1d: {  	s29 =	sadd.s32 $0x1, s24;
	s28 =	sshll.u32 s26, $0xE;
	[sflag:s18] =	ssyncset.done $0x0  }
0x1e: {  	s25 =	sshll.u32 s25, $0x7;
	s26 =	sadd.s32 $0x1, s26;
	[sflag:s18] =	ssyncadd.s32 $0xFFFFD880  }
0x1f: {  	s28 =	sadd.s32 $0x16400, s28;
	s25 =	sadd.s32 $0x13C00, s25;
	[bflag:$0x0] =	sbarrier.arrive $0xFFFF  }
0x20: {  	[tilespmem:s28], [sflag:s26] =	stream.indirect.gather [hbm4b:s4+s16], $0x80, s25, s16, $0xb8;
	[tilespmem:$0x1E400] =	vst v63  }
0x21: {  	_ =	swait.ge [sflag:s29], $0x4000  }
0x22: {  	s24 =	sshll.u32 s24, $0xE;
	[sflag:s29] =	ssyncset.done $0x0  }
0x23: {  	s24 =	sadd.s32 $0x16400, s24;
	[sflag:s29] =	ssyncadd.s32 $0xFFFFC000  }
0x24: {  	[spmem:s1] =	stream.indirect.scatter.add.f32 [tilespmem:s24], [sflag:$0x4], $0x80, s22, s16, $0xb8;
	[tilespmem:$0x1E400] =	vst v63  }
0x25: {  	_ =	swait.ge [sflag:s15], $0x4000  }
.LBB2_2:
0x26: {  	s24 =	sand.u32 $0x1, s23;
	s25 =	smov.u32 s23  }
0x27: {  	[sflag:s15] =	ssyncset.done $0x0;
	p0 =	sne.s32 s23, $0x27;
	s25 =	sadd.s32 $0x1, s23  }
0x28: {  	s26 =	smin.u32 s25, $0x27;
	s28 =	sand.u32 $0x1, s25;
	[sflag:s15] =	ssyncadd.s32 $0xFFFFC000  }
0x29: {  	s29 =	sshll.u32 s28, $0xE;
	s26 =	sshll.u32 s26, $0x7;
	s28 =	sadd.s32 $0x1, s28  }
0x2a: {  	s30 =	sadd.s32 $0x1, s24;
	s29 =	sadd.s32 $0x16400, s29;
	s26 =	sadd.s32 $0x13C00, s26  }
0x2b: {  	[tilespmem:s29], [sflag:s28] =	stream.indirect.gather [hbm4b:s4+s16], $0x80, s26, s16, $0xb8;
	[tilespmem:$0x1E400] =	vst v63  }
.Ltmp0:
0x2c: {  	s24 =	sshll.u32 s24, $0xE;
	_ =	swait.ge [sflag:s30], $0x4000;
	(pc) =	sbr.rel @p0 .LBB2_2-.Ltmp0, $4  }
0x2d: {  	[sflag:s30] =	ssyncset.done $0x0  }
0x2e: {  	s22 =	sadd.s32 $0x80, s22;
	s23 =	sadd.s32 $0x16400, s24;
	[sflag:s30] =	ssyncadd.s32 $0xFFFFC000  }
0x2f: {  	[spmem:s1] =	stream.indirect.scatter.add.f32 [tilespmem:s23], [sflag:$0x4], $0x80, s22, s16, $0xb8;
	[tilespmem:$0x1E400] =	vst v63  }
0x30: {  	s23 =	smov.u32 s25;
	_ =	swait.ge [sflag:s15], $0x4000  }
0x31: {  	[sflag:s15] =	ssyncset.done $0x0  }
0x32: {  	[sflag:s15] =	ssyncadd.s32 $0xFFFFC000  }
0x33: {  	_ =	swait.ge [sflag:s19], $0x4000  }
0x34: {  	[sflag:s19] =	ssyncset.done $0x0  }
0x35: {  	s24 =	simm.s32 $0x0;
	[sflag:s19] =	ssyncadd.s32 $0xFFFFC000  }
0x36: {  	[tilespmem:s14], [sflag:$0x4] =	stream.linear.gather [hbm4b:s10+s24], $0x1400, $0x38;
	[tilespmem:$0x1E400] =	vst v63  }
0x37: {  	_ =	swait.ge [sflag:s15], $0x1400  }
0x38: {  	[sflag:s15] =	ssyncset.done $0x0  }
0x39: {  	s22 =	simm.s32 $0x15000;
	s23 =	simm.s32 $0x1;
	[sflag:s15] =	ssyncadd.s32 $0xFFFFEC00  }
0x3a: {  	[tilespmem:s22], [sflag:$0x4] =	stream.linear.gather [hbm4b:s11+s24], $0x1400, $0x38;
	[tilespmem:$0x1E400] =	vst v63  }
0x3b: {  	s25 =	smin.u32 s23, $0x27;
	s26 =	sand.u32 $0x1, s23;
	_ =	swait.ge [sflag:s15], $0x1400  }
0x3c: {  	s28 =	sshll.u32 s26, $0xE;
	s25 =	sshll.u32 s25, $0x7;
	[sflag:s15] =	ssyncset.done $0x0  }
0x3d: {  	s26 =	sadd.s32 $0x1, s26;
	s24 =	sand.u32 $0x1, s24;
	[sflag:s15] =	ssyncadd.s32 $0xFFFFEC00  }
0x3e: {  	[tilespmem:s17], [sflag:$0x1] =	stream.indirect.gather [hbm4b:s4+s16], $0x80, s14, s16, $0xb8;
	[tilespmem:$0x1E400] =	vst v63  }
0x3f: {  	s28 =	sadd.s32 $0x16400, s28;
	s25 =	sadd.s32 $0x13C00, s25;
	s29 =	sadd.s32 $0x1, s24  }
0x40: {  	[tilespmem:s28], [sflag:s26] =	stream.indirect.gather [hbm4b:s4+s16], $0x80, s25, s16, $0xb8;
	[tilespmem:$0x1E400] =	vst v63  }
0x41: {  	_ =	swait.ge [sflag:s29], $0x4000  }
0x42: {  	s24 =	sshll.u32 s24, $0xE;
	[sflag:s29] =	ssyncset.done $0x0  }
0x43: {  	s24 =	sadd.s32 $0x16400, s24;
	[sflag:s29] =	ssyncadd.s32 $0xFFFFC000  }
0x44: {  	[spmem:s1] =	stream.indirect.scatter.add.f32 [tilespmem:s24], [sflag:$0x4], $0x80, s22, s16, $0xb8;
	[tilespmem:$0x1E400] =	vst v63  }
0x45: {  	_ =	swait.ge [sflag:s15], $0x4000  }
.LBB2_4:
0x46: {  	s24 =	sand.u32 $0x1, s23;
	s25 =	smov.u32 s23  }
0x47: {  	[sflag:s15] =	ssyncset.done $0x0;
	p0 =	sne.s32 s23, $0x27;
	s25 =	sadd.s32 $0x1, s23  }
0x48: {  	s26 =	smin.u32 s25, $0x27;
	s28 =	sand.u32 $0x1, s25;
	[sflag:s15] =	ssyncadd.s32 $0xFFFFC000  }
0x49: {  	s29 =	sshll.u32 s28, $0xE;
	s26 =	sshll.u32 s26, $0x7;
	s28 =	sadd.s32 $0x1, s28  }
0x4a: {  	s30 =	sadd.s32 $0x1, s24;
	s29 =	sadd.s32 $0x16400, s29;
	s26 =	sadd.s32 $0x13C00, s26  }
0x4b: {  	[tilespmem:s29], [sflag:s28] =	stream.indirect.gather [hbm4b:s4+s16], $0x80, s26, s16, $0xb8;
	[tilespmem:$0x1E400] =	vst v63  }
.Ltmp1:
0x4c: {  	s24 =	sshll.u32 s24, $0xE;
	_ =	swait.ge [sflag:s30], $0x4000;
	(pc) =	sbr.rel @p0 .LBB2_4-.Ltmp1, $4  }
0x4d: {  	[sflag:s30] =	ssyncset.done $0x0  }
0x4e: {  	s22 =	sadd.s32 $0x80, s22;
	s23 =	sadd.s32 $0x16400, s24;
	[sflag:s30] =	ssyncadd.s32 $0xFFFFC000  }
0x4f: {  	[spmem:s1] =	stream.indirect.scatter.add.f32 [tilespmem:s23], [sflag:$0x4], $0x80, s22, s16, $0xb8;
	[tilespmem:$0x1E400] =	vst v63  }
0x50: {  	s23 =	smov.u32 s25;
	_ =	swait.ge [sflag:s15], $0x4000  }
0x51: {  	[sflag:s15] =	ssyncset.done $0x0  }
0x52: {  	[sflag:s15] =	ssyncadd.s32 $0xFFFFC000  }
0x53: {  	_ =	swait.ge [sflag:s19], $0x4000  }
0x54: {  	s21 =	sadd.s32 $0x1, s21;
	[sflag:s19] =	ssyncset.done $0x0  }
0x55: {  	p0 =	sne.s32 s21, s12;
	[sflag:s19] =	ssyncadd.s32 $0xFFFFC000  }
.Ltmp2:
0x56: {  	s22 =	sor.u32 $0x1C04, s5;
	[bflag:$0x0] =	sbarrier.arrive $0xFFFF;
	(pc) =	sbr.rel @p0 .LBB2_1-.Ltmp2, $4  }
0x57: {  	[hbm:s20], [sflag:s22] =	dma.local [spmem:s13], $0x2780  }
0x58: {  	_ =	swait.ge [sflag:s15], $0x2780  }
0x59: {  	[sflag:s15] =	ssyncset.done $0x0  }
0x5a: {  	[sflag:s15] =	ssyncadd.s32 $0xFFFFD880  }
0x5b: {  	_ =	sfence.sel $0x180000  }
0x5c: {  	[bflag:$0x0] =	sbarrier.arrive $0xFFFF  }
0x5d: {  	p0 =	sne.s32 s3, $0x0;
	_ =	strace $0x90000047  }
0x5e: {  	s0 =	sadd.s32 @!p0 $0x100000, s0;
	[bflag:$0x2] =	sbarrier.arrive $0xFFFF  }
0x5f: {  	[sflag:s0] =	ssyncadd.tile.s32 @!p0 $0x1;
	_ =	shalt  }
.Lfunc_end2:
_tile_overlayer_lowered:
.L_overlay_start_2:
0x60: {  	(tag) =	ssettag $0x2  }
0x61: {  	s0 =	rddreg [dreg:$0x0];
	s2 =	stileid.u32  }
0x62: {  	s1 =	rddreg [dreg:$0x1];
	p0 =	sne.s32 s2, $0x0  }
0x63: {  	s3 =	rddreg [dreg:$0x2];
	[bflag:$0x3] =	sbarrier.arrive $0xFFFF;
	s2 =	simm.s32 @!p0 $0x1C04  }
0x64: {  	[timem:s3], [sflag:s2] =	dma.local @!p0 [hbm:s0], s1  }
0x65: {  	s0 =	simm.s32 @!p0 $0x4  }
0x66: {  	_ =	swait.ge @!p0 [sflag:s0], s1  }
0x67: {  	s1 =	ssub.s32 @!p0 $0x0, s1;
	[sflag:s0] =	ssyncset.done @!p0 $0x0  }
0x68: {  	[sflag:s0] =	ssyncadd.s32 @!p0 s1  }
0x69: {  	[bflag:$0x3] =	sbarrier.arrive $0xFFFF  }
0x6a: {  	_ =	shalt  }

// kernel: kernel.13.cloned.1.call-start
scs
__scs_entry_jumppad:
0x0: {  	(pc) =	sbr.rel $0x88, $3  }
0x1: {  	(tag) =	ssettag $0x0;
	lr =	simm.s32 $0x1  }
0x2: {  	[smem:$0x3F9B] =	sst lr;
	_ =	strace $0xD0000000  }
0x3: {  	_ = 	snop  }
0x4: {  	_ = 	snop  }
0x5: {  	_ = 	snop  }
0x6: {  	_ = 	snop  }
0x7: {  	_ = 	snop  }
__scs_overlays_trampoline_lowered:
0x8: {  	[smem:$0x3FAA] =	sst s0  }
0x9: {  	[smem:$0x3FAB] =	sst s1  }
0xa: {  	[smem:$0x3FAC] =	sst s2  }
0xb: {  	[smem:$0x3FAD] =	sst s3  }
0xc: {  	[smem:$0x3FAE] =	sst s4  }
0xd: {  	[smem:$0x3FAF] =	sst s5  }
0xe: {  	[smem:$0x3FB0] =	sst s6  }
0xf: {  	[smem:$0x3FB1] =	sst s7  }
0x10: {  	[smem:$0x3FB2] =	sst s8  }
0x11: {  	[smem:$0x3FB3] =	sst s9;
	s0 =	simm.s32 @!p0 $0x0  }
0x12: {  	s1 =	sld [smem:$0x3F99];
	s0 =	simm.s32 @p0 $0x1  }
0x13: {  	[smem:$0x3FB4] =	sst s0;
	s0 =	simm.s32 @!p1 $0x0  }
0x14: {  	s2 =	sld [smem:$0x3F98];
	s0 =	simm.s32 @p1 $0x1  }
0x15: {  	[smem:$0x3FB5] =	sst s0;
	s0 =	simm.s32 @!p2 $0x0  }
0x16: {  	s3 =	sld [smem:$0x3FDB];
	s0 =	simm.s32 @p2 $0x1  }
0x17: {  	s4 =	simm.s32 $0x1BF5;
	[smem:$0x3FB7] =	sst s0  }
0x18: {  	s0 =	sld [smem:$0x3F9A];
	_ =	swait.ge [sflag:s4], $0x0  }
0x19: {  	s7 =	sld [smem:$0x3F9B]  }
0x1a: {  	s8 =	sadd.s32 $0xFFFFE003, lr  }
0x1b: {  	s9 =	sadd.s32 $0xFFFFFEF7, lr;
	s5 =	simm.s32 $0xFFFFFFFF;
	p2 =	slt.u32 s8, $0xFFFFF086  }
0x1c: {  	p1 =	slt.u32 s9, $0xF7A;
	s5 =	simm.s32 @!p2 $0x0  }
0x1d: {  	s5 =	simm.s32 @p1 $0x1;
	p0 =	seq.s32 s7, s2  }
0x1e: {  	s7 =	smul.u32 @!p0 $0xF7A, s2;
	p2 =	seq.s32 @!p0 s5, $0x0  }
0x1f: {  	s9 =	smul.u32 $0xF7A, s1;
	s8 =	simm.s32 @!p0 $0x1BF5;
	p2 =	por !p2, p0  }
0x20: {  	[sflag:s8] =	ssyncset.s32 @!p0 $0xFFFFF086;
	s6 =	sadd.s32 @!p0 s3, s7;
	s7 =	simm.s32 @!p0 $0x108  }
0x21: {  	s3 =	sadd.s32 s3, s9;
	s6 =	sadd.s32 @!p0 $0x88, s6;
	s7 =	simm.s32 @p2 $0x1082  }
0x22: {  	[simem:s7], [sflag:s8] =	dma.local @!p0 [hbm:s6], $0xF7A  }
0x23: {  	s9 =	sor.u32 $0xD0000000, s2;
	s6 =	simm.s32 $0x108;
	_ =	swait.ge @!p0 [sflag:s8], $0x0  }
0x24: {  	s3 =	sadd.s32 $0x88, s3;
	s6 =	simm.s32 @!p1 $0x1082;
	[sflag:s4] =	ssyncset.s32 $0xFFFFF086  }
0x25: {  	[simem:s6], [sflag:s4] =	dma.local [hbm:s3], $0xF7A  }
0x26: {  	[smem:$0x3F9B] =	sst s1;
	(tag) =	ssettag s2;
	_ =	strace s9  }
0x27: {  	s1 =	sld [smem:$0x3FAB]  }
0x28: {  	s2 =	sld [smem:$0x3FAC]  }
0x29: {  	s4 =	sld [smem:$0x3FAE]  }
0x2a: {  	p0 =	seq.s32 s5, $0x0;
	s5 =	sld [smem:$0x3FAF]  }
0x2b: {  	s6 =	sld [smem:$0x3FB0]  }
0x2c: {  	s7 =	sld [smem:$0x3FB1]  }
0x2d: {  	s3 =	simm.s32 $0x108;
	s8 =	sld [smem:$0x3FB2]  }
0x2e: {  	s3 =	simm.s32 @!p0 $0x1082;
	s9 =	sld [smem:$0x3FB3]  }
0x2f: {  	lr =	sadd.s32 s0, s3;
	s0 =	sld [smem:$0x3FAA]  }
0x30: {  	s3 =	sld [smem:$0x3FAD]  }
0x31: {  	[smem:$0x3FB6] =	sst s10  }
0x32: {  	s10 =	sld [smem:$0x3FB4];
	_ =	sdelay $0x3  }
0x33: {  	p0 =	seq.s32 s10, $0x1;
	s10 =	sld [smem:$0x3FB6];
	_ =	sdelay $0x3  }
0x34: {  	[smem:$0x3FB6] =	sst s10  }
0x35: {  	s10 =	sld [smem:$0x3FB5];
	_ =	sdelay $0x3  }
0x36: {  	p1 =	seq.s32 s10, $0x1;
	s10 =	sld [smem:$0x3FB6];
	_ =	sdelay $0x3  }
0x37: {  	[smem:$0x3FB6] =	sst s10  }
0x38: {  	s10 =	sld [smem:$0x3FB7]  }
0x39: {  	_ = 	snop;
	(pc) =	sbr.ind lr, $3  }
0x3a: {  	_ = 	snop  }
0x3b: {  	_ = 	snop  }
0x3c: {  	p2 =	seq.s32 s10, $0x1;
	s10 =	sld [smem:$0x3FB6]  }
0x3d: {  	_ =	shalt  }
0x3e: {  	_ =	shalt  }
0x3f: {  	_ =	shalt  }
0x40: {  	_ =	shalt  }
0x41: {  	_ =	shalt  }
0x42: {  	_ =	shalt  }
0x43: {  	_ =	shalt  }
0x44: {  	_ =	shalt  }
0x45: {  	_ =	shalt  }
0x46: {  	_ =	shalt  }
0x47: {  	_ =	shalt  }
0x48: {  	_ =	shalt  }
0x49: {  	_ =	shalt  }
0x4a: {  	_ =	shalt  }
0x4b: {  	_ =	shalt  }
0x4c: {  	_ =	shalt  }
0x4d: {  	_ =	shalt  }
0x4e: {  	_ =	shalt  }
0x4f: {  	_ =	shalt  }
0x50: {  	_ =	shalt  }
0x51: {  	_ =	shalt  }
0x52: {  	_ =	shalt  }
0x53: {  	_ =	shalt  }
0x54: {  	_ =	shalt  }
0x55: {  	_ =	shalt  }
0x56: {  	_ =	shalt  }
0x57: {  	_ =	shalt  }
0x58: {  	_ =	shalt  }
0x59: {  	_ =	shalt  }
0x5a: {  	_ =	shalt  }
0x5b: {  	_ =	shalt  }
0x5c: {  	_ =	shalt  }
0x5d: {  	_ =	shalt  }
0x5e: {  	_ =	shalt  }
0x5f: {  	_ =	shalt  }
0x60: {  	_ =	shalt  }
0x61: {  	_ =	shalt  }
0x62: {  	_ =	shalt  }
0x63: {  	_ =	shalt  }
0x64: {  	_ =	shalt  }
0x65: {  	_ =	shalt  }
0x66: {  	_ =	shalt  }
0x67: {  	_ =	shalt  }
0x68: {  	_ =	shalt  }
0x69: {  	_ =	shalt  }
0x6a: {  	_ =	shalt  }
0x6b: {  	_ =	shalt  }
0x6c: {  	_ =	shalt  }
0x6d: {  	_ =	shalt  }
0x6e: {  	_ =	shalt  }
0x6f: {  	_ =	shalt  }
0x70: {  	_ =	shalt  }
0x71: {  	_ =	shalt  }
0x72: {  	_ =	shalt  }
0x73: {  	_ =	shalt  }
0x74: {  	_ =	shalt  }
0x75: {  	_ =	shalt  }
0x76: {  	_ =	shalt  }
0x77: {  	_ =	shalt  }
0x78: {  	_ =	shalt  }
0x79: {  	_ =	shalt  }
0x7a: {  	_ =	shalt  }
0x7b: {  	_ =	shalt  }
0x7c: {  	_ =	shalt  }
0x7d: {  	_ =	shalt  }
0x7e: {  	_ =	shalt  }
0x7f: {  	_ =	shalt  }
0x80: {  	_ =	shalt  }
0x81: {  	_ =	shalt  }
0x82: {  	_ =	shalt  }
0x83: {  	_ =	shalt  }
0x84: {  	_ =	shalt  }
0x85: {  	_ =	shalt  }
0x86: {  	_ =	shalt  }
0x87: {  	_ =	shalt  }
.Lfunc_end0:
.L_simem_size_0:
called_computation.1_lowered:
.L_overlay_start_0:
0x88: {  	s2 =	sld [smem:$0x3FD9]  }
0x89: {  	s3 =	sld [smem:$0x3FFE];
	_ =	sdelay $0x1  }
0x8a: {  	s1 =	srdreg.scid  }
0x8b: {  	s0 =	sand.u32 $0x1, s1  }
0x8c: {  	s16 =	sshll.u32 s0, $0xA;
	s2 =	sadd.s32 s3, s2  }
0x8d: {  	s2 =	sadd.s32 s2, s16  }
0x8e: {  	[smem:$0x3FC2] =	sst s2  }
0x8f: {  	_ = 	snop  }
0x90: {  	(tm) =	ssettm $0x1  }
0x91: {  	s17 =	sld [smem:$0x3FFB];
	_ =	sdelay $0x3  }
0x92: {  	_ =	strace s17  }
0x93: {  	s2 =	sld [smem:$0x3FFC];
	_ =	sdelay $0x3  }
0x94: {  	_ =	strace s2  }
0x95: {  	s2 =	sld [smem:$0x3FFD];
	_ =	sdelay $0x3  }
0x96: {  	_ =	strace s2  }
0x97: {  	_ =	strace $0x8FFFFFFF  }
0x98: {  	s18 =	sld [smem:$0x3FDB];
	_ =	sdelay $0x1  }
0x99: {  	s19 =	simm.s32 $_scs_section_size  }
0x9a: {  	s4 =	simm.s32 $_size__tile_overlayer_lowered;
	s5 =	simm.s32 $_tile_overlayer_lowered  }
0x9b: {  	s22 =	simm.s32 $0x1BFF;
	s21 =	sshll.u32 s5, $0x1;
	s2 =	sadd.s32 s19, s18  }
0x9c: {  	s6 =	simm.s32 $0x0;
	s20 =	sshll.u32 s4, $0x1;
	s4 =	sadd.s32 s21, s2  }
0x9d: {  	[timem:s6], [sflag:s22] =	dma.local [hbm:s4], s20  }
0x9e: {  	_ =	swait.ge [sflag:s22], s20  }
0x9f: {  	s3 =	ssub.s32 $0x0, s20;
	[sflag:s22] =	ssyncset.done $0x0  }
0xa0: {  	[sflag:s22] =	ssyncadd.s32 s3;
	_ =	sdelay $0x1  }
0xa1: {  	s23 =	simm.s32 $0x1B8B  }
0xa2: {  	_ =	swait.ge [sflag:s23], $0x1  }
0xa3: {  	[sflag:s23] =	ssyncset.done $0x0  }
0xa4: {  	s25 =	simm.s32 $0x1B8E;
	s24 =	sld [smem:$0x3FFE];
	[sflag:s23] =	ssyncadd.s32 $0xFFFFFFFF  }
0xa5: {  	s26 =	simm.s32 $execute0_lowered;
	[smem:$0x3FD2] =	sst s25  }
0xa6: {  	s4 =	sshll.u32 s26, $0x1;
	_ =	strace $0x80000049;
	[dreg:$0x1] =	wrdreg $0xFFFFFFFF  }
0xa7: {  	s28 =	simm.s32 $_size_execute0_lowered;
	s2 =	sadd.s32 s2, s4;
	[dreg:$0x0] =	wrdreg $0x0  }
0xa8: {  	s4 =	sshll.u32 s28, $0x1;
	[dreg:$0x2] =	wrdreg s2  }
0xa9: {  	[dreg:$0x3] =	wrdreg s4  }
0xaa: {  	[dreg:$0x4] =	wrdreg $0xC0  }
0xab: {  	_ =	task [dreg:s6], $0x5FFFF  }
0xac: {  	[dreg:$0x1] =	wrdreg $0xFFFFFFFF  }
0xad: {  	[dreg:$0x0] =	wrdreg $0x60  }
0xae: {  	[dreg:$0x2] =	wrdreg s24  }
0xaf: {  	[dreg:$0x3] =	wrdreg $0x0  }
0xb0: {  	[dreg:$0x4] =	wrdreg $0x9  }
0xb1: {  	_ =	task.clear_ibuf [dreg:s6], $0x5FFFF;
	_ =	strace $0x90000049  }
0xb2: {  	s29 =	simm.s32 $0x9;
	_ =	strace $0x8000004B  }
0xb3: {  	_ =	swait.ge [sflag:s29], $0x1  }
0xb4: {  	[sflag:s29] =	ssyncadd.s32 $0xFFFFFFFF  }
0xb5: {  	_ =	strace $0x9000004B  }
0xb6: {  	_ =	sfence  }
0xb7: {  	s30 =	sld [smem:$0x0];
	_ =	sdelay $0x2  }
0xb8: {  	s31 =	sshll.u32 s1, $0xD;
	s1 =	sshrl.u32 s1, $0x2  }
0xb9: {  	s3 =	sand.u32 $0x4000, s31;
	s1 =	sadd.s32 s1, s30  }
0xba: {  	s0 =	sor.u32 s3, s0;
	s1 =	sshll.u32 s1, $0x11  }
0xbb: {  	s0 =	sor.u32 s1, s0  }
0xbc: {  	s0 =	sadd.s32 $0x8F2B, s0  }
0xbd: {  	[sflag:s0] =	ssyncadd.remote.s32 $0x1  }
0xbe: {  	_ =	sfence.sel $0xFFFF  }
0xbf: {  	[dreg:$0x0] =	wrdreg $0xFFFFFFFF;
	(pc) =	sbr.abs _section_cstart, $3  }
0xc0: {  	[dreg:$0x1] =	wrdreg $0xFFFFFFFF  }
0xc1: {  	_ =	task.clear_ibuf [dreg:s6], $0x2FFFF;
	_ =	strace $0x9FFFFFFF  }
0xc2: {  	(tm) =	ssettm $0x7FFFFFFF  }
0xc3: {  	_ =	shalt  }
tec
execute0_lowered:
.L_overlay_start_1:
0x0: {  	(tag) =	ssettag $0x1  }
0x1: {  	s5 =	rddreg [dreg:$0x0]  }
0x2: {  	s1 =	rddreg [dreg:$0x1]  }
0x3: {  	s0 =	rddreg [dreg:$0x2];
	s2 =	simm.s32 $0x0  }
0x4: {  	s3 =	srdreg.scid;
	s16 =	simm.s32 $0x80;
	s17 =	simm.s32 $0x16400  }
0x5: {  	s18 =	simm.s32 $0x3;
	s19 =	simm.s32 $0x1;
	[smem:$0x7FF] =	sst s2  }
0x6: {  	s6 =	sand.u32 $0x1, s3;
	s4 =	sadd.s32 $0x3600, s5;
	s10 =	sadd.s32 $0x52600, s5  }
0x7: {  	s11 =	sadd.s32 $0x5C600, s5;
	s3 =	stileid.u32;
	s7 =	smul.u32 $0x27800, s6  }
0x8: {  	_ =	strace $0x8000004A;
	s28 =	sshll.u32 s3, $0x1;
	s8 =	smul.u32 $0x4F000, s3  }
0x9: {  	s9 =	ssub.s32 $0x2, s6;
	s20 =	smul.u32 $0x2780, s3;
	s6 =	sor.u32 s6, s28  }
0xa: {  	s29 =	sshrl.u32 s9, $0x1;
	s12 =	sadd.s32 s7, s5;
	s8 =	sshrl.u32 s8, $0x2  }
0xb: {  	s13 =	smul.u32 $0x2800, s6;
	s14 =	ssub.s32 s9, s29;
	s7 =	sadd.s32 s20, s7  }
0xc: {  	s5 =	sshll.u32 s3, $0x6;
	s30 =	smul.u32 $0x500, s6;
	s15 =	sadd.s32 s8, s1  }
0xd: {  	s6 =	sadd.s32 s4, s7;
	s7 =	sor.u32 $0x1C03, s5;
	s21 =	sadd.s32 $0x66600, s12  }
0xe: {  	s12 =	smax.u32 s14, $0x1;
	s14 =	simm.s32 $0x13C00;
	s31 =	sshrl.u32 s13, $0x3  }
0xf: {  	s8 =	sadd.s32 s10, s30;
	s9 =	sadd.s32 s11, s30;
	s13 =	sadd.s32 $0x280, s31  }
0x10: {  	s20 =	sadd.s32 s20, s21;
	s21 =	simm.s32 $0x0;
	s10 =	sadd.s32 s10, s13  }
0x11: {  	s11 =	sadd.s32 s11, s13;
	s13 =	sshrl.u32 s15, $0x3;
	s15 =	simm.s32 $0x4  }
.LBB2_1:
0x12: {  	[spmem:s13], [sflag:s7] =	dma.local [hbm:s6], $0x2780  }
0x13: {  	[tilespmem:s14], [sflag:$0x4] =	stream.linear.gather [hbm4b:s8+s2], $0x1400, $0x38;
	[tilespmem:$0x1E400] =	vst v63  }
0x14: {  	_ =	swait.ge [sflag:s15], $0x1400  }
0x15: {  	[sflag:s15] =	ssyncset.done $0x0  }
0x16: {  	s22 =	simm.s32 $0x15000;
	[sflag:s15] =	ssyncadd.s32 $0xFFFFEC00  }
0x17: {  	[tilespmem:s22], [sflag:$0x4] =	stream.linear.gather [hbm4b:s9+s2], $0x1400, $0x38;
	[tilespmem:$0x1E400] =	vst v63  }
0x18: {  	_ =	swait.ge [sflag:s15], $0x1400  }
0x19: {  	[sflag:s15] =	ssyncset.done $0x0  }
0x1a: {  	s23 =	simm.s32 $0x1;
	s24 =	sand.u32 $0x1, s2;
	[sflag:s15] =	ssyncadd.s32 $0xFFFFEC00  }
0x1b: {  	[tilespmem:s17], [sflag:$0x1] =	stream.indirect.gather [hbm4b:s4+s16], $0x80, s14, s16, $0xb8;
	[tilespmem:$0x1E400] =	vst v63  }
0x1c: {  	s25 =	smin.u32 s23, $0x27;
	s26 =	sand.u32 $0x1, s23;
	_ =	swait.ge [sflag:s18], $0x2780  }
0x1d: {  	s29 =	sadd.s32 $0x1, s24;
	s28 =	sshll.u32 s26, $0xE;
	[sflag:s18] =	ssyncset.done $0x0  }
0x1e: {  	s25 =	sshll.u32 s25, $0x7;
	s26 =	sadd.s32 $0x1, s26;
	[sflag:s18] =	ssyncadd.s32 $0xFFFFD880  }
0x1f: {  	s28 =	sadd.s32 $0x16400, s28;
	s25 =	sadd.s32 $0x13C00, s25;
	[bflag:$0x0] =	sbarrier.arrive $0xFFFF  }
0x20: {  	[tilespmem:s28], [sflag:s26] =	stream.indirect.gather [hbm4b:s4+s16], $0x80, s25, s16, $0xb8;
	[tilespmem:$0x1E400] =	vst v63  }
0x21: {  	_ =	swait.ge [sflag:s29], $0x4000  }
0x22: {  	s24 =	sshll.u32 s24, $0xE;
	[sflag:s29] =	ssyncset.done $0x0  }
0x23: {  	s24 =	sadd.s32 $0x16400, s24;
	[sflag:s29] =	ssyncadd.s32 $0xFFFFC000  }
0x24: {  	[spmem:s1] =	stream.indirect.scatter.add.f32 [tilespmem:s24], [sflag:$0x4], $0x80, s22, s16, $0xb8;
	[tilespmem:$0x1E400] =	vst v63  }
0x25: {  	_ =	swait.ge [sflag:s15], $0x4000  }
.LBB2_2:
0x26: {  	s24 =	sand.u32 $0x1, s23;
	s25 =	smov.u32 s23  }
0x27: {  	[sflag:s15] =	ssyncset.done $0x0;
	p0 =	sne.s32 s23, $0x27;
	s25 =	sadd.s32 $0x1, s23  }
0x28: {  	s26 =	smin.u32 s25, $0x27;
	s28 =	sand.u32 $0x1, s25;
	[sflag:s15] =	ssyncadd.s32 $0xFFFFC000  }
0x29: {  	s29 =	sshll.u32 s28, $0xE;
	s26 =	sshll.u32 s26, $0x7;
	s28 =	sadd.s32 $0x1, s28  }
0x2a: {  	s30 =	sadd.s32 $0x1, s24;
	s29 =	sadd.s32 $0x16400, s29;
	s26 =	sadd.s32 $0x13C00, s26  }
0x2b: {  	[tilespmem:s29], [sflag:s28] =	stream.indirect.gather [hbm4b:s4+s16], $0x80, s26, s16, $0xb8;
	[tilespmem:$0x1E400] =	vst v63  }
.Ltmp0:
0x2c: {  	s24 =	sshll.u32 s24, $0xE;
	_ =	swait.ge [sflag:s30], $0x4000;
	(pc) =	sbr.rel @p0 .LBB2_2-.Ltmp0, $4  }
0x2d: {  	[sflag:s30] =	ssyncset.done $0x0  }
0x2e: {  	s22 =	sadd.s32 $0x80, s22;
	s23 =	sadd.s32 $0x16400, s24;
	[sflag:s30] =	ssyncadd.s32 $0xFFFFC000  }
0x2f: {  	[spmem:s1] =	stream.indirect.scatter.add.f32 [tilespmem:s23], [sflag:$0x4], $0x80, s22, s16, $0xb8;
	[tilespmem:$0x1E400] =	vst v63  }
0x30: {  	s23 =	smov.u32 s25;
	_ =	swait.ge [sflag:s15], $0x4000  }
0x31: {  	[sflag:s15] =	ssyncset.done $0x0  }
0x32: {  	[sflag:s15] =	ssyncadd.s32 $0xFFFFC000  }
0x33: {  	_ =	swait.ge [sflag:s19], $0x4000  }
0x34: {  	[sflag:s19] =	ssyncset.done $0x0  }
0x35: {  	s24 =	simm.s32 $0x0;
	[sflag:s19] =	ssyncadd.s32 $0xFFFFC000  }
0x36: {  	[tilespmem:s14], [sflag:$0x4] =	stream.linear.gather [hbm4b:s10+s24], $0x1400, $0x38;
	[tilespmem:$0x1E400] =	vst v63  }
0x37: {  	_ =	swait.ge [sflag:s15], $0x1400  }
0x38: {  	[sflag:s15] =	ssyncset.done $0x0  }
0x39: {  	s22 =	simm.s32 $0x15000;
	s23 =	simm.s32 $0x1;
	[sflag:s15] =	ssyncadd.s32 $0xFFFFEC00  }
0x3a: {  	[tilespmem:s22], [sflag:$0x4] =	stream.linear.gather [hbm4b:s11+s24], $0x1400, $0x38;
	[tilespmem:$0x1E400] =	vst v63  }
0x3b: {  	s25 =	smin.u32 s23, $0x27;
	s26 =	sand.u32 $0x1, s23;
	_ =	swait.ge [sflag:s15], $0x1400  }
0x3c: {  	s28 =	sshll.u32 s26, $0xE;
	s25 =	sshll.u32 s25, $0x7;
	[sflag:s15] =	ssyncset.done $0x0  }
0x3d: {  	s26 =	sadd.s32 $0x1, s26;
	s24 =	sand.u32 $0x1, s24;
	[sflag:s15] =	ssyncadd.s32 $0xFFFFEC00  }
0x3e: {  	[tilespmem:s17], [sflag:$0x1] =	stream.indirect.gather [hbm4b:s4+s16], $0x80, s14, s16, $0xb8;
	[tilespmem:$0x1E400] =	vst v63  }
0x3f: {  	s28 =	sadd.s32 $0x16400, s28;
	s25 =	sadd.s32 $0x13C00, s25;
	s29 =	sadd.s32 $0x1, s24  }
0x40: {  	[tilespmem:s28], [sflag:s26] =	stream.indirect.gather [hbm4b:s4+s16], $0x80, s25, s16, $0xb8;
	[tilespmem:$0x1E400] =	vst v63  }
0x41: {  	_ =	swait.ge [sflag:s29], $0x4000  }
0x42: {  	s24 =	sshll.u32 s24, $0xE;
	[sflag:s29] =	ssyncset.done $0x0  }
0x43: {  	s24 =	sadd.s32 $0x16400, s24;
	[sflag:s29] =	ssyncadd.s32 $0xFFFFC000  }
0x44: {  	[spmem:s1] =	stream.indirect.scatter.add.f32 [tilespmem:s24], [sflag:$0x4], $0x80, s22, s16, $0xb8;
	[tilespmem:$0x1E400] =	vst v63  }
0x45: {  	_ =	swait.ge [sflag:s15], $0x4000  }
.LBB2_4:
0x46: {  	s24 =	sand.u32 $0x1, s23;
	s25 =	smov.u32 s23  }
0x47: {  	[sflag:s15] =	ssyncset.done $0x0;
	p0 =	sne.s32 s23, $0x27;
	s25 =	sadd.s32 $0x1, s23  }
0x48: {  	s26 =	smin.u32 s25, $0x27;
	s28 =	sand.u32 $0x1, s25;
	[sflag:s15] =	ssyncadd.s32 $0xFFFFC000  }
0x49: {  	s29 =	sshll.u32 s28, $0xE;
	s26 =	sshll.u32 s26, $0x7;
	s28 =	sadd.s32 $0x1, s28  }
0x4a: {  	s30 =	sadd.s32 $0x1, s24;
	s29 =	sadd.s32 $0x16400, s29;
	s26 =	sadd.s32 $0x13C00, s26  }
0x4b: {  	[tilespmem:s29], [sflag:s28] =	stream.indirect.gather [hbm4b:s4+s16], $0x80, s26, s16, $0xb8;
	[tilespmem:$0x1E400] =	vst v63  }
.Ltmp1:
0x4c: {  	s24 =	sshll.u32 s24, $0xE;
	_ =	swait.ge [sflag:s30], $0x4000;
	(pc) =	sbr.rel @p0 .LBB2_4-.Ltmp1, $4  }
0x4d: {  	[sflag:s30] =	ssyncset.done $0x0  }
0x4e: {  	s22 =	sadd.s32 $0x80, s22;
	s23 =	sadd.s32 $0x16400, s24;
	[sflag:s30] =	ssyncadd.s32 $0xFFFFC000  }
0x4f: {  	[spmem:s1] =	stream.indirect.scatter.add.f32 [tilespmem:s23], [sflag:$0x4], $0x80, s22, s16, $0xb8;
	[tilespmem:$0x1E400] =	vst v63  }
0x50: {  	s23 =	smov.u32 s25;
	_ =	swait.ge [sflag:s15], $0x4000  }
0x51: {  	[sflag:s15] =	ssyncset.done $0x0  }
0x52: {  	[sflag:s15] =	ssyncadd.s32 $0xFFFFC000  }
0x53: {  	_ =	swait.ge [sflag:s19], $0x4000  }
0x54: {  	s21 =	sadd.s32 $0x1, s21;
	[sflag:s19] =	ssyncset.done $0x0  }
0x55: {  	p0 =	sne.s32 s21, s12;
	[sflag:s19] =	ssyncadd.s32 $0xFFFFC000  }
.Ltmp2:
0x56: {  	s22 =	sor.u32 $0x1C04, s5;
	[bflag:$0x0] =	sbarrier.arrive $0xFFFF;
	(pc) =	sbr.rel @p0 .LBB2_1-.Ltmp2, $4  }
0x57: {  	[hbm:s20], [sflag:s22] =	dma.local [spmem:s13], $0x2780  }
0x58: {  	_ =	swait.ge [sflag:s15], $0x2780  }
0x59: {  	[sflag:s15] =	ssyncset.done $0x0  }
0x5a: {  	[sflag:s15] =	ssyncadd.s32 $0xFFFFD880  }
0x5b: {  	_ =	sfence.sel $0x180000  }
0x5c: {  	[bflag:$0x0] =	sbarrier.arrive $0xFFFF  }
0x5d: {  	p0 =	sne.s32 s3, $0x0;
	_ =	strace $0x9000004A  }
0x5e: {  	s0 =	sadd.s32 @!p0 $0x100000, s0;
	[bflag:$0x2] =	sbarrier.arrive $0xFFFF  }
0x5f: {  	[sflag:s0] =	ssyncadd.tile.s32 @!p0 $0x1;
	_ =	shalt  }
.Lfunc_end2:
_tile_overlayer_lowered:
.L_overlay_start_2:
0x60: {  	(tag) =	ssettag $0x2  }
0x61: {  	s0 =	rddreg [dreg:$0x0];
	s2 =	stileid.u32  }
0x62: {  	s1 =	rddreg [dreg:$0x1];
	p0 =	sne.s32 s2, $0x0  }
0x63: {  	s3 =	rddreg [dreg:$0x2];
	[bflag:$0x3] =	sbarrier.arrive $0xFFFF;
	s2 =	simm.s32 @!p0 $0x1C04  }
0x64: {  	[timem:s3], [sflag:s2] =	dma.local @!p0 [hbm:s0], s1  }
0x65: {  	s0 =	simm.s32 @!p0 $0x4  }
0x66: {  	_ =	swait.ge @!p0 [sflag:s0], s1  }
0x67: {  	s1 =	ssub.s32 @!p0 $0x0, s1;
	[sflag:s0] =	ssyncset.done @!p0 $0x0  }
0x68: {  	[sflag:s0] =	ssyncadd.s32 @!p0 s1  }
0x69: {  	[bflag:$0x3] =	sbarrier.arrive $0xFFFF  }
0x6a: {  	_ =	shalt  }

// kernel: kernel.16.cloned.1.call-start
scs
__scs_entry_jumppad:
0x0: {  	(pc) =	sbr.rel $0x88, $3  }
0x1: {  	(tag) =	ssettag $0x0;
	lr =	simm.s32 $0x1  }
0x2: {  	[smem:$0x3F9B] =	sst lr;
	_ =	strace $0xD0000000  }
0x3: {  	_ = 	snop  }
0x4: {  	_ = 	snop  }
0x5: {  	_ = 	snop  }
0x6: {  	_ = 	snop  }
0x7: {  	_ = 	snop  }
__scs_overlays_trampoline_lowered:
0x8: {  	[smem:$0x3FAA] =	sst s0  }
0x9: {  	[smem:$0x3FAB] =	sst s1  }
0xa: {  	[smem:$0x3FAC] =	sst s2  }
0xb: {  	[smem:$0x3FAD] =	sst s3  }
0xc: {  	[smem:$0x3FAE] =	sst s4  }
0xd: {  	[smem:$0x3FAF] =	sst s5  }
0xe: {  	[smem:$0x3FB0] =	sst s6  }
0xf: {  	[smem:$0x3FB1] =	sst s7  }
0x10: {  	[smem:$0x3FB2] =	sst s8  }
0x11: {  	[smem:$0x3FB3] =	sst s9;
	s0 =	simm.s32 @!p0 $0x0  }
0x12: {  	s1 =	sld [smem:$0x3F99];
	s0 =	simm.s32 @p0 $0x1  }
0x13: {  	[smem:$0x3FB4] =	sst s0;
	s0 =	simm.s32 @!p1 $0x0  }
0x14: {  	s2 =	sld [smem:$0x3F98];
	s0 =	simm.s32 @p1 $0x1  }
0x15: {  	[smem:$0x3FB5] =	sst s0;
	s0 =	simm.s32 @!p2 $0x0  }
0x16: {  	s3 =	sld [smem:$0x3FDB];
	s0 =	simm.s32 @p2 $0x1  }
0x17: {  	s4 =	simm.s32 $0x1BF5;
	[smem:$0x3FB7] =	sst s0  }
0x18: {  	s0 =	sld [smem:$0x3F9A];
	_ =	swait.ge [sflag:s4], $0x0  }
0x19: {  	s7 =	sld [smem:$0x3F9B]  }
0x1a: {  	s8 =	sadd.s32 $0xFFFFE003, lr  }
0x1b: {  	s9 =	sadd.s32 $0xFFFFFEF7, lr;
	s5 =	simm.s32 $0xFFFFFFFF;
	p2 =	slt.u32 s8, $0xFFFFF086  }
0x1c: {  	p1 =	slt.u32 s9, $0xF7A;
	s5 =	simm.s32 @!p2 $0x0  }
0x1d: {  	s5 =	simm.s32 @p1 $0x1;
	p0 =	seq.s32 s7, s2  }
0x1e: {  	s7 =	smul.u32 @!p0 $0xF7A, s2;
	p2 =	seq.s32 @!p0 s5, $0x0  }
0x1f: {  	s9 =	smul.u32 $0xF7A, s1;
	s8 =	simm.s32 @!p0 $0x1BF5;
	p2 =	por !p2, p0  }
0x20: {  	[sflag:s8] =	ssyncset.s32 @!p0 $0xFFFFF086;
	s6 =	sadd.s32 @!p0 s3, s7;
	s7 =	simm.s32 @!p0 $0x108  }
0x21: {  	s3 =	sadd.s32 s3, s9;
	s6 =	sadd.s32 @!p0 $0x88, s6;
	s7 =	simm.s32 @p2 $0x1082  }
0x22: {  	[simem:s7], [sflag:s8] =	dma.local @!p0 [hbm:s6], $0xF7A  }
0x23: {  	s9 =	sor.u32 $0xD0000000, s2;
	s6 =	simm.s32 $0x108;
	_ =	swait.ge @!p0 [sflag:s8], $0x0  }
0x24: {  	s3 =	sadd.s32 $0x88, s3;
	s6 =	simm.s32 @!p1 $0x1082;
	[sflag:s4] =	ssyncset.s32 $0xFFFFF086  }
0x25: {  	[simem:s6], [sflag:s4] =	dma.local [hbm:s3], $0xF7A  }
0x26: {  	[smem:$0x3F9B] =	sst s1;
	(tag) =	ssettag s2;
	_ =	strace s9  }
0x27: {  	s1 =	sld [smem:$0x3FAB]  }
0x28: {  	s2 =	sld [smem:$0x3FAC]  }
0x29: {  	s4 =	sld [smem:$0x3FAE]  }
0x2a: {  	p0 =	seq.s32 s5, $0x0;
	s5 =	sld [smem:$0x3FAF]  }
0x2b: {  	s6 =	sld [smem:$0x3FB0]  }
0x2c: {  	s7 =	sld [smem:$0x3FB1]  }
0x2d: {  	s3 =	simm.s32 $0x108;
	s8 =	sld [smem:$0x3FB2]  }
0x2e: {  	s3 =	simm.s32 @!p0 $0x1082;
	s9 =	sld [smem:$0x3FB3]  }
0x2f: {  	lr =	sadd.s32 s0, s3;
	s0 =	sld [smem:$0x3FAA]  }
0x30: {  	s3 =	sld [smem:$0x3FAD]  }
0x31: {  	[smem:$0x3FB6] =	sst s10  }
0x32: {  	s10 =	sld [smem:$0x3FB4];
	_ =	sdelay $0x3  }
0x33: {  	p0 =	seq.s32 s10, $0x1;
	s10 =	sld [smem:$0x3FB6];
	_ =	sdelay $0x3  }
0x34: {  	[smem:$0x3FB6] =	sst s10  }
0x35: {  	s10 =	sld [smem:$0x3FB5];
	_ =	sdelay $0x3  }
0x36: {  	p1 =	seq.s32 s10, $0x1;
	s10 =	sld [smem:$0x3FB6];
	_ =	sdelay $0x3  }
0x37: {  	[smem:$0x3FB6] =	sst s10  }
0x38: {  	s10 =	sld [smem:$0x3FB7]  }
0x39: {  	_ = 	snop;
	(pc) =	sbr.ind lr, $3  }
0x3a: {  	_ = 	snop  }
0x3b: {  	_ = 	snop  }
0x3c: {  	p2 =	seq.s32 s10, $0x1;
	s10 =	sld [smem:$0x3FB6]  }
0x3d: {  	_ =	shalt  }
0x3e: {  	_ =	shalt  }
0x3f: {  	_ =	shalt  }
0x40: {  	_ =	shalt  }
0x41: {  	_ =	shalt  }
0x42: {  	_ =	shalt  }
0x43: {  	_ =	shalt  }
0x44: {  	_ =	shalt  }
0x45: {  	_ =	shalt  }
0x46: {  	_ =	shalt  }
0x47: {  	_ =	shalt  }
0x48: {  	_ =	shalt  }
0x49: {  	_ =	shalt  }
0x4a: {  	_ =	shalt  }
0x4b: {  	_ =	shalt  }
0x4c: {  	_ =	shalt  }
0x4d: {  	_ =	shalt  }
0x4e: {  	_ =	shalt  }
0x4f: {  	_ =	shalt  }
0x50: {  	_ =	shalt  }
0x51: {  	_ =	shalt  }
0x52: {  	_ =	shalt  }
0x53: {  	_ =	shalt  }
0x54: {  	_ =	shalt  }
0x55: {  	_ =	shalt  }
0x56: {  	_ =	shalt  }
0x57: {  	_ =	shalt  }
0x58: {  	_ =	shalt  }
0x59: {  	_ =	shalt  }
0x5a: {  	_ =	shalt  }
0x5b: {  	_ =	shalt  }
0x5c: {  	_ =	shalt  }
0x5d: {  	_ =	shalt  }
0x5e: {  	_ =	shalt  }
0x5f: {  	_ =	shalt  }
0x60: {  	_ =	shalt  }
0x61: {  	_ =	shalt  }
0x62: {  	_ =	shalt  }
0x63: {  	_ =	shalt  }
0x64: {  	_ =	shalt  }
0x65: {  	_ =	shalt  }
0x66: {  	_ =	shalt  }
0x67: {  	_ =	shalt  }
0x68: {  	_ =	shalt  }
0x69: {  	_ =	shalt  }
0x6a: {  	_ =	shalt  }
0x6b: {  	_ =	shalt  }
0x6c: {  	_ =	shalt  }
0x6d: {  	_ =	shalt  }
0x6e: {  	_ =	shalt  }
0x6f: {  	_ =	shalt  }
0x70: {  	_ =	shalt  }
0x71: {  	_ =	shalt  }
0x72: {  	_ =	shalt  }
0x73: {  	_ =	shalt  }
0x74: {  	_ =	shalt  }
0x75: {  	_ =	shalt  }
0x76: {  	_ =	shalt  }
0x77: {  	_ =	shalt  }
0x78: {  	_ =	shalt  }
0x79: {  	_ =	shalt  }
0x7a: {  	_ =	shalt  }
0x7b: {  	_ =	shalt  }
0x7c: {  	_ =	shalt  }
0x7d: {  	_ =	shalt  }
0x7e: {  	_ =	shalt  }
0x7f: {  	_ =	shalt  }
0x80: {  	_ =	shalt  }
0x81: {  	_ =	shalt  }
0x82: {  	_ =	shalt  }
0x83: {  	_ =	shalt  }
0x84: {  	_ =	shalt  }
0x85: {  	_ =	shalt  }
0x86: {  	_ =	shalt  }
0x87: {  	_ =	shalt  }
.Lfunc_end0:
.L_simem_size_0:
called_computation.2_lowered:
.L_overlay_start_0:
0x88: {  	s2 =	sld [smem:$0x3FD9]  }
0x89: {  	s3 =	sld [smem:$0x3FFE];
	_ =	sdelay $0x1  }
0x8a: {  	s1 =	srdreg.scid  }
0x8b: {  	s0 =	sand.u32 $0x1, s1  }
0x8c: {  	s16 =	sshll.u32 s0, $0xA;
	s2 =	sadd.s32 s3, s2  }
0x8d: {  	s2 =	sadd.s32 s2, s16  }
0x8e: {  	[smem:$0x3FC2] =	sst s2  }
0x8f: {  	_ = 	snop  }
0x90: {  	(tm) =	ssettm $0x1  }
0x91: {  	s17 =	sld [smem:$0x3FFB];
	_ =	sdelay $0x3  }
0x92: {  	_ =	strace s17  }
0x93: {  	s2 =	sld [smem:$0x3FFC];
	_ =	sdelay $0x3  }
0x94: {  	_ =	strace s2  }
0x95: {  	s2 =	sld [smem:$0x3FFD];
	_ =	sdelay $0x3  }
0x96: {  	_ =	strace s2  }
0x97: {  	_ =	strace $0x8FFFFFFF  }
0x98: {  	s18 =	sld [smem:$0x3FDB];
	_ =	sdelay $0x1  }
0x99: {  	s19 =	simm.s32 $_scs_section_size  }
0x9a: {  	s4 =	simm.s32 $_size__tile_overlayer_lowered;
	s5 =	simm.s32 $_tile_overlayer_lowered  }
0x9b: {  	s22 =	simm.s32 $0x1BFF;
	s21 =	sshll.u32 s5, $0x1;
	s2 =	sadd.s32 s19, s18  }
0x9c: {  	s6 =	simm.s32 $0x0;
	s20 =	sshll.u32 s4, $0x1;
	s4 =	sadd.s32 s21, s2  }
0x9d: {  	[timem:s6], [sflag:s22] =	dma.local [hbm:s4], s20  }
0x9e: {  	_ =	swait.ge [sflag:s22], s20  }
0x9f: {  	s3 =	ssub.s32 $0x0, s20;
	[sflag:s22] =	ssyncset.done $0x0  }
0xa0: {  	[sflag:s22] =	ssyncadd.s32 s3;
	_ =	sdelay $0x1  }
0xa1: {  	s23 =	simm.s32 $0x1B8B  }
0xa2: {  	_ =	swait.ge [sflag:s23], $0x1  }
0xa3: {  	[sflag:s23] =	ssyncset.done $0x0  }
0xa4: {  	s25 =	simm.s32 $0x1B8E;
	s24 =	sld [smem:$0x3FFE];
	[sflag:s23] =	ssyncadd.s32 $0xFFFFFFFF  }
0xa5: {  	s26 =	simm.s32 $execute0_lowered;
	[smem:$0x3FD2] =	sst s25  }
0xa6: {  	s4 =	sshll.u32 s26, $0x1;
	_ =	strace $0x8000004C;
	[dreg:$0x1] =	wrdreg $0xFFFFFFFF  }
0xa7: {  	s28 =	simm.s32 $_size_execute0_lowered;
	s2 =	sadd.s32 s2, s4;
	[dreg:$0x0] =	wrdreg $0x0  }
0xa8: {  	s4 =	sshll.u32 s28, $0x1;
	[dreg:$0x2] =	wrdreg s2  }
0xa9: {  	[dreg:$0x3] =	wrdreg s4  }
0xaa: {  	[dreg:$0x4] =	wrdreg $0xC0  }
0xab: {  	_ =	task [dreg:s6], $0x5FFFF  }
0xac: {  	[dreg:$0x1] =	wrdreg $0xFFFFFFFF  }
0xad: {  	[dreg:$0x0] =	wrdreg $0x60  }
0xae: {  	[dreg:$0x2] =	wrdreg s24  }
0xaf: {  	[dreg:$0x3] =	wrdreg $0x0  }
0xb0: {  	[dreg:$0x4] =	wrdreg $0x9  }
0xb1: {  	_ =	task.clear_ibuf [dreg:s6], $0x5FFFF;
	_ =	strace $0x9000004C  }
0xb2: {  	s29 =	simm.s32 $0x9;
	_ =	strace $0x8000004E  }
0xb3: {  	_ =	swait.ge [sflag:s29], $0x1  }
0xb4: {  	[sflag:s29] =	ssyncadd.s32 $0xFFFFFFFF  }
0xb5: {  	_ =	strace $0x9000004E  }
0xb6: {  	_ =	sfence  }
0xb7: {  	s30 =	sld [smem:$0x0];
	_ =	sdelay $0x2  }
0xb8: {  	s31 =	sshll.u32 s1, $0xD;
	s1 =	sshrl.u32 s1, $0x2  }
0xb9: {  	s3 =	sand.u32 $0x4000, s31;
	s1 =	sadd.s32 s1, s30  }
0xba: {  	s0 =	sor.u32 s3, s0;
	s1 =	sshll.u32 s1, $0x11  }
0xbb: {  	s0 =	sor.u32 s1, s0  }
0xbc: {  	s0 =	sadd.s32 $0x8F2B, s0  }
0xbd: {  	[sflag:s0] =	ssyncadd.remote.s32 $0x1  }
0xbe: {  	_ =	sfence.sel $0xFFFF  }
0xbf: {  	[dreg:$0x0] =	wrdreg $0xFFFFFFFF;
	(pc) =	sbr.abs _section_cstart, $3  }
0xc0: {  	[dreg:$0x1] =	wrdreg $0xFFFFFFFF  }
0xc1: {  	_ =	task.clear_ibuf [dreg:s6], $0x2FFFF;
	_ =	strace $0x9FFFFFFF  }
0xc2: {  	(tm) =	ssettm $0x7FFFFFFF  }
0xc3: {  	_ =	shalt  }
tec
execute0_lowered:
.L_overlay_start_1:
0x0: {  	(tag) =	ssettag $0x1  }
0x1: {  	s5 =	rddreg [dreg:$0x0]  }
0x2: {  	s1 =	rddreg [dreg:$0x1]  }
0x3: {  	s0 =	rddreg [dreg:$0x2];
	s2 =	simm.s32 $0x0  }
0x4: {  	s3 =	srdreg.scid;
	s16 =	simm.s32 $0x80;
	s17 =	simm.s32 $0x16400  }
0x5: {  	s18 =	simm.s32 $0x3;
	s19 =	simm.s32 $0x1;
	[smem:$0x7FF] =	sst s2  }
0x6: {  	s6 =	sand.u32 $0x1, s3;
	s4 =	sadd.s32 $0x3600, s5;
	s10 =	sadd.s32 $0x52600, s5  }
0x7: {  	s11 =	sadd.s32 $0x5C600, s5;
	s3 =	stileid.u32;
	s7 =	smul.u32 $0x27800, s6  }
0x8: {  	_ =	strace $0x8000004D;
	s28 =	sshll.u32 s3, $0x1;
	s8 =	smul.u32 $0x4F000, s3  }
0x9: {  	s9 =	ssub.s32 $0x2, s6;
	s20 =	smul.u32 $0x2780, s3;
	s6 =	sor.u32 s6, s28  }
0xa: {  	s29 =	sshrl.u32 s9, $0x1;
	s12 =	sadd.s32 s7, s5;
	s8 =	sshrl.u32 s8, $0x2  }
0xb: {  	s13 =	smul.u32 $0x2800, s6;
	s14 =	ssub.s32 s9, s29;
	s7 =	sadd.s32 s20, s7  }
0xc: {  	s5 =	sshll.u32 s3, $0x6;
	s30 =	smul.u32 $0x500, s6;
	s15 =	sadd.s32 s8, s1  }
0xd: {  	s6 =	sadd.s32 s4, s7;
	s7 =	sor.u32 $0x1C03, s5;
	s21 =	sadd.s32 $0x66600, s12  }
0xe: {  	s12 =	smax.u32 s14, $0x1;
	s14 =	simm.s32 $0x13C00;
	s31 =	sshrl.u32 s13, $0x3  }
0xf: {  	s8 =	sadd.s32 s10, s30;
	s9 =	sadd.s32 s11, s30;
	s13 =	sadd.s32 $0x280, s31  }
0x10: {  	s20 =	sadd.s32 s20, s21;
	s21 =	simm.s32 $0x0;
	s10 =	sadd.s32 s10, s13  }
0x11: {  	s11 =	sadd.s32 s11, s13;
	s13 =	sshrl.u32 s15, $0x3;
	s15 =	simm.s32 $0x4  }
.LBB2_1:
0x12: {  	[spmem:s13], [sflag:s7] =	dma.local [hbm:s6], $0x2780  }
0x13: {  	[tilespmem:s14], [sflag:$0x4] =	stream.linear.gather [hbm4b:s8+s2], $0x1400, $0x38;
	[tilespmem:$0x1E400] =	vst v63  }
0x14: {  	_ =	swait.ge [sflag:s15], $0x1400  }
0x15: {  	[sflag:s15] =	ssyncset.done $0x0  }
0x16: {  	s22 =	simm.s32 $0x15000;
	[sflag:s15] =	ssyncadd.s32 $0xFFFFEC00  }
0x17: {  	[tilespmem:s22], [sflag:$0x4] =	stream.linear.gather [hbm4b:s9+s2], $0x1400, $0x38;
	[tilespmem:$0x1E400] =	vst v63  }
0x18: {  	_ =	swait.ge [sflag:s15], $0x1400  }
0x19: {  	[sflag:s15] =	ssyncset.done $0x0  }
0x1a: {  	s23 =	simm.s32 $0x1;
	s24 =	sand.u32 $0x1, s2;
	[sflag:s15] =	ssyncadd.s32 $0xFFFFEC00  }
0x1b: {  	[tilespmem:s17], [sflag:$0x1] =	stream.indirect.gather [hbm4b:s4+s16], $0x80, s14, s16, $0xb8;
	[tilespmem:$0x1E400] =	vst v63  }
0x1c: {  	s25 =	smin.u32 s23, $0x27;
	s26 =	sand.u32 $0x1, s23;
	_ =	swait.ge [sflag:s18], $0x2780  }
0x1d: {  	s29 =	sadd.s32 $0x1, s24;
	s28 =	sshll.u32 s26, $0xE;
	[sflag:s18] =	ssyncset.done $0x0  }
0x1e: {  	s25 =	sshll.u32 s25, $0x7;
	s26 =	sadd.s32 $0x1, s26;
	[sflag:s18] =	ssyncadd.s32 $0xFFFFD880  }
0x1f: {  	s28 =	sadd.s32 $0x16400, s28;
	s25 =	sadd.s32 $0x13C00, s25;
	[bflag:$0x0] =	sbarrier.arrive $0xFFFF  }
0x20: {  	[tilespmem:s28], [sflag:s26] =	stream.indirect.gather [hbm4b:s4+s16], $0x80, s25, s16, $0xb8;
	[tilespmem:$0x1E400] =	vst v63  }
0x21: {  	_ =	swait.ge [sflag:s29], $0x4000  }
0x22: {  	s24 =	sshll.u32 s24, $0xE;
	[sflag:s29] =	ssyncset.done $0x0  }
0x23: {  	s24 =	sadd.s32 $0x16400, s24;
	[sflag:s29] =	ssyncadd.s32 $0xFFFFC000  }
0x24: {  	[spmem:s1] =	stream.indirect.scatter.add.f32 [tilespmem:s24], [sflag:$0x4], $0x80, s22, s16, $0xb8;
	[tilespmem:$0x1E400] =	vst v63  }
0x25: {  	_ =	swait.ge [sflag:s15], $0x4000  }
.LBB2_2:
0x26: {  	s24 =	sand.u32 $0x1, s23;
	s25 =	smov.u32 s23  }
0x27: {  	[sflag:s15] =	ssyncset.done $0x0;
	p0 =	sne.s32 s23, $0x27;
	s25 =	sadd.s32 $0x1, s23  }
0x28: {  	s26 =	smin.u32 s25, $0x27;
	s28 =	sand.u32 $0x1, s25;
	[sflag:s15] =	ssyncadd.s32 $0xFFFFC000  }
0x29: {  	s29 =	sshll.u32 s28, $0xE;
	s26 =	sshll.u32 s26, $0x7;
	s28 =	sadd.s32 $0x1, s28  }
0x2a: {  	s30 =	sadd.s32 $0x1, s24;
	s29 =	sadd.s32 $0x16400, s29;
	s26 =	sadd.s32 $0x13C00, s26  }
0x2b: {  	[tilespmem:s29], [sflag:s28] =	stream.indirect.gather [hbm4b:s4+s16], $0x80, s26, s16, $0xb8;
	[tilespmem:$0x1E400] =	vst v63  }
.Ltmp0:
0x2c: {  	s24 =	sshll.u32 s24, $0xE;
	_ =	swait.ge [sflag:s30], $0x4000;
	(pc) =	sbr.rel @p0 .LBB2_2-.Ltmp0, $4  }
0x2d: {  	[sflag:s30] =	ssyncset.done $0x0  }
0x2e: {  	s22 =	sadd.s32 $0x80, s22;
	s23 =	sadd.s32 $0x16400, s24;
	[sflag:s30] =	ssyncadd.s32 $0xFFFFC000  }
0x2f: {  	[spmem:s1] =	stream.indirect.scatter.add.f32 [tilespmem:s23], [sflag:$0x4], $0x80, s22, s16, $0xb8;
	[tilespmem:$0x1E400] =	vst v63  }
0x30: {  	s23 =	smov.u32 s25;
	_ =	swait.ge [sflag:s15], $0x4000  }
0x31: {  	[sflag:s15] =	ssyncset.done $0x0  }
0x32: {  	[sflag:s15] =	ssyncadd.s32 $0xFFFFC000  }
0x33: {  	_ =	swait.ge [sflag:s19], $0x4000  }
0x34: {  	[sflag:s19] =	ssyncset.done $0x0  }
0x35: {  	s24 =	simm.s32 $0x0;
	[sflag:s19] =	ssyncadd.s32 $0xFFFFC000  }
0x36: {  	[tilespmem:s14], [sflag:$0x4] =	stream.linear.gather [hbm4b:s10+s24], $0x1400, $0x38;
	[tilespmem:$0x1E400] =	vst v63  }
0x37: {  	_ =	swait.ge [sflag:s15], $0x1400  }
0x38: {  	[sflag:s15] =	ssyncset.done $0x0  }
0x39: {  	s22 =	simm.s32 $0x15000;
	s23 =	simm.s32 $0x1;
	[sflag:s15] =	ssyncadd.s32 $0xFFFFEC00  }
0x3a: {  	[tilespmem:s22], [sflag:$0x4] =	stream.linear.gather [hbm4b:s11+s24], $0x1400, $0x38;
	[tilespmem:$0x1E400] =	vst v63  }
0x3b: {  	s25 =	smin.u32 s23, $0x27;
	s26 =	sand.u32 $0x1, s23;
	_ =	swait.ge [sflag:s15], $0x1400  }
0x3c: {  	s28 =	sshll.u32 s26, $0xE;
	s25 =	sshll.u32 s25, $0x7;
	[sflag:s15] =	ssyncset.done $0x0  }
0x3d: {  	s26 =	sadd.s32 $0x1, s26;
	s24 =	sand.u32 $0x1, s24;
	[sflag:s15] =	ssyncadd.s32 $0xFFFFEC00  }
0x3e: {  	[tilespmem:s17], [sflag:$0x1] =	stream.indirect.gather [hbm4b:s4+s16], $0x80, s14, s16, $0xb8;
	[tilespmem:$0x1E400] =	vst v63  }
0x3f: {  	s28 =	sadd.s32 $0x16400, s28;
	s25 =	sadd.s32 $0x13C00, s25;
	s29 =	sadd.s32 $0x1, s24  }
0x40: {  	[tilespmem:s28], [sflag:s26] =	stream.indirect.gather [hbm4b:s4+s16], $0x80, s25, s16, $0xb8;
	[tilespmem:$0x1E400] =	vst v63  }
0x41: {  	_ =	swait.ge [sflag:s29], $0x4000  }
0x42: {  	s24 =	sshll.u32 s24, $0xE;
	[sflag:s29] =	ssyncset.done $0x0  }
0x43: {  	s24 =	sadd.s32 $0x16400, s24;
	[sflag:s29] =	ssyncadd.s32 $0xFFFFC000  }
0x44: {  	[spmem:s1] =	stream.indirect.scatter.add.f32 [tilespmem:s24], [sflag:$0x4], $0x80, s22, s16, $0xb8;
	[tilespmem:$0x1E400] =	vst v63  }
0x45: {  	_ =	swait.ge [sflag:s15], $0x4000  }
.LBB2_4:
0x46: {  	s24 =	sand.u32 $0x1, s23;
	s25 =	smov.u32 s23  }
0x47: {  	[sflag:s15] =	ssyncset.done $0x0;
	p0 =	sne.s32 s23, $0x27;
	s25 =	sadd.s32 $0x1, s23  }
0x48: {  	s26 =	smin.u32 s25, $0x27;
	s28 =	sand.u32 $0x1, s25;
	[sflag:s15] =	ssyncadd.s32 $0xFFFFC000  }
0x49: {  	s29 =	sshll.u32 s28, $0xE;
	s26 =	sshll.u32 s26, $0x7;
	s28 =	sadd.s32 $0x1, s28  }
0x4a: {  	s30 =	sadd.s32 $0x1, s24;
	s29 =	sadd.s32 $0x16400, s29;
	s26 =	sadd.s32 $0x13C00, s26  }
0x4b: {  	[tilespmem:s29], [sflag:s28] =	stream.indirect.gather [hbm4b:s4+s16], $0x80, s26, s16, $0xb8;
	[tilespmem:$0x1E400] =	vst v63  }
.Ltmp1:
0x4c: {  	s24 =	sshll.u32 s24, $0xE;
	_ =	swait.ge [sflag:s30], $0x4000;
	(pc) =	sbr.rel @p0 .LBB2_4-.Ltmp1, $4  }
0x4d: {  	[sflag:s30] =	ssyncset.done $0x0  }
0x4e: {  	s22 =	sadd.s32 $0x80, s22;
	s23 =	sadd.s32 $0x16400, s24;
	[sflag:s30] =	ssyncadd.s32 $0xFFFFC000  }
0x4f: {  	[spmem:s1] =	stream.indirect.scatter.add.f32 [tilespmem:s23], [sflag:$0x4], $0x80, s22, s16, $0xb8;
	[tilespmem:$0x1E400] =	vst v63  }
0x50: {  	s23 =	smov.u32 s25;
	_ =	swait.ge [sflag:s15], $0x4000  }
0x51: {  	[sflag:s15] =	ssyncset.done $0x0  }
0x52: {  	[sflag:s15] =	ssyncadd.s32 $0xFFFFC000  }
0x53: {  	_ =	swait.ge [sflag:s19], $0x4000  }
0x54: {  	s21 =	sadd.s32 $0x1, s21;
	[sflag:s19] =	ssyncset.done $0x0  }
0x55: {  	p0 =	sne.s32 s21, s12;
	[sflag:s19] =	ssyncadd.s32 $0xFFFFC000  }
.Ltmp2:
0x56: {  	s22 =	sor.u32 $0x1C04, s5;
	[bflag:$0x0] =	sbarrier.arrive $0xFFFF;
	(pc) =	sbr.rel @p0 .LBB2_1-.Ltmp2, $4  }
0x57: {  	[hbm:s20], [sflag:s22] =	dma.local [spmem:s13], $0x2780  }
0x58: {  	_ =	swait.ge [sflag:s15], $0x2780  }
0x59: {  	[sflag:s15] =	ssyncset.done $0x0  }
0x5a: {  	[sflag:s15] =	ssyncadd.s32 $0xFFFFD880  }
0x5b: {  	_ =	sfence.sel $0x180000  }
0x5c: {  	[bflag:$0x0] =	sbarrier.arrive $0xFFFF  }
0x5d: {  	p0 =	sne.s32 s3, $0x0;
	_ =	strace $0x9000004D  }
0x5e: {  	s0 =	sadd.s32 @!p0 $0x100000, s0;
	[bflag:$0x2] =	sbarrier.arrive $0xFFFF  }
0x5f: {  	[sflag:s0] =	ssyncadd.tile.s32 @!p0 $0x1;
	_ =	shalt  }
.Lfunc_end2:
_tile_overlayer_lowered:
.L_overlay_start_2:
0x60: {  	(tag) =	ssettag $0x2  }
0x61: {  	s0 =	rddreg [dreg:$0x0];
	s2 =	stileid.u32  }
0x62: {  	s1 =	rddreg [dreg:$0x1];
	p0 =	sne.s32 s2, $0x0  }
0x63: {  	s3 =	rddreg [dreg:$0x2];
	[bflag:$0x3] =	sbarrier.arrive $0xFFFF;
	s2 =	simm.s32 @!p0 $0x1C04  }
0x64: {  	[timem:s3], [sflag:s2] =	dma.local @!p0 [hbm:s0], s1  }
0x65: {  	s0 =	simm.s32 @!p0 $0x4  }
0x66: {  	_ =	swait.ge @!p0 [sflag:s0], s1  }
0x67: {  	s1 =	ssub.s32 @!p0 $0x0, s1;
	[sflag:s0] =	ssyncset.done @!p0 $0x0  }
0x68: {  	[sflag:s0] =	ssyncadd.s32 @!p0 s1  }
0x69: {  	[bflag:$0x3] =	sbarrier.arrive $0xFFFF  }
0x6a: {  	_ =	shalt  }

// kernel: kernel.19.cloned.1.call-start
scs
__scs_entry_jumppad:
0x0: {  	(pc) =	sbr.rel $0x88, $3  }
0x1: {  	(tag) =	ssettag $0x0;
	lr =	simm.s32 $0x1  }
0x2: {  	[smem:$0x3F9B] =	sst lr;
	_ =	strace $0xD0000000  }
0x3: {  	_ = 	snop  }
0x4: {  	_ = 	snop  }
0x5: {  	_ = 	snop  }
0x6: {  	_ = 	snop  }
0x7: {  	_ = 	snop  }
__scs_overlays_trampoline_lowered:
0x8: {  	[smem:$0x3FAA] =	sst s0  }
0x9: {  	[smem:$0x3FAB] =	sst s1  }
0xa: {  	[smem:$0x3FAC] =	sst s2  }
0xb: {  	[smem:$0x3FAD] =	sst s3  }
0xc: {  	[smem:$0x3FAE] =	sst s4  }
0xd: {  	[smem:$0x3FAF] =	sst s5  }
0xe: {  	[smem:$0x3FB0] =	sst s6  }
0xf: {  	[smem:$0x3FB1] =	sst s7  }
0x10: {  	[smem:$0x3FB2] =	sst s8  }
0x11: {  	[smem:$0x3FB3] =	sst s9;
	s0 =	simm.s32 @!p0 $0x0  }
0x12: {  	s1 =	sld [smem:$0x3F99];
	s0 =	simm.s32 @p0 $0x1  }
0x13: {  	[smem:$0x3FB4] =	sst s0;
	s0 =	simm.s32 @!p1 $0x0  }
0x14: {  	s2 =	sld [smem:$0x3F98];
	s0 =	simm.s32 @p1 $0x1  }
0x15: {  	[smem:$0x3FB5] =	sst s0;
	s0 =	simm.s32 @!p2 $0x0  }
0x16: {  	s3 =	sld [smem:$0x3FDB];
	s0 =	simm.s32 @p2 $0x1  }
0x17: {  	s4 =	simm.s32 $0x1BF5;
	[smem:$0x3FB7] =	sst s0  }
0x18: {  	s0 =	sld [smem:$0x3F9A];
	_ =	swait.ge [sflag:s4], $0x0  }
0x19: {  	s7 =	sld [smem:$0x3F9B]  }
0x1a: {  	s8 =	sadd.s32 $0xFFFFE003, lr  }
0x1b: {  	s9 =	sadd.s32 $0xFFFFFEF7, lr;
	s5 =	simm.s32 $0xFFFFFFFF;
	p2 =	slt.u32 s8, $0xFFFFF086  }
0x1c: {  	p1 =	slt.u32 s9, $0xF7A;
	s5 =	simm.s32 @!p2 $0x0  }
0x1d: {  	s5 =	simm.s32 @p1 $0x1;
	p0 =	seq.s32 s7, s2  }
0x1e: {  	s7 =	smul.u32 @!p0 $0xF7A, s2;
	p2 =	seq.s32 @!p0 s5, $0x0  }
0x1f: {  	s9 =	smul.u32 $0xF7A, s1;
	s8 =	simm.s32 @!p0 $0x1BF5;
	p2 =	por !p2, p0  }
0x20: {  	[sflag:s8] =	ssyncset.s32 @!p0 $0xFFFFF086;
	s6 =	sadd.s32 @!p0 s3, s7;
	s7 =	simm.s32 @!p0 $0x108  }
0x21: {  	s3 =	sadd.s32 s3, s9;
	s6 =	sadd.s32 @!p0 $0x88, s6;
	s7 =	simm.s32 @p2 $0x1082  }
0x22: {  	[simem:s7], [sflag:s8] =	dma.local @!p0 [hbm:s6], $0xF7A  }
0x23: {  	s9 =	sor.u32 $0xD0000000, s2;
	s6 =	simm.s32 $0x108;
	_ =	swait.ge @!p0 [sflag:s8], $0x0  }
0x24: {  	s3 =	sadd.s32 $0x88, s3;
	s6 =	simm.s32 @!p1 $0x1082;
	[sflag:s4] =	ssyncset.s32 $0xFFFFF086  }
0x25: {  	[simem:s6], [sflag:s4] =	dma.local [hbm:s3], $0xF7A  }
0x26: {  	[smem:$0x3F9B] =	sst s1;
	(tag) =	ssettag s2;
	_ =	strace s9  }
0x27: {  	s1 =	sld [smem:$0x3FAB]  }
0x28: {  	s2 =	sld [smem:$0x3FAC]  }
0x29: {  	s4 =	sld [smem:$0x3FAE]  }
0x2a: {  	p0 =	seq.s32 s5, $0x0;
	s5 =	sld [smem:$0x3FAF]  }
0x2b: {  	s6 =	sld [smem:$0x3FB0]  }
0x2c: {  	s7 =	sld [smem:$0x3FB1]  }
0x2d: {  	s3 =	simm.s32 $0x108;
	s8 =	sld [smem:$0x3FB2]  }
0x2e: {  	s3 =	simm.s32 @!p0 $0x1082;
	s9 =	sld [smem:$0x3FB3]  }
0x2f: {  	lr =	sadd.s32 s0, s3;
	s0 =	sld [smem:$0x3FAA]  }
0x30: {  	s3 =	sld [smem:$0x3FAD]  }
0x31: {  	[smem:$0x3FB6] =	sst s10  }
0x32: {  	s10 =	sld [smem:$0x3FB4];
	_ =	sdelay $0x3  }
0x33: {  	p0 =	seq.s32 s10, $0x1;
	s10 =	sld [smem:$0x3FB6];
	_ =	sdelay $0x3  }
0x34: {  	[smem:$0x3FB6] =	sst s10  }
0x35: {  	s10 =	sld [smem:$0x3FB5];
	_ =	sdelay $0x3  }
0x36: {  	p1 =	seq.s32 s10, $0x1;
	s10 =	sld [smem:$0x3FB6];
	_ =	sdelay $0x3  }
0x37: {  	[smem:$0x3FB6] =	sst s10  }
0x38: {  	s10 =	sld [smem:$0x3FB7]  }
0x39: {  	_ = 	snop;
	(pc) =	sbr.ind lr, $3  }
0x3a: {  	_ = 	snop  }
0x3b: {  	_ = 	snop  }
0x3c: {  	p2 =	seq.s32 s10, $0x1;
	s10 =	sld [smem:$0x3FB6]  }
0x3d: {  	_ =	shalt  }
0x3e: {  	_ =	shalt  }
0x3f: {  	_ =	shalt  }
0x40: {  	_ =	shalt  }
0x41: {  	_ =	shalt  }
0x42: {  	_ =	shalt  }
0x43: {  	_ =	shalt  }
0x44: {  	_ =	shalt  }
0x45: {  	_ =	shalt  }
0x46: {  	_ =	shalt  }
0x47: {  	_ =	shalt  }
0x48: {  	_ =	shalt  }
0x49: {  	_ =	shalt  }
0x4a: {  	_ =	shalt  }
0x4b: {  	_ =	shalt  }
0x4c: {  	_ =	shalt  }
0x4d: {  	_ =	shalt  }
0x4e: {  	_ =	shalt  }
0x4f: {  	_ =	shalt  }
0x50: {  	_ =	shalt  }
0x51: {  	_ =	shalt  }
0x52: {  	_ =	shalt  }
0x53: {  	_ =	shalt  }
0x54: {  	_ =	shalt  }
0x55: {  	_ =	shalt  }
0x56: {  	_ =	shalt  }
0x57: {  	_ =	shalt  }
0x58: {  	_ =	shalt  }
0x59: {  	_ =	shalt  }
0x5a: {  	_ =	shalt  }
0x5b: {  	_ =	shalt  }
0x5c: {  	_ =	shalt  }
0x5d: {  	_ =	shalt  }
0x5e: {  	_ =	shalt  }
0x5f: {  	_ =	shalt  }
0x60: {  	_ =	shalt  }
0x61: {  	_ =	shalt  }
0x62: {  	_ =	shalt  }
0x63: {  	_ =	shalt  }
0x64: {  	_ =	shalt  }
0x65: {  	_ =	shalt  }
0x66: {  	_ =	shalt  }
0x67: {  	_ =	shalt  }
0x68: {  	_ =	shalt  }
0x69: {  	_ =	shalt  }
0x6a: {  	_ =	shalt  }
0x6b: {  	_ =	shalt  }
0x6c: {  	_ =	shalt  }
0x6d: {  	_ =	shalt  }
0x6e: {  	_ =	shalt  }
0x6f: {  	_ =	shalt  }
0x70: {  	_ =	shalt  }
0x71: {  	_ =	shalt  }
0x72: {  	_ =	shalt  }
0x73: {  	_ =	shalt  }
0x74: {  	_ =	shalt  }
0x75: {  	_ =	shalt  }
0x76: {  	_ =	shalt  }
0x77: {  	_ =	shalt  }
0x78: {  	_ =	shalt  }
0x79: {  	_ =	shalt  }
0x7a: {  	_ =	shalt  }
0x7b: {  	_ =	shalt  }
0x7c: {  	_ =	shalt  }
0x7d: {  	_ =	shalt  }
0x7e: {  	_ =	shalt  }
0x7f: {  	_ =	shalt  }
0x80: {  	_ =	shalt  }
0x81: {  	_ =	shalt  }
0x82: {  	_ =	shalt  }
0x83: {  	_ =	shalt  }
0x84: {  	_ =	shalt  }
0x85: {  	_ =	shalt  }
0x86: {  	_ =	shalt  }
0x87: {  	_ =	shalt  }
.Lfunc_end0:
.L_simem_size_0:
called_computation.3_lowered:
.L_overlay_start_0:
0x88: {  	s2 =	sld [smem:$0x3FD9]  }
0x89: {  	s3 =	sld [smem:$0x3FFE];
	_ =	sdelay $0x1  }
0x8a: {  	s1 =	srdreg.scid  }
0x8b: {  	s0 =	sand.u32 $0x1, s1  }
0x8c: {  	s16 =	sshll.u32 s0, $0xA;
	s2 =	sadd.s32 s3, s2  }
0x8d: {  	s2 =	sadd.s32 s2, s16  }
0x8e: {  	[smem:$0x3FC2] =	sst s2  }
0x8f: {  	_ = 	snop  }
0x90: {  	(tm) =	ssettm $0x1  }
0x91: {  	s17 =	sld [smem:$0x3FFB];
	_ =	sdelay $0x3  }
0x92: {  	_ =	strace s17  }
0x93: {  	s2 =	sld [smem:$0x3FFC];
	_ =	sdelay $0x3  }
0x94: {  	_ =	strace s2  }
0x95: {  	s2 =	sld [smem:$0x3FFD];
	_ =	sdelay $0x3  }
0x96: {  	_ =	strace s2  }
0x97: {  	_ =	strace $0x8FFFFFFF  }
0x98: {  	s18 =	sld [smem:$0x3FDB];
	_ =	sdelay $0x1  }
0x99: {  	s19 =	simm.s32 $_scs_section_size  }
0x9a: {  	s4 =	simm.s32 $_size__tile_overlayer_lowered;
	s5 =	simm.s32 $_tile_overlayer_lowered  }
0x9b: {  	s22 =	simm.s32 $0x1BFF;
	s21 =	sshll.u32 s5, $0x1;
	s2 =	sadd.s32 s19, s18  }
0x9c: {  	s6 =	simm.s32 $0x0;
	s20 =	sshll.u32 s4, $0x1;
	s4 =	sadd.s32 s21, s2  }
0x9d: {  	[timem:s6], [sflag:s22] =	dma.local [hbm:s4], s20  }
0x9e: {  	_ =	swait.ge [sflag:s22], s20  }
0x9f: {  	s3 =	ssub.s32 $0x0, s20;
	[sflag:s22] =	ssyncset.done $0x0  }
0xa0: {  	[sflag:s22] =	ssyncadd.s32 s3;
	_ =	sdelay $0x1  }
0xa1: {  	s23 =	simm.s32 $0x1B8B  }
0xa2: {  	_ =	swait.ge [sflag:s23], $0x1  }
0xa3: {  	[sflag:s23] =	ssyncset.done $0x0  }
0xa4: {  	s25 =	simm.s32 $0x1B8E;
	s24 =	sld [smem:$0x3FFE];
	[sflag:s23] =	ssyncadd.s32 $0xFFFFFFFF  }
0xa5: {  	s26 =	simm.s32 $execute0_lowered;
	[smem:$0x3FD2] =	sst s25  }
0xa6: {  	s4 =	sshll.u32 s26, $0x1;
	_ =	strace $0x8000004F;
	[dreg:$0x1] =	wrdreg $0xFFFFFFFF  }
0xa7: {  	s28 =	simm.s32 $_size_execute0_lowered;
	s2 =	sadd.s32 s2, s4;
	[dreg:$0x0] =	wrdreg $0x0  }
0xa8: {  	s4 =	sshll.u32 s28, $0x1;
	[dreg:$0x2] =	wrdreg s2  }
0xa9: {  	[dreg:$0x3] =	wrdreg s4  }
0xaa: {  	[dreg:$0x4] =	wrdreg $0xC0  }
0xab: {  	_ =	task [dreg:s6], $0x5FFFF  }
0xac: {  	[dreg:$0x1] =	wrdreg $0xFFFFFFFF  }
0xad: {  	[dreg:$0x0] =	wrdreg $0x60  }
0xae: {  	[dreg:$0x2] =	wrdreg s24  }
0xaf: {  	[dreg:$0x3] =	wrdreg $0x0  }
0xb0: {  	[dreg:$0x4] =	wrdreg $0x9  }
0xb1: {  	_ =	task.clear_ibuf [dreg:s6], $0x5FFFF;
	_ =	strace $0x9000004F  }
0xb2: {  	s29 =	simm.s32 $0x9;
	_ =	strace $0x80000051  }
0xb3: {  	_ =	swait.ge [sflag:s29], $0x1  }
0xb4: {  	[sflag:s29] =	ssyncadd.s32 $0xFFFFFFFF  }
0xb5: {  	_ =	strace $0x90000051  }
0xb6: {  	_ =	sfence  }
0xb7: {  	s30 =	sld [smem:$0x0];
	_ =	sdelay $0x2  }
0xb8: {  	s31 =	sshll.u32 s1, $0xD;
	s1 =	sshrl.u32 s1, $0x2  }
0xb9: {  	s3 =	sand.u32 $0x4000, s31;
	s1 =	sadd.s32 s1, s30  }
0xba: {  	s0 =	sor.u32 s3, s0;
	s1 =	sshll.u32 s1, $0x11  }
0xbb: {  	s0 =	sor.u32 s1, s0  }
0xbc: {  	s0 =	sadd.s32 $0x8F2B, s0  }
0xbd: {  	[sflag:s0] =	ssyncadd.remote.s32 $0x1  }
0xbe: {  	_ =	sfence.sel $0xFFFF  }
0xbf: {  	[dreg:$0x0] =	wrdreg $0xFFFFFFFF;
	(pc) =	sbr.abs _section_cstart, $3  }
0xc0: {  	[dreg:$0x1] =	wrdreg $0xFFFFFFFF  }
0xc1: {  	_ =	task.clear_ibuf [dreg:s6], $0x2FFFF;
	_ =	strace $0x9FFFFFFF  }
0xc2: {  	(tm) =	ssettm $0x7FFFFFFF  }
0xc3: {  	_ =	shalt  }
tec
execute0_lowered:
.L_overlay_start_1:
0x0: {  	(tag) =	ssettag $0x1  }
0x1: {  	s5 =	rddreg [dreg:$0x0]  }
0x2: {  	s1 =	rddreg [dreg:$0x1]  }
0x3: {  	s0 =	rddreg [dreg:$0x2];
	s2 =	simm.s32 $0x0  }
0x4: {  	s3 =	srdreg.scid;
	s16 =	simm.s32 $0x80;
	s17 =	simm.s32 $0x16400  }
0x5: {  	s18 =	simm.s32 $0x3;
	s19 =	simm.s32 $0x1;
	[smem:$0x7FF] =	sst s2  }
0x6: {  	s6 =	sand.u32 $0x1, s3;
	s4 =	sadd.s32 $0x3600, s5;
	s10 =	sadd.s32 $0x52600, s5  }
0x7: {  	s11 =	sadd.s32 $0x5C600, s5;
	s3 =	stileid.u32;
	s7 =	smul.u32 $0x27800, s6  }
0x8: {  	_ =	strace $0x80000050;
	s28 =	sshll.u32 s3, $0x1;
	s8 =	smul.u32 $0x4F000, s3  }
0x9: {  	s9 =	ssub.s32 $0x2, s6;
	s20 =	smul.u32 $0x2780, s3;
	s6 =	sor.u32 s6, s28  }
0xa: {  	s29 =	sshrl.u32 s9, $0x1;
	s12 =	sadd.s32 s7, s5;
	s8 =	sshrl.u32 s8, $0x2  }
0xb: {  	s13 =	smul.u32 $0x2800, s6;
	s14 =	ssub.s32 s9, s29;
	s7 =	sadd.s32 s20, s7  }
0xc: {  	s5 =	sshll.u32 s3, $0x6;
	s30 =	smul.u32 $0x500, s6;
	s15 =	sadd.s32 s8, s1  }
0xd: {  	s6 =	sadd.s32 s4, s7;
	s7 =	sor.u32 $0x1C03, s5;
	s21 =	sadd.s32 $0x66600, s12  }
0xe: {  	s12 =	smax.u32 s14, $0x1;
	s14 =	simm.s32 $0x13C00;
	s31 =	sshrl.u32 s13, $0x3  }
0xf: {  	s8 =	sadd.s32 s10, s30;
	s9 =	sadd.s32 s11, s30;
	s13 =	sadd.s32 $0x280, s31  }
0x10: {  	s20 =	sadd.s32 s20, s21;
	s21 =	simm.s32 $0x0;
	s10 =	sadd.s32 s10, s13  }
0x11: {  	s11 =	sadd.s32 s11, s13;
	s13 =	sshrl.u32 s15, $0x3;
	s15 =	simm.s32 $0x4  }
.LBB2_1:
0x12: {  	[spmem:s13], [sflag:s7] =	dma.local [hbm:s6], $0x2780  }
0x13: {  	[tilespmem:s14], [sflag:$0x4] =	stream.linear.gather [hbm4b:s8+s2], $0x1400, $0x38;
	[tilespmem:$0x1E400] =	vst v63  }
0x14: {  	_ =	swait.ge [sflag:s15], $0x1400  }
0x15: {  	[sflag:s15] =	ssyncset.done $0x0  }
0x16: {  	s22 =	simm.s32 $0x15000;
	[sflag:s15] =	ssyncadd.s32 $0xFFFFEC00  }
0x17: {  	[tilespmem:s22], [sflag:$0x4] =	stream.linear.gather [hbm4b:s9+s2], $0x1400, $0x38;
	[tilespmem:$0x1E400] =	vst v63  }
0x18: {  	_ =	swait.ge [sflag:s15], $0x1400  }
0x19: {  	[sflag:s15] =	ssyncset.done $0x0  }
0x1a: {  	s23 =	simm.s32 $0x1;
	s24 =	sand.u32 $0x1, s2;
	[sflag:s15] =	ssyncadd.s32 $0xFFFFEC00  }
0x1b: {  	[tilespmem:s17], [sflag:$0x1] =	stream.indirect.gather [hbm4b:s4+s16], $0x80, s14, s16, $0xb8;
	[tilespmem:$0x1E400] =	vst v63  }
0x1c: {  	s25 =	smin.u32 s23, $0x27;
	s26 =	sand.u32 $0x1, s23;
	_ =	swait.ge [sflag:s18], $0x2780  }
0x1d: {  	s29 =	sadd.s32 $0x1, s24;
	s28 =	sshll.u32 s26, $0xE;
	[sflag:s18] =	ssyncset.done $0x0  }
0x1e: {  	s25 =	sshll.u32 s25, $0x7;
	s26 =	sadd.s32 $0x1, s26;
	[sflag:s18] =	ssyncadd.s32 $0xFFFFD880  }
0x1f: {  	s28 =	sadd.s32 $0x16400, s28;
	s25 =	sadd.s32 $0x13C00, s25;
	[bflag:$0x0] =	sbarrier.arrive $0xFFFF  }
0x20: {  	[tilespmem:s28], [sflag:s26] =	stream.indirect.gather [hbm4b:s4+s16], $0x80, s25, s16, $0xb8;
	[tilespmem:$0x1E400] =	vst v63  }
0x21: {  	_ =	swait.ge [sflag:s29], $0x4000  }
0x22: {  	s24 =	sshll.u32 s24, $0xE;
	[sflag:s29] =	ssyncset.done $0x0  }
0x23: {  	s24 =	sadd.s32 $0x16400, s24;
	[sflag:s29] =	ssyncadd.s32 $0xFFFFC000  }
0x24: {  	[spmem:s1] =	stream.indirect.scatter.add.f32 [tilespmem:s24], [sflag:$0x4], $0x80, s22, s16, $0xb8;
	[tilespmem:$0x1E400] =	vst v63  }
0x25: {  	_ =	swait.ge [sflag:s15], $0x4000  }
.LBB2_2:
0x26: {  	s24 =	sand.u32 $0x1, s23;
	s25 =	smov.u32 s23  }
0x27: {  	[sflag:s15] =	ssyncset.done $0x0;
	p0 =	sne.s32 s23, $0x27;
	s25 =	sadd.s32 $0x1, s23  }
0x28: {  	s26 =	smin.u32 s25, $0x27;
	s28 =	sand.u32 $0x1, s25;
	[sflag:s15] =	ssyncadd.s32 $0xFFFFC000  }
0x29: {  	s29 =	sshll.u32 s28, $0xE;
	s26 =	sshll.u32 s26, $0x7;
	s28 =	sadd.s32 $0x1, s28  }
0x2a: {  	s30 =	sadd.s32 $0x1, s24;
	s29 =	sadd.s32 $0x16400, s29;
	s26 =	sadd.s32 $0x13C00, s26  }
0x2b: {  	[tilespmem:s29], [sflag:s28] =	stream.indirect.gather [hbm4b:s4+s16], $0x80, s26, s16, $0xb8;
	[tilespmem:$0x1E400] =	vst v63  }
.Ltmp0:
0x2c: {  	s24 =	sshll.u32 s24, $0xE;
	_ =	swait.ge [sflag:s30], $0x4000;
	(pc) =	sbr.rel @p0 .LBB2_2-.Ltmp0, $4  }
0x2d: {  	[sflag:s30] =	ssyncset.done $0x0  }
0x2e: {  	s22 =	sadd.s32 $0x80, s22;
	s23 =	sadd.s32 $0x16400, s24;
	[sflag:s30] =	ssyncadd.s32 $0xFFFFC000  }
0x2f: {  	[spmem:s1] =	stream.indirect.scatter.add.f32 [tilespmem:s23], [sflag:$0x4], $0x80, s22, s16, $0xb8;
	[tilespmem:$0x1E400] =	vst v63  }
0x30: {  	s23 =	smov.u32 s25;
	_ =	swait.ge [sflag:s15], $0x4000  }
0x31: {  	[sflag:s15] =	ssyncset.done $0x0  }
0x32: {  	[sflag:s15] =	ssyncadd.s32 $0xFFFFC000  }
0x33: {  	_ =	swait.ge [sflag:s19], $0x4000  }
0x34: {  	[sflag:s19] =	ssyncset.done $0x0  }
0x35: {  	s24 =	simm.s32 $0x0;
	[sflag:s19] =	ssyncadd.s32 $0xFFFFC000  }
0x36: {  	[tilespmem:s14], [sflag:$0x4] =	stream.linear.gather [hbm4b:s10+s24], $0x1400, $0x38;
	[tilespmem:$0x1E400] =	vst v63  }
0x37: {  	_ =	swait.ge [sflag:s15], $0x1400  }
0x38: {  	[sflag:s15] =	ssyncset.done $0x0  }
0x39: {  	s22 =	simm.s32 $0x15000;
	s23 =	simm.s32 $0x1;
	[sflag:s15] =	ssyncadd.s32 $0xFFFFEC00  }
0x3a: {  	[tilespmem:s22], [sflag:$0x4] =	stream.linear.gather [hbm4b:s11+s24], $0x1400, $0x38;
	[tilespmem:$0x1E400] =	vst v63  }
0x3b: {  	s25 =	smin.u32 s23, $0x27;
	s26 =	sand.u32 $0x1, s23;
	_ =	swait.ge [sflag:s15], $0x1400  }
0x3c: {  	s28 =	sshll.u32 s26, $0xE;
	s25 =	sshll.u32 s25, $0x7;
	[sflag:s15] =	ssyncset.done $0x0  }
0x3d: {  	s26 =	sadd.s32 $0x1, s26;
	s24 =	sand.u32 $0x1, s24;
	[sflag:s15] =	ssyncadd.s32 $0xFFFFEC00  }
0x3e: {  	[tilespmem:s17], [sflag:$0x1] =	stream.indirect.gather [hbm4b:s4+s16], $0x80, s14, s16, $0xb8;
	[tilespmem:$0x1E400] =	vst v63  }
0x3f: {  	s28 =	sadd.s32 $0x16400, s28;
	s25 =	sadd.s32 $0x13C00, s25;
	s29 =	sadd.s32 $0x1, s24  }
0x40: {  	[tilespmem:s28], [sflag:s26] =	stream.indirect.gather [hbm4b:s4+s16], $0x80, s25, s16, $0xb8;
	[tilespmem:$0x1E400] =	vst v63  }
0x41: {  	_ =	swait.ge [sflag:s29], $0x4000  }
0x42: {  	s24 =	sshll.u32 s24, $0xE;
	[sflag:s29] =	ssyncset.done $0x0  }
0x43: {  	s24 =	sadd.s32 $0x16400, s24;
	[sflag:s29] =	ssyncadd.s32 $0xFFFFC000  }
0x44: {  	[spmem:s1] =	stream.indirect.scatter.add.f32 [tilespmem:s24], [sflag:$0x4], $0x80, s22, s16, $0xb8;
	[tilespmem:$0x1E400] =	vst v63  }
0x45: {  	_ =	swait.ge [sflag:s15], $0x4000  }
.LBB2_4:
0x46: {  	s24 =	sand.u32 $0x1, s23;
	s25 =	smov.u32 s23  }
0x47: {  	[sflag:s15] =	ssyncset.done $0x0;
	p0 =	sne.s32 s23, $0x27;
	s25 =	sadd.s32 $0x1, s23  }
0x48: {  	s26 =	smin.u32 s25, $0x27;
	s28 =	sand.u32 $0x1, s25;
	[sflag:s15] =	ssyncadd.s32 $0xFFFFC000  }
0x49: {  	s29 =	sshll.u32 s28, $0xE;
	s26 =	sshll.u32 s26, $0x7;
	s28 =	sadd.s32 $0x1, s28  }
0x4a: {  	s30 =	sadd.s32 $0x1, s24;
	s29 =	sadd.s32 $0x16400, s29;
	s26 =	sadd.s32 $0x13C00, s26  }
0x4b: {  	[tilespmem:s29], [sflag:s28] =	stream.indirect.gather [hbm4b:s4+s16], $0x80, s26, s16, $0xb8;
	[tilespmem:$0x1E400] =	vst v63  }
.Ltmp1:
0x4c: {  	s24 =	sshll.u32 s24, $0xE;
	_ =	swait.ge [sflag:s30], $0x4000;
	(pc) =	sbr.rel @p0 .LBB2_4-.Ltmp1, $4  }
0x4d: {  	[sflag:s30] =	ssyncset.done $0x0  }
0x4e: {  	s22 =	sadd.s32 $0x80, s22;
	s23 =	sadd.s32 $0x16400, s24;
	[sflag:s30] =	ssyncadd.s32 $0xFFFFC000  }
0x4f: {  	[spmem:s1] =	stream.indirect.scatter.add.f32 [tilespmem:s23], [sflag:$0x4], $0x80, s22, s16, $0xb8;
	[tilespmem:$0x1E400] =	vst v63  }
0x50: {  	s23 =	smov.u32 s25;
	_ =	swait.ge [sflag:s15], $0x4000  }
0x51: {  	[sflag:s15] =	ssyncset.done $0x0  }
0x52: {  	[sflag:s15] =	ssyncadd.s32 $0xFFFFC000  }
0x53: {  	_ =	swait.ge [sflag:s19], $0x4000  }
0x54: {  	s21 =	sadd.s32 $0x1, s21;
	[sflag:s19] =	ssyncset.done $0x0  }
0x55: {  	p0 =	sne.s32 s21, s12;
	[sflag:s19] =	ssyncadd.s32 $0xFFFFC000  }
.Ltmp2:
0x56: {  	s22 =	sor.u32 $0x1C04, s5;
	[bflag:$0x0] =	sbarrier.arrive $0xFFFF;
	(pc) =	sbr.rel @p0 .LBB2_1-.Ltmp2, $4  }
0x57: {  	[hbm:s20], [sflag:s22] =	dma.local [spmem:s13], $0x2780  }
0x58: {  	_ =	swait.ge [sflag:s15], $0x2780  }
0x59: {  	[sflag:s15] =	ssyncset.done $0x0  }
0x5a: {  	[sflag:s15] =	ssyncadd.s32 $0xFFFFD880  }
0x5b: {  	_ =	sfence.sel $0x180000  }
0x5c: {  	[bflag:$0x0] =	sbarrier.arrive $0xFFFF  }
0x5d: {  	p0 =	sne.s32 s3, $0x0;
	_ =	strace $0x90000050  }
0x5e: {  	s0 =	sadd.s32 @!p0 $0x100000, s0;
	[bflag:$0x2] =	sbarrier.arrive $0xFFFF  }
0x5f: {  	[sflag:s0] =	ssyncadd.tile.s32 @!p0 $0x1;
	_ =	shalt  }
.Lfunc_end2:
_tile_overlayer_lowered:
.L_overlay_start_2:
0x60: {  	(tag) =	ssettag $0x2  }
0x61: {  	s0 =	rddreg [dreg:$0x0];
	s2 =	stileid.u32  }
0x62: {  	s1 =	rddreg [dreg:$0x1];
	p0 =	sne.s32 s2, $0x0  }
0x63: {  	s3 =	rddreg [dreg:$0x2];
	[bflag:$0x3] =	sbarrier.arrive $0xFFFF;
	s2 =	simm.s32 @!p0 $0x1C04  }
0x64: {  	[timem:s3], [sflag:s2] =	dma.local @!p0 [hbm:s0], s1  }
0x65: {  	s0 =	simm.s32 @!p0 $0x4  }
0x66: {  	_ =	swait.ge @!p0 [sflag:s0], s1  }
0x67: {  	s1 =	ssub.s32 @!p0 $0x0, s1;
	[sflag:s0] =	ssyncset.done @!p0 $0x0  }
0x68: {  	[sflag:s0] =	ssyncadd.s32 @!p0 s1  }
0x69: {  	[bflag:$0x3] =	sbarrier.arrive $0xFFFF  }
0x6a: {  	_ =	shalt  }

</sc_bundles>
